<compile_context>
chip_gen: v7x
topology: tpu7x:2x2x1
jax: 0.10.2.dev20260603
libtpu: 0.0.44.dev20260713+nightly
codegen_flags: <defaults>
</compile_context>

<pallas_src>
import functools

import jax
import jax.numpy as jnp
from jax import lax
from jax.experimental import pallas as pl
from jax.experimental.pallas import tpu as pltpu
from jax.experimental.pallas import tpu_sc as plsc

N = 10000
E = 320000
D = 128
G = 128

NPAD = 10240
EPAD = 327680
ER = EPAD // 128
TILES = 16
ER_T = ER // TILES
NR_T = NPAD // TILES

_MESH = plsc.VectorSubcoreMesh(core_axis_name="c", subcore_axis_name="s")


@functools.partial(
    pl.kernel,
    out_type=jax.ShapeDtypeStruct((4 * NPAD,), jnp.float32),
    mesh=_MESH,
    scratch_types=[
        pltpu.VMEM((ER_T, 128), jnp.int32),
        pltpu.VMEM((ER_T, 128), jnp.int32),
        pltpu.VMEM((ER_T, 128), jnp.float32),
        pltpu.VMEM((NR_T,), jnp.float32),
        pltpu.VMEM_SHARED((NPAD,), jnp.float32),
        pltpu.VMEM_SHARED((NPAD,), jnp.float32),
        pltpu.SemaphoreType.DMA,
        pltpu.SemaphoreType.DMA,
    ],
)
def _deg_kernel(src_hbm, dst_hbm, vals_hbm, deg_out,
                src_v, dst_v, vals_v, buf_v, hist_s, hist_d, sem_s, sem_d):
    c = lax.axis_index("c")
    s = lax.axis_index("s")

    def zero16(i, _):
        buf_v[pl.ds(i * 16, 16)] = jnp.zeros((16,), jnp.float32)
        return _

    lax.fori_loop(0, NR_T // 16, zero16, None)
    pltpu.sync_copy(buf_v, hist_s.at[pl.ds(s * NR_T, NR_T)])
    pltpu.sync_copy(buf_v, hist_d.at[pl.ds(s * NR_T, NR_T)])
    l1 = pltpu.async_copy(src_hbm.at[pl.ds(s * ER_T, ER_T)], src_v, sem_s)
    l2 = pltpu.async_copy(dst_hbm.at[pl.ds(s * ER_T, ER_T)], dst_v, sem_d)
    pltpu.sync_copy(vals_hbm.at[pl.ds((c * TILES + s) * ER_T, ER_T)], vals_v)
    l1.wait()
    l2.wait()
    plsc.subcore_barrier()

    def scat_grp(t, _):
        for u in range(16):
            j = t * 16 + u
            pltpu.async_copy(vals_v.at[j], hist_s.at[src_v.at[j]],
                             sem_s, add=True)
            pltpu.async_copy(vals_v.at[j], hist_d.at[dst_v.at[j]],
                             sem_d, add=True)
        pltpu.make_async_copy(
            src_hbm.at[pl.ds(0, 16)], src_v.at[pl.ds(0, 16)], sem_s).wait()
        pltpu.make_async_copy(
            dst_hbm.at[pl.ds(0, 16)], dst_v.at[pl.ds(0, 16)], sem_d).wait()
        return _

    lax.fori_loop(0, ER_T // 16, scat_grp, None)
    plsc.subcore_barrier()
    pltpu.sync_copy(hist_s.at[pl.ds(s * NR_T, NR_T)], buf_v)
    pltpu.sync_copy(buf_v, deg_out.at[pl.ds((2 * c) * NPAD + s * NR_T, NR_T)])
    pltpu.sync_copy(hist_d.at[pl.ds(s * NR_T, NR_T)], buf_v)
    pltpu.sync_copy(buf_v, deg_out.at[pl.ds((2 * c + 1) * NPAD + s * NR_T, NR_T)])


_CH = 64
_NBUF = 4
_CH_T = EPAD // TILES // _CH
_GRP = _CH_T // _NBUF
_IDXROWS = 32


@functools.partial(
    pl.kernel,
    out_type=jax.ShapeDtypeStruct((2 * NPAD, D), jnp.float32),
    mesh=_MESH,
    scratch_types=[
        pltpu.VMEM((_IDXROWS, _CH), jnp.int32),
        pltpu.VMEM((_IDXROWS, _CH), jnp.int32),
        pltpu.VMEM((_CH, D), jnp.float32),
        pltpu.VMEM((_CH, D), jnp.float32),
        pltpu.VMEM((_CH, D), jnp.float32),
        pltpu.VMEM((_CH, D), jnp.float32),
        pltpu.VMEM_SHARED((NPAD, D), jnp.float32),
        pltpu.SemaphoreType.DMA,
        pltpu.SemaphoreType.DMA,
        pltpu.SemaphoreType.DMA,
        pltpu.SemaphoreType.DMA,
        pltpu.SemaphoreType.DMA,
    ],
)
def _agg_kernel(xs1_hbm, xs2_hbm, src1_hbm, src2_hbm, dst_hbm, zblk_hbm,
                agg_out, src_v, dst_v, rows0, rows1, rows2, rows3, acc,
                sem0, sem1, sem2, sem3, sem_i):
    c = lax.axis_index("c")
    s = lax.axis_index("s")
    rows = (rows0, rows1, rows2, rows3)
    sems = (sem0, sem1, sem2, sem3)

    pltpu.sync_copy(zblk_hbm, rows0)

    def zero_acc(k, _):
        pltpu.sync_copy(rows0, acc.at[pl.ds(s * NR_T + k * _CH, _CH)])
        return _

    lax.fori_loop(0, NR_T // _CH, zero_acc, None)
    plsc.subcore_barrier()

    def run(table_hbm, srcidx_hbm):
        def group(gk, _):
            @pl.when(gk % (_IDXROWS // _NBUF) == 0)
            def _():
                t = gk // (_IDXROWS // _NBUF)
                l1 = pltpu.async_copy(
                    srcidx_hbm.at[pl.ds(s * _CH_T + t * _IDXROWS, _IDXROWS)],
                    src_v, sem_i)
                l2 = pltpu.async_copy(
                    dst_hbm.at[pl.ds(s * _CH_T + t * _IDXROWS, _IDXROWS)],
                    dst_v, sem_i)
                l1.wait()
                l2.wait()

            base = (gk % (_IDXROWS // _NBUF)) * _NBUF
            gathers = []
            for b in range(_NBUF):
                @pl.when(gk > 0)
                def _(b=b):
                    pltpu.make_async_copy(zblk_hbm, rows[b], sems[b]).wait()

                gathers.append(pltpu.async_copy(
                    table_hbm.at[src_v.at[base + b]], rows[b], sems[b]))
            for b in range(_NBUF):
                gathers[b].wait()
                pltpu.async_copy(
                    rows[b], acc.at[dst_v.at[base + b]], sems[b], add=True)
            return _

        lax.fori_loop(0, _GRP, group, None)
        for b in range(_NBUF):
            pltpu.make_async_copy(zblk_hbm, rows[b], sems[b]).wait()

    @pl.when(c == 0)
    def _():
        run(xs1_hbm, src1_hbm)

    @pl.when(c == 1)
    def _():
        run(xs2_hbm, src2_hbm)

    plsc.subcore_barrier()

    def copy_out(k, _):
        base = s * NR_T + k * _CH
        pltpu.sync_copy(acc.at[pl.ds(base, _CH)], rows0)
        pltpu.sync_copy(rows0, agg_out.at[pl.ds(c * NPAD + base, _CH)])
        return _

    lax.fori_loop(0, NR_T // _CH, copy_out, None)


_PREP_STEPS = 10
_RB = NPAD // _PREP_STEPS
_EB = ER // _PREP_STEPS


def _prep_body(xpad_ref, degt_ref, fm_ref, batch_ref, src_ref, ew_ref,
               xs1_ref, xs2_ref, src2_ref, x1_ref, m2_ref, m1_ref):
    i = pl.program_id(0)
    xb = xpad_ref[...]
    inv1 = lax.rsqrt(jnp.maximum(degt_ref[:, 0:1], 1.0))
    inv2 = lax.rsqrt(jnp.maximum(degt_ref[:, 2:3], 1.0))
    xs1_ref[...] = xb * inv1
    xs2_ref[...] = xb * inv2
    x1_ref[...] = xb * fm_ref[...]
    zrow = N + lax.broadcasted_iota(jnp.int32, (_EB, 128), 1)
    src2_ref[...] = jnp.where(ew_ref[...] > 0.0, src_ref[...], zrow)
    gids = lax.broadcasted_iota(jnp.int32, (G, _RB), 0)
    oh = (gids == batch_ref[...]).astype(jnp.float32)

    @pl.when(i == 0)
    def _():
        m2_ref[...] = jnp.zeros((G, D), jnp.float32)

    m2_ref[...] += jnp.dot(oh, xb, preferred_element_type=jnp.float32)

    @pl.when(i == _PREP_STEPS - 1)
    def _():
        m1_ref[...] = m2_ref[...] * fm_ref[...]


def _prep_call(xpad, degt, fm, batchpad, src_pad, ew_pad):
    return pl.pallas_call(
        _prep_body,
        grid=(_PREP_STEPS,),
        in_specs=[
            pl.BlockSpec((_RB, D), lambda i: (i, 0)),
            pl.BlockSpec((_RB, 4), lambda i: (i, 0)),
            pl.BlockSpec((1, D), lambda i: (0, 0)),
            pl.BlockSpec((1, _RB), lambda i: (0, i)),
            pl.BlockSpec((_EB, 128), lambda i: (i, 0)),
            pl.BlockSpec((_EB, 128), lambda i: (i, 0)),
        ],
        out_specs=[
            pl.BlockSpec((_RB, D), lambda i: (i, 0)),
            pl.BlockSpec((_RB, D), lambda i: (i, 0)),
            pl.BlockSpec((_EB, 128), lambda i: (i, 0)),
            pl.BlockSpec((_RB, D), lambda i: (i, 0)),
            pl.BlockSpec((G, D), lambda i: (0, 0)),
            pl.BlockSpec((G, D), lambda i: (0, 0)),
        ],
        out_shape=[
            jax.ShapeDtypeStruct((NPAD, D), jnp.float32),
            jax.ShapeDtypeStruct((NPAD, D), jnp.float32),
            jax.ShapeDtypeStruct((ER, 128), jnp.int32),
            jax.ShapeDtypeStruct((NPAD, D), jnp.float32),
            jax.ShapeDtypeStruct((G, D), jnp.float32),
            jax.ShapeDtypeStruct((G, D), jnp.float32),
        ],
    )(xpad, degt, fm, batchpad, src_pad, ew_pad)


def _post_body(agg1_ref, agg2_ref, degt_ref, fm_ref, w_ref, b_ref, batch_ref,
               z_ref, z1_ref, z2_ref, g_ref, g1_ref, g2_ref):
    i = pl.program_id(0)
    invd1 = lax.rsqrt(jnp.maximum(degt_ref[:, 1:2], 1.0))
    invd2 = lax.rsqrt(jnp.maximum(degt_ref[:, 3:4], 1.0))
    a1 = agg1_ref[...] * invd1
    a2 = agg2_ref[...] * invd2
    w = w_ref[...]
    b = b_ref[...]
    z = jnp.maximum(jnp.dot(a1, w, preferred_element_type=jnp.float32) + b, 0.0)
    z1 = jnp.maximum(
        jnp.dot(a1 * fm_ref[...], w, preferred_element_type=jnp.float32) + b, 0.0)
    z2 = jnp.maximum(jnp.dot(a2, w, preferred_element_type=jnp.float32) + b, 0.0)
    z_ref[...] = z
    z1_ref[...] = z1
    z2_ref[...] = z2
    gids = lax.broadcasted_iota(jnp.int32, (G, _RB), 0)
    oh = (gids == batch_ref[...]).astype(jnp.float32)

    @pl.when(i == 0)
    def _():
        g_ref[...] = jnp.zeros((G, D), jnp.float32)
        g1_ref[...] = jnp.zeros((G, D), jnp.float32)
        g2_ref[...] = jnp.zeros((G, D), jnp.float32)

    g_ref[...] += jnp.dot(oh, z, preferred_element_type=jnp.float32)
    g1_ref[...] += jnp.dot(oh, z1, preferred_element_type=jnp.float32)
    g2_ref[...] += jnp.dot(oh, z2, preferred_element_type=jnp.float32)


def _post_call(aggs, degt, fm, w, b2, batchpad):
    return pl.pallas_call(
        _post_body,
        grid=(_PREP_STEPS,),
        in_specs=[
            pl.BlockSpec((_RB, D), lambda i: (i, 0)),
            pl.BlockSpec((_RB, D), lambda i: (i + _PREP_STEPS, 0)),
            pl.BlockSpec((_RB, 4), lambda i: (i, 0)),
            pl.BlockSpec((1, D), lambda i: (0, 0)),
            pl.BlockSpec((D, D), lambda i: (0, 0)),
            pl.BlockSpec((1, D), lambda i: (0, 0)),
            pl.BlockSpec((1, _RB), lambda i: (0, i)),
        ],
        out_specs=[
            pl.BlockSpec((_RB, D), lambda i: (i, 0)),
            pl.BlockSpec((_RB, D), lambda i: (i, 0)),
            pl.BlockSpec((_RB, D), lambda i: (i, 0)),
            pl.BlockSpec((G, D), lambda i: (0, 0)),
            pl.BlockSpec((G, D), lambda i: (0, 0)),
            pl.BlockSpec((G, D), lambda i: (0, 0)),
        ],
        out_shape=[
            jax.ShapeDtypeStruct((NPAD, D), jnp.float32),
            jax.ShapeDtypeStruct((NPAD, D), jnp.float32),
            jax.ShapeDtypeStruct((NPAD, D), jnp.float32),
            jax.ShapeDtypeStruct((G, D), jnp.float32),
            jax.ShapeDtypeStruct((G, D), jnp.float32),
            jax.ShapeDtypeStruct((G, D), jnp.float32),
        ],
    )(aggs, aggs, degt, fm, w, b2, batchpad)


def kernel(x, edge_index, batch, feat_mask, edge_mask, W, b):
    f32 = jnp.float32
    src = edge_index[0]
    dst = edge_index[1]
    npad_e = EPAD - E
    pad_iota = jax.lax.iota(jnp.int32, npad_e)
    src_pad = jnp.concatenate(
        [src, N + pad_iota % 128]).reshape(ER, 128)
    dst_pad = jnp.concatenate(
        [dst, pad_iota % N]).reshape(ER, 128)
    ones_pad = jnp.concatenate(
        [jnp.ones((E,), f32), jnp.zeros((npad_e,), f32)]).reshape(ER, 128)
    ew_pad = jnp.concatenate(
        [edge_mask.astype(f32), jnp.zeros((npad_e,), f32)]).reshape(ER, 128)
    vals = jnp.concatenate([ones_pad, ew_pad], axis=0)

    deg = _deg_kernel(src_pad, dst_pad, vals)
    degt = deg.reshape(4, NPAD).T

    xpad = jnp.pad(x, ((0, NPAD - N), (0, 0)))
    batchpad = jnp.pad(batch, (0, NPAD - N), constant_values=G).reshape(1, NPAD)
    fm = feat_mask.astype(f32)

    xs1, xs2, src2_pad, x1pad, m2, m1 = _prep_call(
        xpad, degt, fm, batchpad, src_pad, ew_pad)

    zblk = jnp.zeros((_CH, D), f32)
    aggs = _agg_kernel(xs1, xs2, src_pad.reshape(EPAD // _CH, _CH),
                       src2_pad.reshape(EPAD // _CH, _CH),
                       dst_pad.reshape(EPAD // _CH, _CH), zblk)

    b2 = b.astype(f32).reshape(1, D)
    zpad, z1pad, z2pad, g, g1, g2 = _post_call(
        aggs, degt, fm, W.astype(f32), b2, batchpad)

    return (zpad[:N], g, x1pad[:N], x, g1, g2, m1, m2)

# --- scband reference (transcript-rebuilt; emitter-appended) ---
"""Pipeline reference for scband-encoder-20624432955893 (READ-ONLY COPY).

The authoritative reference and input builder live on the scoring server;
editing this copy changes nothing except your own understanding.
"""

import jax, jax.numpy as jnp
import numpy as np

N = 10000
E = 320000
D = 128
G = 128
FEAT_DROP = 0.2
EDGE_DROP = 0.2


def setup_inputs(seed: int = 0) -> dict:
    key = jax.random.key(seed)
    k1, k2, k3, k4, k5, k6 = jax.random.split(key, 6)
    x = jax.random.normal(k1, (N, D), dtype=jnp.float32)
    edge_index = jax.random.randint(k2, (2, E), 0, N, dtype=jnp.int32)
    batch = jnp.sort(jax.random.randint(k3, (N,), 0, G, dtype=jnp.int32))
    # aug1: feature-dimension dropping mask (GRACE-style), fixed for determinism
    feat_mask = (jax.random.uniform(k4, (1, D)) > FEAT_DROP).astype(jnp.float32)
    # aug2: edge dropping expressed as a static-shape 0/1 edge weight mask
    edge_mask = (jax.random.uniform(k5, (E,)) > EDGE_DROP).astype(jnp.float32)
    # single-layer GCN encoder parameters
    W = jax.random.normal(k6, (D, D), dtype=jnp.float32) * (1.0 / np.sqrt(D))
    b = jnp.zeros((D,), dtype=jnp.float32)
    return {"x": x, "edge_index": edge_index, "batch": batch,
            "feat_mask": feat_mask, "edge_mask": edge_mask, "W": W, "b": b}


def _gcn_encoder(x, edge_index, edge_weight, W, b, batch):
    src = edge_index[0]
    dst = edge_index[1]
    deg_dst = jax.ops.segment_sum(edge_weight, dst, num_segments=N)
    deg_src = jax.ops.segment_sum(edge_weight, src, num_segments=N)
    inv_sqrt_src = jax.lax.rsqrt(jnp.maximum(deg_src, 1.0))
    inv_sqrt_dst = jax.lax.rsqrt(jnp.maximum(deg_dst, 1.0))
    norm = inv_sqrt_src[src] * inv_sqrt_dst[dst] * edge_weight
    msg = x[src] * norm[:, None]
    agg = jax.ops.segment_sum(msg, dst, num_segments=N)
    z = jax.nn.relu(agg @ W + b)
    g = jax.ops.segment_sum(z, batch, num_segments=G)
    return z, g


def reference(x, edge_index, batch, feat_mask, edge_mask, W, b):
    ones_w = jnp.ones((E,), dtype=x.dtype)
    # aug1: feature masking, edges unchanged (edge_weight1 = ones)
    x1 = x * feat_mask
    ew1 = ones_w
    # aug2: edge dropping via 0/1 edge weights, features unchanged
    x2 = x
    ew2 = edge_mask
    z, g = _gcn_encoder(x, edge_index, ones_w, W, b, batch)
    z1, g1 = _gcn_encoder(x1, edge_index, ew1, W, b, batch)
    z2, g2 = _gcn_encoder(x2, edge_index, ew2, W, b, batch)
    m1 = jax.ops.segment_sum(x1, batch, num_segments=G)
    m2 = jax.ops.segment_sum(x2, batch, num_segments=G)
    return (z, g, x1, x2, g1, g2, m1, m2)

if __name__ == "__main__":
    import jax
    _d = setup_inputs()
    print(jax.jit(kernel)(*tuple(_d.values())))

</pallas_src>

<mosaic_0001>
#map = affine_map<(d0, d1) -> (0, 0)>
#map1 = affine_map<(d0, d1) -> (0)>
module attributes {stable_mosaic.version = 14 : i64} {
  func.func @_deg_kernel(%arg0: i32, %arg1: i32, %arg2: memref<2560x128xi32, #tpu.memory_space<hbm>>, %arg3: memref<2560x128xi32, #tpu.memory_space<hbm>>, %arg4: memref<5120x128xf32, #tpu.memory_space<hbm>>, %arg5: memref<40960xf32, #tpu.memory_space<hbm>>, %arg6: memref<160x128xi32, #tpu.memory_space<vmem>>, %arg7: memref<160x128xi32, #tpu.memory_space<vmem>>, %arg8: memref<160x128xf32, #tpu.memory_space<vmem>>, %arg9: memref<640xf32, #tpu.memory_space<vmem>>, %arg10: memref<10240xf32, #tpu.memory_space<vmem_shared>>, %arg11: memref<10240xf32, #tpu.memory_space<vmem_shared>>, %arg12: memref<!tpu.dma_semaphore, #tpu.memory_space<semaphore_mem>>, %arg13: memref<!tpu.dma_semaphore, #tpu.memory_space<semaphore_mem>>) attributes {dimension_semantics = [#tpu.dimension_semantics<core_parallel>, #tpu.dimension_semantics<subcore_parallel>], iteration_bounds = array<i64: 2, 16>, scalar_prefetch = 0 : i64, scratch_operands = 8 : i64, tpu.core_type = #tpu.core_type<sc_vector_subcore>, window_params = [{transform_indices = #map}, {transform_indices = #map}, {transform_indices = #map}, {transform_indices = #map1}]} {
    %scan3A = arith.constant 0 : i32
    %scan3A_0 = arith.constant 40 : i32
    %scan3A_1 = arith.addi %scan3A, %scan3A_0 : i32
    %scan3A_2 = arith.constant 1 : i32
    scf.for %scan3A_55 = %scan3A to %scan3A_1 step %scan3A_2  : i32 {
      %broadcast_in_dim3A = arith.constant 0.000000e+00 : f32
      %broadcast_in_dim3A_56 = vector.broadcast %broadcast_in_dim3A : f32 to vector<16xf32>
      %mul3A_57 = arith.constant 16 : i32
      %mul3A_58 = arith.muli %scan3A_55, %mul3A_57 : i32
      %swap3A = arith.index_cast %mul3A_58 : i32 to index
      %swap3A_59 = tpu.vector_load %arg9[%swap3A] {strides = array<i32>} : memref<640xf32, #tpu.memory_space<vmem>>, vector<16xf32>,
      %swap3A_60 = vector.shape_cast %swap3A_59 : vector<16xf32> to vector<16xf32>
      %swap3A_61 = vector.shape_cast %broadcast_in_dim3A_56 : vector<16xf32> to vector<16xf32>
      tpu.vector_store %arg9[%swap3A], %swap3A_61 {strides = array<i32>} : memref<640xf32, #tpu.memory_space<vmem>>, vector<16xf32>,
    }
    %scan3A_3 = arith.constant 40 : i32
    %mul3A = arith.constant 640 : i32
    %mul3A_4 = arith.muli %arg1, %mul3A : i32
    "tpu.region"() ({
      %run_scoped3A = tpu.sem_alloc : memref<!tpu.dma_semaphore, #tpu.memory_space<semaphore_mem>>
      %dma_start3A_55 = tpu.memref_slice %arg10[%mul3A_4] : memref<10240xf32, #tpu.memory_space<vmem_shared>> -> memref<640xf32, #tpu.memory_space<vmem_shared>>
      %dma_start3A_56 = tpu.memref_slice %arg10[%mul3A_4] : memref<10240xf32, #tpu.memory_space<vmem_shared>> -> memref<640xf32, #tpu.memory_space<vmem_shared>>
      tpu.enqueue_dma source(%arg9 : memref<640xf32, #tpu.memory_space<vmem>>) target(%dma_start3A_56 : memref<640xf32, #tpu.memory_space<vmem_shared>>) target_semaphore(%run_scoped3A : memref<!tpu.dma_semaphore, #tpu.memory_space<semaphore_mem>>)
      %dma_wait3A_57 = tpu.memref_slice %arg10[%mul3A_4] : memref<10240xf32, #tpu.memory_space<vmem_shared>> -> memref<640xf32, #tpu.memory_space<vmem_shared>>
      %dma_wait3A_58 = tpu.memref_slice %arg10[%mul3A_4] : memref<10240xf32, #tpu.memory_space<vmem_shared>> -> memref<640xf32, #tpu.memory_space<vmem_shared>>
      tpu.wait_dma2 semaphore(%run_scoped3A : memref<!tpu.dma_semaphore, #tpu.memory_space<semaphore_mem>>) src(%arg9 : memref<640xf32, #tpu.memory_space<vmem>>) dst(%dma_wait3A_58 : memref<640xf32, #tpu.memory_space<vmem_shared>>)
      tpu.yield
    }) : () -> ()
    %mul3A_5 = arith.constant 640 : i32
    %mul3A_6 = arith.muli %arg1, %mul3A_5 : i32
    "tpu.region"() ({
      %run_scoped3A = tpu.sem_alloc : memref<!tpu.dma_semaphore, #tpu.memory_space<semaphore_mem>>
      %dma_start3A_55 = tpu.memref_slice %arg11[%mul3A_6] : memref<10240xf32, #tpu.memory_space<vmem_shared>> -> memref<640xf32, #tpu.memory_space<vmem_shared>>
      %dma_start3A_56 = tpu.memref_slice %arg11[%mul3A_6] : memref<10240xf32, #tpu.memory_space<vmem_shared>> -> memref<640xf32, #tpu.memory_space<vmem_shared>>
      tpu.enqueue_dma source(%arg9 : memref<640xf32, #tpu.memory_space<vmem>>) target(%dma_start3A_56 : memref<640xf32, #tpu.memory_space<vmem_shared>>) target_semaphore(%run_scoped3A : memref<!tpu.dma_semaphore, #tpu.memory_space<semaphore_mem>>)
      %dma_wait3A_57 = tpu.memref_slice %arg11[%mul3A_6] : memref<10240xf32, #tpu.memory_space<vmem_shared>> -> memref<640xf32, #tpu.memory_space<vmem_shared>>
      %dma_wait3A_58 = tpu.memref_slice %arg11[%mul3A_6] : memref<10240xf32, #tpu.memory_space<vmem_shared>> -> memref<640xf32, #tpu.memory_space<vmem_shared>>
      tpu.wait_dma2 semaphore(%run_scoped3A : memref<!tpu.dma_semaphore, #tpu.memory_space<semaphore_mem>>) src(%arg9 : memref<640xf32, #tpu.memory_space<vmem>>) dst(%dma_wait3A_58 : memref<640xf32, #tpu.memory_space<vmem_shared>>)
      tpu.yield
    }) : () -> ()
    %mul3A_7 = arith.constant 160 : i32
    %mul3A_8 = arith.muli %arg1, %mul3A_7 : i32
    %dma_start3A = arith.constant 0 : i32
    %dma_start3A_9 = tpu.memref_slice %arg2[%mul3A_8, %dma_start3A] : memref<2560x128xi32, #tpu.memory_space<hbm>> -> memref<160x128xi32, #tpu.memory_space<hbm>>
    %dma_start3A_10 = arith.constant 0 : i32
    %dma_start3A_11 = tpu.memref_slice %arg2[%mul3A_8, %dma_start3A_10] : memref<2560x128xi32, #tpu.memory_space<hbm>> -> memref<160x128xi32, #tpu.memory_space<hbm>>
    tpu.enqueue_dma source(%dma_start3A_11 : memref<160x128xi32, #tpu.memory_space<hbm>>) target(%arg6 : memref<160x128xi32, #tpu.memory_space<vmem>>) target_semaphore(%arg12 : memref<!tpu.dma_semaphore, #tpu.memory_space<semaphore_mem>>)
    %mul3A_12 = arith.constant 160 : i32
    %mul3A_13 = arith.muli %arg1, %mul3A_12 : i32
    %dma_start3A_14 = arith.constant 0 : i32
    %dma_start3A_15 = tpu.memref_slice %arg3[%mul3A_13, %dma_start3A_14] : memref<2560x128xi32, #tpu.memory_space<hbm>> -> memref<160x128xi32, #tpu.memory_space<hbm>>
    %dma_start3A_16 = arith.constant 0 : i32
    %dma_start3A_17 = tpu.memref_slice %arg3[%mul3A_13, %dma_start3A_16] : memref<2560x128xi32, #tpu.memory_space<hbm>> -> memref<160x128xi32, #tpu.memory_space<hbm>>
    tpu.enqueue_dma source(%dma_start3A_17 : memref<160x128xi32, #tpu.memory_space<hbm>>) target(%arg7 : memref<160x128xi32, #tpu.memory_space<vmem>>) target_semaphore(%arg13 : memref<!tpu.dma_semaphore, #tpu.memory_space<semaphore_mem>>)
    %mul3A_18 = arith.constant 16 : i32
    %mul3A_19 = arith.muli %arg0, %mul3A_18 : i32
    %add3A = arith.addi %mul3A_19, %arg1 : i32
    %mul3A_20 = arith.constant 160 : i32
    %mul3A_21 = arith.muli %add3A, %mul3A_20 : i32
    "tpu.region"() ({
      %run_scoped3A = tpu.sem_alloc : memref<!tpu.dma_semaphore, #tpu.memory_space<semaphore_mem>>
      %dma_start3A_55 = arith.constant 0 : i32
      %dma_start3A_56 = tpu.memref_slice %arg4[%mul3A_21, %dma_start3A_55] : memref<5120x128xf32, #tpu.memory_space<hbm>> -> memref<160x128xf32, #tpu.memory_space<hbm>>
      %dma_start3A_57 = arith.constant 0 : i32
      %dma_start3A_58 = tpu.memref_slice %arg4[%mul3A_21, %dma_start3A_57] : memref<5120x128xf32, #tpu.memory_space<hbm>> -> memref<160x128xf32, #tpu.memory_space<hbm>>
      tpu.enqueue_dma source(%dma_start3A_58 : memref<160x128xf32, #tpu.memory_space<hbm>>) target(%arg8 : memref<160x128xf32, #tpu.memory_space<vmem>>) target_semaphore(%run_scoped3A : memref<!tpu.dma_semaphore, #tpu.memory_space<semaphore_mem>>)
      %dma_wait3A_59 = arith.constant 0 : i32
      %dma_wait3A_60 = tpu.memref_slice %arg4[%mul3A_21, %dma_wait3A_59] : memref<5120x128xf32, #tpu.memory_space<hbm>> -> memref<160x128xf32, #tpu.memory_space<hbm>>
      %dma_wait3A_61 = arith.constant 0 : i32
      %dma_wait3A_62 = tpu.memref_slice %arg4[%mul3A_21, %dma_wait3A_61] : memref<5120x128xf32, #tpu.memory_space<hbm>> -> memref<160x128xf32, #tpu.memory_space<hbm>>
      tpu.wait_dma2 semaphore(%run_scoped3A : memref<!tpu.dma_semaphore, #tpu.memory_space<semaphore_mem>>) src(%dma_wait3A_62 : memref<160x128xf32, #tpu.memory_space<hbm>>) dst(%arg8 : memref<160x128xf32, #tpu.memory_space<vmem>>)
      tpu.yield
    }) : () -> ()
    %dma_wait3A = arith.constant 0 : i32
    %dma_wait3A_22 = tpu.memref_slice %arg2[%mul3A_8, %dma_wait3A] : memref<2560x128xi32, #tpu.memory_space<hbm>> -> memref<160x128xi32, #tpu.memory_space<hbm>>
    %dma_wait3A_23 = arith.constant 0 : i32
    %dma_wait3A_24 = tpu.memref_slice %arg2[%mul3A_8, %dma_wait3A_23] : memref<2560x128xi32, #tpu.memory_space<hbm>> -> memref<160x128xi32, #tpu.memory_space<hbm>>
    tpu.wait_dma2 semaphore(%arg12 : memref<!tpu.dma_semaphore, #tpu.memory_space<semaphore_mem>>) src(%dma_wait3A_24 : memref<160x128xi32, #tpu.memory_space<hbm>>) dst(%arg6 : memref<160x128xi32, #tpu.memory_space<vmem>>)
    %dma_wait3A_25 = arith.constant 0 : i32
    %dma_wait3A_26 = tpu.memref_slice %arg3[%mul3A_13, %dma_wait3A_25] : memref<2560x128xi32, #tpu.memory_space<hbm>> -> memref<160x128xi32, #tpu.memory_space<hbm>>
    %dma_wait3A_27 = arith.constant 0 : i32
    %dma_wait3A_28 = tpu.memref_slice %arg3[%mul3A_13, %dma_wait3A_27] : memref<2560x128xi32, #tpu.memory_space<hbm>> -> memref<160x128xi32, #tpu.memory_space<hbm>>
    tpu.wait_dma2 semaphore(%arg13 : memref<!tpu.dma_semaphore, #tpu.memory_space<semaphore_mem>>) src(%dma_wait3A_28 : memref<160x128xi32, #tpu.memory_space<hbm>>) dst(%arg7 : memref<160x128xi32, #tpu.memory_space<vmem>>)
    %barrier3A = arith.constant 0 : index
    tpu.barrier barrier_id(%barrier3A)
    %scan3A_29 = arith.constant 0 : i32
    %scan3A_30 = arith.constant 10 : i32
    %scan3A_31 = arith.addi %scan3A_29, %scan3A_30 : i32
    %scan3A_32 = arith.constant 1 : i32
    scf.for %scan3A_55 = %scan3A_29 to %scan3A_31 step %scan3A_32  : i32 {
      %mul3A_56 = arith.constant 16 : i32
      %mul3A_57 = arith.muli %scan3A_55, %mul3A_56 : i32
      %add3A_58 = arith.constant 0 : i32
      %add3A_59 = arith.addi %mul3A_57, %add3A_58 : i32
      %dma_start3A_60 = arith.constant 0 : i32
      %dma_start3A_61 = tpu.memref_slice %arg8[%add3A_59, %dma_start3A_60] : memref<160x128xf32, #tpu.memory_space<vmem>> -> memref<1x128xf32, #tpu.memory_space<vmem>>
      %dma_start3A_62 = tpu.memref_squeeze %dma_start3A_61 : memref<1x128xf32, #tpu.memory_space<vmem>> -> memref<128xf32, #tpu.memory_space<vmem>>
      %dma_start3A_63 = arith.constant 0 : i32
      %dma_start3A_64 = tpu.memref_slice %arg6[%add3A_59, %dma_start3A_63] : memref<160x128xi32, #tpu.memory_space<vmem>> -> memref<1x128xi32, #tpu.memory_space<vmem>>
      %dma_start3A_65 = tpu.memref_squeeze %dma_start3A_64 : memref<1x128xi32, #tpu.memory_space<vmem>> -> memref<128xi32, #tpu.memory_space<vmem>>
      %dma_start3A_66 = arith.constant 0 : i32
      %dma_start3A_67 = tpu.memref_slice %arg10[%dma_start3A_66] : memref<10240xf32, #tpu.memory_space<vmem_shared>> -> memref<10240xf32, #tpu.memory_space<vmem_shared>>
      tpu.enqueue_indirect_dma source(%dma_start3A_62 : memref<128xf32, #tpu.memory_space<vmem>>) target(%dma_start3A_67 : memref<10240xf32, #tpu.memory_space<vmem_shared>>) offsets(%dma_start3A_65 : memref<128xi32, #tpu.memory_space<vmem>>) semaphore(%arg12 : memref<!tpu.dma_semaphore, #tpu.memory_space<semaphore_mem>>) {add = true}
      %dma_start3A_68 = arith.constant 0 : i32
      %dma_start3A_69 = tpu.memref_slice %arg8[%add3A_59, %dma_start3A_68] : memref<160x128xf32, #tpu.memory_space<vmem>> -> memref<1x128xf32, #tpu.memory_space<vmem>>
      %dma_start3A_70 = tpu.memref_squeeze %dma_start3A_69 : memref<1x128xf32, #tpu.memory_space<vmem>> -> memref<128xf32, #tpu.memory_space<vmem>>
      %dma_start3A_71 = arith.constant 0 : i32
      %dma_start3A_72 = tpu.memref_slice %arg7[%add3A_59, %dma_start3A_71] : memref<160x128xi32, #tpu.memory_space<vmem>> -> memref<1x128xi32, #tpu.memory_space<vmem>>
      %dma_start3A_73 = tpu.memref_squeeze %dma_start3A_72 : memref<1x128xi32, #tpu.memory_space<vmem>> -> memref<128xi32, #tpu.memory_space<vmem>>
      %dma_start3A_74 = arith.constant 0 : i32
      %dma_start3A_75 = tpu.memref_slice %arg11[%dma_start3A_74] : memref<10240xf32, #tpu.memory_space<vmem_shared>> -> memref<10240xf32, #tpu.memory_space<vmem_shared>>
      tpu.enqueue_indirect_dma source(%dma_start3A_70 : memref<128xf32, #tpu.memory_space<vmem>>) target(%dma_start3A_75 : memref<10240xf32, #tpu.memory_space<vmem_shared>>) offsets(%dma_start3A_73 : memref<128xi32, #tpu.memory_space<vmem>>) semaphore(%arg13 : memref<!tpu.dma_semaphore, #tpu.memory_space<semaphore_mem>>) {add = true}
      %mul3A_76 = arith.constant 16 : i32
      %mul3A_77 = arith.muli %scan3A_55, %mul3A_76 : i32
      %add3A_78 = arith.constant 1 : i32
      %add3A_79 = arith.addi %mul3A_77, %add3A_78 : i32
      %dma_start3A_80 = arith.constant 0 : i32
      %dma_start3A_81 = tpu.memref_slice %arg8[%add3A_79, %dma_start3A_80] : memref<160x128xf32, #tpu.memory_space<vmem>> -> memref<1x128xf32, #tpu.memory_space<vmem>>
      %dma_start3A_82 = tpu.memref_squeeze %dma_start3A_81 : memref<1x128xf32, #tpu.memory_space<vmem>> -> memref<128xf32, #tpu.memory_space<vmem>>
      %dma_start3A_83 = arith.constant 0 : i32
      %dma_start3A_84 = tpu.memref_slice %arg6[%add3A_79, %dma_start3A_83] : memref<160x128xi32, #tpu.memory_space<vmem>> -> memref<1x128xi32, #tpu.memory_space<vmem>>
      %dma_start3A_85 = tpu.memref_squeeze %dma_start3A_84 : memref<1x128xi32, #tpu.memory_space<vmem>> -> memref<128xi32, #tpu.memory_space<vmem>>
      %dma_start3A_86 = arith.constant 0 : i32
      %dma_start3A_87 = tpu.memref_slice %arg10[%dma_start3A_86] : memref<10240xf32, #tpu.memory_space<vmem_shared>> -> memref<10240xf32, #tpu.memory_space<vmem_shared>>
      tpu.enqueue_indirect_dma source(%dma_start3A_82 : memref<128xf32, #tpu.memory_space<vmem>>) target(%dma_start3A_87 : memref<10240xf32, #tpu.memory_space<vmem_shared>>) offsets(%dma_start3A_85 : memref<128xi32, #tpu.memory_space<vmem>>) semaphore(%arg12 : memref<!tpu.dma_semaphore, #tpu.memory_space<semaphore_mem>>) {add = true}
      %dma_start3A_88 = arith.constant 0 : i32
      %dma_start3A_89 = tpu.memref_slice %arg8[%add3A_79, %dma_start3A_88] : memref<160x128xf32, #tpu.memory_space<vmem>> -> memref<1x128xf32, #tpu.memory_space<vmem>>
      %dma_start3A_90 = tpu.memref_squeeze %dma_start3A_89 : memref<1x128xf32, #tpu.memory_space<vmem>> -> memref<128xf32, #tpu.memory_space<vmem>>
      %dma_start3A_91 = arith.constant 0 : i32
      %dma_start3A_92 = tpu.memref_slice %arg7[%add3A_79, %dma_start3A_91] : memref<160x128xi32, #tpu.memory_space<vmem>> -> memref<1x128xi32, #tpu.memory_space<vmem>>
      %dma_start3A_93 = tpu.memref_squeeze %dma_start3A_92 : memref<1x128xi32, #tpu.memory_space<vmem>> -> memref<128xi32, #tpu.memory_space<vmem>>
      %dma_start3A_94 = arith.constant 0 : i32
      %dma_start3A_95 = tpu.memref_slice %arg11[%dma_start3A_94] : memref<10240xf32, #tpu.memory_space<vmem_shared>> -> memref<10240xf32, #tpu.memory_space<vmem_shared>>
      tpu.enqueue_indirect_dma source(%dma_start3A_90 : memref<128xf32, #tpu.memory_space<vmem>>) target(%dma_start3A_95 : memref<10240xf32, #tpu.memory_space<vmem_shared>>) offsets(%dma_start3A_93 : memref<128xi32, #tpu.memory_space<vmem>>) semaphore(%arg13 : memref<!tpu.dma_semaphore, #tpu.memory_space<semaphore_mem>>) {add = true}
      %mul3A_96 = arith.constant 16 : i32
      %mul3A_97 = arith.muli %scan3A_55, %mul3A_96 : i32
      %add3A_98 = arith.constant 2 : i32
      %add3A_99 = arith.addi %mul3A_97, %add3A_98 : i32
      %dma_start3A_100 = arith.constant 0 : i32
      %dma_start3A_101 = tpu.memref_slice %arg8[%add3A_99, %dma_start3A_100] : memref<160x128xf32, #tpu.memory_space<vmem>> -> memref<1x128xf32, #tpu.memory_space<vmem>>
      %dma_start3A_102 = tpu.memref_squeeze %dma_start3A_101 : memref<1x128xf32, #tpu.memory_space<vmem>> -> memref<128xf32, #tpu.memory_space<vmem>>
      %dma_start3A_103 = arith.constant 0 : i32
      %dma_start3A_104 = tpu.memref_slice %arg6[%add3A_99, %dma_start3A_103] : memref<160x128xi32, #tpu.memory_space<vmem>> -> memref<1x128xi32, #tpu.memory_space<vmem>>
      %dma_start3A_105 = tpu.memref_squeeze %dma_start3A_104 : memref<1x128xi32, #tpu.memory_space<vmem>> -> memref<128xi32, #tpu.memory_space<vmem>>
      %dma_start3A_106 = arith.constant 0 : i32
      %dma_start3A_107 = tpu.memref_slice %arg10[%dma_start3A_106] : memref<10240xf32, #tpu.memory_space<vmem_shared>> -> memref<10240xf32, #tpu.memory_space<vmem_shared>>
      tpu.enqueue_indirect_dma source(%dma_start3A_102 : memref<128xf32, #tpu.memory_space<vmem>>) target(%dma_start3A_107 : memref<10240xf32, #tpu.memory_space<vmem_shared>>) offsets(%dma_start3A_105 : memref<128xi32, #tpu.memory_space<vmem>>) semaphore(%arg12 : memref<!tpu.dma_semaphore, #tpu.memory_space<semaphore_mem>>) {add = true}
      %dma_start3A_108 = arith.constant 0 : i32
      %dma_start3A_109 = tpu.memref_slice %arg8[%add3A_99, %dma_start3A_108] : memref<160x128xf32, #tpu.memory_space<vmem>> -> memref<1x128xf32, #tpu.memory_space<vmem>>
      %dma_start3A_110 = tpu.memref_squeeze %dma_start3A_109 : memref<1x128xf32, #tpu.memory_space<vmem>> -> memref<128xf32, #tpu.memory_space<vmem>>
      %dma_start3A_111 = arith.constant 0 : i32
      %dma_start3A_112 = tpu.memref_slice %arg7[%add3A_99, %dma_start3A_111] : memref<160x128xi32, #tpu.memory_space<vmem>> -> memref<1x128xi32, #tpu.memory_space<vmem>>
      %dma_start3A_113 = tpu.memref_squeeze %dma_start3A_112 : memref<1x128xi32, #tpu.memory_space<vmem>> -> memref<128xi32, #tpu.memory_space<vmem>>
      %dma_start3A_114 = arith.constant 0 : i32
      %dma_start3A_115 = tpu.memref_slice %arg11[%dma_start3A_114] : memref<10240xf32, #tpu.memory_space<vmem_shared>> -> memref<10240xf32, #tpu.memory_space<vmem_shared>>
      tpu.enqueue_indirect_dma source(%dma_start3A_110 : memref<128xf32, #tpu.memory_space<vmem>>) target(%dma_start3A_115 : memref<10240xf32, #tpu.memory_space<vmem_shared>>) offsets(%dma_start3A_113 : memref<128xi32, #tpu.memory_space<vmem>>) semaphore(%arg13 : memref<!tpu.dma_semaphore, #tpu.memory_space<semaphore_mem>>) {add = true}
      %mul3A_116 = arith.constant 16 : i32
      %mul3A_117 = arith.muli %scan3A_55, %mul3A_116 : i32
      %add3A_118 = arith.constant 3 : i32
      %add3A_119 = arith.addi %mul3A_117, %add3A_118 : i32
      %dma_start3A_120 = arith.constant 0 : i32
      %dma_start3A_121 = tpu.memref_slice %arg8[%add3A_119, %dma_start3A_120] : memref<160x128xf32, #tpu.memory_space<vmem>> -> memref<1x128xf32, #tpu.memory_space<vmem>>
      %dma_start3A_122 = tpu.memref_squeeze %dma_start3A_121 : memref<1x128xf32, #tpu.memory_space<vmem>> -> memref<128xf32, #tpu.memory_space<vmem>>
      %dma_start3A_123 = arith.constant 0 : i32
      %dma_start3A_124 = tpu.memref_slice %arg6[%add3A_119, %dma_start3A_123] : memref<160x128xi32, #tpu.memory_space<vmem>> -> memref<1x128xi32, #tpu.memory_space<vmem>>
      %dma_start3A_125 = tpu.memref_squeeze %dma_start3A_124 : memref<1x128xi32, #tpu.memory_space<vmem>> -> memref<128xi32, #tpu.memory_space<vmem>>
      %dma_start3A_126 = arith.constant 0 : i32
      %dma_start3A_127 = tpu.memref_slice %arg10[%dma_start3A_126] : memref<10240xf32, #tpu.memory_space<vmem_shared>> -> memref<10240xf32, #tpu.memory_space<vmem_shared>>
      tpu.enqueue_indirect_dma source(%dma_start3A_122 : memref<128xf32, #tpu.memory_space<vmem>>) target(%dma_start3A_127 : memref<10240xf32, #tpu.memory_space<vmem_shared>>) offsets(%dma_start3A_125 : memref<128xi32, #tpu.memory_space<vmem>>) semaphore(%arg12 : memref<!tpu.dma_semaphore, #tpu.memory_space<semaphore_mem>>) {add = true}
      %dma_start3A_128 = arith.constant 0 : i32
      %dma_start3A_129 = tpu.memref_slice %arg8[%add3A_119, %dma_start3A_128] : memref<160x128xf32, #tpu.memory_space<vmem>> -> memref<1x128xf32, #tpu.memory_space<vmem>>
      %dma_start3A_130 = tpu.memref_squeeze %dma_start3A_129 : memref<1x128xf32, #tpu.memory_space<vmem>> -> memref<128xf32, #tpu.memory_space<vmem>>
      %dma_start3A_131 = arith.constant 0 : i32
      %dma_start3A_132 = tpu.memref_slice %arg7[%add3A_119, %dma_start3A_131] : memref<160x128xi32, #tpu.memory_space<vmem>> -> memref<1x128xi32, #tpu.memory_space<vmem>>
      %dma_start3A_133 = tpu.memref_squeeze %dma_start3A_132 : memref<1x128xi32, #tpu.memory_space<vmem>> -> memref<128xi32, #tpu.memory_space<vmem>>
      %dma_start3A_134 = arith.constant 0 : i32
      %dma_start3A_135 = tpu.memref_slice %arg11[%dma_start3A_134] : memref<10240xf32, #tpu.memory_space<vmem_shared>> -> memref<10240xf32, #tpu.memory_space<vmem_shared>>
      tpu.enqueue_indirect_dma source(%dma_start3A_130 : memref<128xf32, #tpu.memory_space<vmem>>) target(%dma_start3A_135 : memref<10240xf32, #tpu.memory_space<vmem_shared>>) offsets(%dma_start3A_133 : memref<128xi32, #tpu.memory_space<vmem>>) semaphore(%arg13 : memref<!tpu.dma_semaphore, #tpu.memory_space<semaphore_mem>>) {add = true}
      %mul3A_136 = arith.constant 16 : i32
      %mul3A_137 = arith.muli %scan3A_55, %mul3A_136 : i32
      %add3A_138 = arith.constant 4 : i32
      %add3A_139 = arith.addi %mul3A_137, %add3A_138 : i32
      %dma_start3A_140 = arith.constant 0 : i32
      %dma_start3A_141 = tpu.memref_slice %arg8[%add3A_139, %dma_start3A_140] : memref<160x128xf32, #tpu.memory_space<vmem>> -> memref<1x128xf32, #tpu.memory_space<vmem>>
      %dma_start3A_142 = tpu.memref_squeeze %dma_start3A_141 : memref<1x128xf32, #tpu.memory_space<vmem>> -> memref<128xf32, #tpu.memory_space<vmem>>
      %dma_start3A_143 = arith.constant 0 : i32
      %dma_start3A_144 = tpu.memref_slice %arg6[%add3A_139, %dma_start3A_143] : memref<160x128xi32, #tpu.memory_space<vmem>> -> memref<1x128xi32, #tpu.memory_space<vmem>>
      %dma_start3A_145 = tpu.memref_squeeze %dma_start3A_144 : memref<1x128xi32, #tpu.memory_space<vmem>> -> memref<128xi32, #tpu.memory_space<vmem>>
      %dma_start3A_146 = arith.constant 0 : i32
      %dma_start3A_147 = tpu.memref_slice %arg10[%dma_start3A_146] : memref<10240xf32, #tpu.memory_space<vmem_shared>> -> memref<10240xf32, #tpu.memory_space<vmem_shared>>
      tpu.enqueue_indirect_dma source(%dma_start3A_142 : memref<128xf32, #tpu.memory_space<vmem>>) target(%dma_start3A_147 : memref<10240xf32, #tpu.memory_space<vmem_shared>>) offsets(%dma_start3A_145 : memref<128xi32, #tpu.memory_space<vmem>>) semaphore(%arg12 : memref<!tpu.dma_semaphore, #tpu.memory_space<semaphore_mem>>) {add = true}
      %dma_start3A_148 = arith.constant 0 : i32
      %dma_start3A_149 = tpu.memref_slice %arg8[%add3A_139, %dma_start3A_148] : memref<160x128xf32, #tpu.memory_space<vmem>> -> memref<1x128xf32, #tpu.memory_space<vmem>>
      %dma_start3A_150 = tpu.memref_squeeze %dma_start3A_149 : memref<1x128xf32, #tpu.memory_space<vmem>> -> memref<128xf32, #tpu.memory_space<vmem>>
      %dma_start3A_151 = arith.constant 0 : i32
      %dma_start3A_152 = tpu.memref_slice %arg7[%add3A_139, %dma_start3A_151] : memref<160x128xi32, #tpu.memory_space<vmem>> -> memref<1x128xi32, #tpu.memory_space<vmem>>
      %dma_start3A_153 = tpu.memref_squeeze %dma_start3A_152 : memref<1x128xi32, #tpu.memory_space<vmem>> -> memref<128xi32, #tpu.memory_space<vmem>>
      %dma_start3A_154 = arith.constant 0 : i32
      %dma_start3A_155 = tpu.memref_slice %arg11[%dma_start3A_154] : memref<10240xf32, #tpu.memory_space<vmem_shared>> -> memref<10240xf32, #tpu.memory_space<vmem_shared>>
      tpu.enqueue_indirect_dma source(%dma_start3A_150 : memref<128xf32, #tpu.memory_space<vmem>>) target(%dma_start3A_155 : memref<10240xf32, #tpu.memory_space<vmem_shared>>) offsets(%dma_start3A_153 : memref<128xi32, #tpu.memory_space<vmem>>) semaphore(%arg13 : memref<!tpu.dma_semaphore, #tpu.memory_space<semaphore_mem>>) {add = true}
      %mul3A_156 = arith.constant 16 : i32
      %mul3A_157 = arith.muli %scan3A_55, %mul3A_156 : i32
      %add3A_158 = arith.constant 5 : i32
      %add3A_159 = arith.addi %mul3A_157, %add3A_158 : i32
      %dma_start3A_160 = arith.constant 0 : i32
      %dma_start3A_161 = tpu.memref_slice %arg8[%add3A_159, %dma_start3A_160] : memref<160x128xf32, #tpu.memory_space<vmem>> -> memref<1x128xf32, #tpu.memory_space<vmem>>
      %dma_start3A_162 = tpu.memref_squeeze %dma_start3A_161 : memref<1x128xf32, #tpu.memory_space<vmem>> -> memref<128xf32, #tpu.memory_space<vmem>>
      %dma_start3A_163 = arith.constant 0 : i32
      %dma_start3A_164 = tpu.memref_slice %arg6[%add3A_159, %dma_start3A_163] : memref<160x128xi32, #tpu.memory_space<vmem>> -> memref<1x128xi32, #tpu.memory_space<vmem>>
      %dma_start3A_165 = tpu.memref_squeeze %dma_start3A_164 : memref<1x128xi32, #tpu.memory_space<vmem>> -> memref<128xi32, #tpu.memory_space<vmem>>
      %dma_start3A_166 = arith.constant 0 : i32
      %dma_start3A_167 = tpu.memref_slice %arg10[%dma_start3A_166] : memref<10240xf32, #tpu.memory_space<vmem_shared>> -> memref<10240xf32, #tpu.memory_space<vmem_shared>>
      tpu.enqueue_indirect_dma source(%dma_start3A_162 : memref<128xf32, #tpu.memory_space<vmem>>) target(%dma_start3A_167 : memref<10240xf32, #tpu.memory_space<vmem_shared>>) offsets(%dma_start3A_165 : memref<128xi32, #tpu.memory_space<vmem>>) semaphore(%arg12 : memref<!tpu.dma_semaphore, #tpu.memory_space<semaphore_mem>>) {add = true}
      %dma_start3A_168 = arith.constant 0 : i32
      %dma_start3A_169 = tpu.memref_slice %arg8[%add3A_159, %dma_start3A_168] : memref<160x128xf32, #tpu.memory_space<vmem>> -> memref<1x128xf32, #tpu.memory_space<vmem>>
      %dma_start3A_170 = tpu.memref_squeeze %dma_start3A_169 : memref<1x128xf32, #tpu.memory_space<vmem>> -> memref<128xf32, #tpu.memory_space<vmem>>
      %dma_start3A_171 = arith.constant 0 : i32
      %dma_start3A_172 = tpu.memref_slice %arg7[%add3A_159, %dma_start3A_171] : memref<160x128xi32, #tpu.memory_space<vmem>> -> memref<1x128xi32, #tpu.memory_space<vmem>>
      %dma_start3A_173 = tpu.memref_squeeze %dma_start3A_172 : memref<1x128xi32, #tpu.memory_space<vmem>> -> memref<128xi32, #tpu.memory_space<vmem>>
      %dma_start3A_174 = arith.constant 0 : i32
      %dma_start3A_175 = tpu.memref_slice %arg11[%dma_start3A_174] : memref<10240xf32, #tpu.memory_space<vmem_shared>> -> memref<10240xf32, #tpu.memory_space<vmem_shared>>
      tpu.enqueue_indirect_dma source(%dma_start3A_170 : memref<128xf32, #tpu.memory_space<vmem>>) target(%dma_start3A_175 : memref<10240xf32, #tpu.memory_space<vmem_shared>>) offsets(%dma_start3A_173 : memref<128xi32, #tpu.memory_space<vmem>>) semaphore(%arg13 : memref<!tpu.dma_semaphore, #tpu.memory_space<semaphore_mem>>) {add = true}
      %mul3A_176 = arith.constant 16 : i32
      %mul3A_177 = arith.muli %scan3A_55, %mul3A_176 : i32
      %add3A_178 = arith.constant 6 : i32
      %add3A_179 = arith.addi %mul3A_177, %add3A_178 : i32
      %dma_start3A_180 = arith.constant 0 : i32
      %dma_start3A_181 = tpu.memref_slice %arg8[%add3A_179, %dma_start3A_180] : memref<160x128xf32, #tpu.memory_space<vmem>> -> memref<1x128xf32, #tpu.memory_space<vmem>>
      %dma_start3A_182 = tpu.memref_squeeze %dma_start3A_181 : memref<1x128xf32, #tpu.memory_space<vmem>> -> memref<128xf32, #tpu.memory_space<vmem>>
      %dma_start3A_183 = arith.constant 0 : i32
      %dma_start3A_184 = tpu.memref_slice %arg6[%add3A_179, %dma_start3A_183] : memref<160x128xi32, #tpu.memory_space<vmem>> -> memref<1x128xi32, #tpu.memory_space<vmem>>
      %dma_start3A_185 = tpu.memref_squeeze %dma_start3A_184 : memref<1x128xi32, #tpu.memory_space<vmem>> -> memref<128xi32, #tpu.memory_space<vmem>>
      %dma_start3A_186 = arith.constant 0 : i32
      %dma_start3A_187 = tpu.memref_slice %arg10[%dma_start3A_186] : memref<10240xf32, #tpu.memory_space<vmem_shared>> -> memref<10240xf32, #tpu.memory_space<vmem_shared>>
      tpu.enqueue_indirect_dma source(%dma_start3A_182 : memref<128xf32, #tpu.memory_space<vmem>>) target(%dma_start3A_187 : memref<10240xf32, #tpu.memory_space<vmem_shared>>) offsets(%dma_start3A_185 : memref<128xi32, #tpu.memory_space<vmem>>) semaphore(%arg12 : memref<!tpu.dma_semaphore, #tpu.memory_space<semaphore_mem>>) {add = true}
      %dma_start3A_188 = arith.constant 0 : i32
      %dma_start3A_189 = tpu.memref_slice %arg8[%add3A_179, %dma_start3A_188] : memref<160x128xf32, #tpu.memory_space<vmem>> -> memref<1x128xf32, #tpu.memory_space<vmem>>
      %dma_start3A_190 = tpu.memref_squeeze %dma_start3A_189 : memref<1x128xf32, #tpu.memory_space<vmem>> -> memref<128xf32, #tpu.memory_space<vmem>>
      %dma_start3A_191 = arith.constant 0 : i32
      %dma_start3A_192 = tpu.memref_slice %arg7[%add3A_179, %dma_start3A_191] : memref<160x128xi32, #tpu.memory_space<vmem>> -> memref<1x128xi32, #tpu.memory_space<vmem>>
      %dma_start3A_193 = tpu.memref_squeeze %dma_start3A_192 : memref<1x128xi32, #tpu.memory_space<vmem>> -> memref<128xi32, #tpu.memory_space<vmem>>
      %dma_start3A_194 = arith.constant 0 : i32
      %dma_start3A_195 = tpu.memref_slice %arg11[%dma_start3A_194] : memref<10240xf32, #tpu.memory_space<vmem_shared>> -> memref<10240xf32, #tpu.memory_space<vmem_shared>>
      tpu.enqueue_indirect_dma source(%dma_start3A_190 : memref<128xf32, #tpu.memory_space<vmem>>) target(%dma_start3A_195 : memref<10240xf32, #tpu.memory_space<vmem_shared>>) offsets(%dma_start3A_193 : memref<128xi32, #tpu.memory_space<vmem>>) semaphore(%arg13 : memref<!tpu.dma_semaphore, #tpu.memory_space<semaphore_mem>>) {add = true}
      %mul3A_196 = arith.constant 16 : i32
      %mul3A_197 = arith.muli %scan3A_55, %mul3A_196 : i32
      %add3A_198 = arith.constant 7 : i32
      %add3A_199 = arith.addi %mul3A_197, %add3A_198 : i32
      %dma_start3A_200 = arith.constant 0 : i32
      %dma_start3A_201 = tpu.memref_slice %arg8[%add3A_199, %dma_start3A_200] : memref<160x128xf32, #tpu.memory_space<vmem>> -> memref<1x128xf32, #tpu.memory_space<vmem>>
      %dma_start3A_202 = tpu.memref_squeeze %dma_start3A_201 : memref<1x128xf32, #tpu.memory_space<vmem>> -> memref<128xf32, #tpu.memory_space<vmem>>
      %dma_start3A_203 = arith.constant 0 : i32
      %dma_start3A_204 = tpu.memref_slice %arg6[%add3A_199, %dma_start3A_203] : memref<160x128xi32, #tpu.memory_space<vmem>> -> memref<1x128xi32, #tpu.memory_space<vmem>>
      %dma_start3A_205 = tpu.memref_squeeze %dma_start3A_204 : memref<1x128xi32, #tpu.memory_space<vmem>> -> memref<128xi32, #tpu.memory_space<vmem>>
      %dma_start3A_206 = arith.constant 0 : i32
      %dma_start3A_207 = tpu.memref_slice %arg10[%dma_start3A_206] : memref<10240xf32, #tpu.memory_space<vmem_shared>> -> memref<10240xf32, #tpu.memory_space<vmem_shared>>
      tpu.enqueue_indirect_dma source(%dma_start3A_202 : memref<128xf32, #tpu.memory_space<vmem>>) target(%dma_start3A_207 : memref<10240xf32, #tpu.memory_space<vmem_shared>>) offsets(%dma_start3A_205 : memref<128xi32, #tpu.memory_space<vmem>>) semaphore(%arg12 : memref<!tpu.dma_semaphore, #tpu.memory_space<semaphore_mem>>) {add = true}
      %dma_start3A_208 = arith.constant 0 : i32
      %dma_start3A_209 = tpu.memref_slice %arg8[%add3A_199, %dma_start3A_208] : memref<160x128xf32, #tpu.memory_space<vmem>> -> memref<1x128xf32, #tpu.memory_space<vmem>>
      %dma_start3A_210 = tpu.memref_squeeze %dma_start3A_209 : memref<1x128xf32, #tpu.memory_space<vmem>> -> memref<128xf32, #tpu.memory_space<vmem>>
      %dma_start3A_211 = arith.constant 0 : i32
      %dma_start3A_212 = tpu.memref_slice %arg7[%add3A_199, %dma_start3A_211] : memref<160x128xi32, #tpu.memory_space<vmem>> -> memref<1x128xi32, #tpu.memory_space<vmem>>
      %dma_start3A_213 = tpu.memref_squeeze %dma_start3A_212 : memref<1x128xi32, #tpu.memory_space<vmem>> -> memref<128xi32, #tpu.memory_space<vmem>>
      %dma_start3A_214 = arith.constant 0 : i32
      %dma_start3A_215 = tpu.memref_slice %arg11[%dma_start3A_214] : memref<10240xf32, #tpu.memory_space<vmem_shared>> -> memref<10240xf32, #tpu.memory_space<vmem_shared>>
      tpu.enqueue_indirect_dma source(%dma_start3A_210 : memref<128xf32, #tpu.memory_space<vmem>>) target(%dma_start3A_215 : memref<10240xf32, #tpu.memory_space<vmem_shared>>) offsets(%dma_start3A_213 : memref<128xi32, #tpu.memory_space<vmem>>) semaphore(%arg13 : memref<!tpu.dma_semaphore, #tpu.memory_space<semaphore_mem>>) {add = true}
      %mul3A_216 = arith.constant 16 : i32
      %mul3A_217 = arith.muli %scan3A_55, %mul3A_216 : i32
      %add3A_218 = arith.constant 8 : i32
      %add3A_219 = arith.addi %mul3A_217, %add3A_218 : i32
      %dma_start3A_220 = arith.constant 0 : i32
      %dma_start3A_221 = tpu.memref_slice %arg8[%add3A_219, %dma_start3A_220] : memref<160x128xf32, #tpu.memory_space<vmem>> -> memref<1x128xf32, #tpu.memory_space<vmem>>
      %dma_start3A_222 = tpu.memref_squeeze %dma_start3A_221 : memref<1x128xf32, #tpu.memory_space<vmem>> -> memref<128xf32, #tpu.memory_space<vmem>>
      %dma_start3A_223 = arith.constant 0 : i32
      %dma_start3A_224 = tpu.memref_slice %arg6[%add3A_219, %dma_start3A_223] : memref<160x128xi32, #tpu.memory_space<vmem>> -> memref<1x128xi32, #tpu.memory_space<vmem>>
      %dma_start3A_225 = tpu.memref_squeeze %dma_start3A_224 : memref<1x128xi32, #tpu.memory_space<vmem>> -> memref<128xi32, #tpu.memory_space<vmem>>
      %dma_start3A_226 = arith.constant 0 : i32
      %dma_start3A_227 = tpu.memref_slice %arg10[%dma_start3A_226] : memref<10240xf32, #tpu.memory_space<vmem_shared>> -> memref<10240xf32, #tpu.memory_space<vmem_shared>>
      tpu.enqueue_indirect_dma source(%dma_start3A_222 : memref<128xf32, #tpu.memory_space<vmem>>) target(%dma_start3A_227 : memref<10240xf32, #tpu.memory_space<vmem_shared>>) offsets(%dma_start3A_225 : memref<128xi32, #tpu.memory_space<vmem>>) semaphore(%arg12 : memref<!tpu.dma_semaphore, #tpu.memory_space<semaphore_mem>>) {add = true}
      %dma_start3A_228 = arith.constant 0 : i32
      %dma_start3A_229 = tpu.memref_slice %arg8[%add3A_219, %dma_start3A_228] : memref<160x128xf32, #tpu.memory_space<vmem>> -> memref<1x128xf32, #tpu.memory_space<vmem>>
      %dma_start3A_230 = tpu.memref_squeeze %dma_start3A_229 : memref<1x128xf32, #tpu.memory_space<vmem>> -> memref<128xf32, #tpu.memory_space<vmem>>
      %dma_start3A_231 = arith.constant 0 : i32
      %dma_start3A_232 = tpu.memref_slice %arg7[%add3A_219, %dma_start3A_231] : memref<160x128xi32, #tpu.memory_space<vmem>> -> memref<1x128xi32, #tpu.memory_space<vmem>>
      %dma_start3A_233 = tpu.memref_squeeze %dma_start3A_232 : memref<1x128xi32, #tpu.memory_space<vmem>> -> memref<128xi32, #tpu.memory_space<vmem>>
      %dma_start3A_234 = arith.constant 0 : i32
      %dma_start3A_235 = tpu.memref_slice %arg11[%dma_start3A_234] : memref<10240xf32, #tpu.memory_space<vmem_shared>> -> memref<10240xf32, #tpu.memory_space<vmem_shared>>
      tpu.enqueue_indirect_dma source(%dma_start3A_230 : memref<128xf32, #tpu.memory_space<vmem>>) target(%dma_start3A_235 : memref<10240xf32, #tpu.memory_space<vmem_shared>>) offsets(%dma_start3A_233 : memref<128xi32, #tpu.memory_space<vmem>>) semaphore(%arg13 : memref<!tpu.dma_semaphore, #tpu.memory_space<semaphore_mem>>) {add = true}
      %mul3A_236 = arith.constant 16 : i32
      %mul3A_237 = arith.muli %scan3A_55, %mul3A_236 : i32
      %add3A_238 = arith.constant 9 : i32
      %add3A_239 = arith.addi %mul3A_237, %add3A_238 : i32
      %dma_start3A_240 = arith.constant 0 : i32
      %dma_start3A_241 = tpu.memref_slice %arg8[%add3A_239, %dma_start3A_240] : memref<160x128xf32, #tpu.memory_space<vmem>> -> memref<1x128xf32, #tpu.memory_space<vmem>>
      %dma_start3A_242 = tpu.memref_squeeze %dma_start3A_241 : memref<1x128xf32, #tpu.memory_space<vmem>> -> memref<128xf32, #tpu.memory_space<vmem>>
      %dma_start3A_243 = arith.constant 0 : i32
      %dma_start3A_244 = tpu.memref_slice %arg6[%add3A_239, %dma_start3A_243] : memref<160x128xi32, #tpu.memory_space<vmem>> -> memref<1x128xi32, #tpu.memory_space<vmem>>
      %dma_start3A_245 = tpu.memref_squeeze %dma_start3A_244 : memref<1x128xi32, #tpu.memory_space<vmem>> -> memref<128xi32, #tpu.memory_space<vmem>>
      %dma_start3A_246 = arith.constant 0 : i32
      %dma_start3A_247 = tpu.memref_slice %arg10[%dma_start3A_246] : memref<10240xf32, #tpu.memory_space<vmem_shared>> -> memref<10240xf32, #tpu.memory_space<vmem_shared>>
      tpu.enqueue_indirect_dma source(%dma_start3A_242 : memref<128xf32, #tpu.memory_space<vmem>>) target(%dma_start3A_247 : memref<10240xf32, #tpu.memory_space<vmem_shared>>) offsets(%dma_start3A_245 : memref<128xi32, #tpu.memory_space<vmem>>) semaphore(%arg12 : memref<!tpu.dma_semaphore, #tpu.memory_space<semaphore_mem>>) {add = true}
      %dma_start3A_248 = arith.constant 0 : i32
      %dma_start3A_249 = tpu.memref_slice %arg8[%add3A_239, %dma_start3A_248] : memref<160x128xf32, #tpu.memory_space<vmem>> -> memref<1x128xf32, #tpu.memory_space<vmem>>
      %dma_start3A_250 = tpu.memref_squeeze %dma_start3A_249 : memref<1x128xf32, #tpu.memory_space<vmem>> -> memref<128xf32, #tpu.memory_space<vmem>>
      %dma_start3A_251 = arith.constant 0 : i32
      %dma_start3A_252 = tpu.memref_slice %arg7[%add3A_239, %dma_start3A_251] : memref<160x128xi32, #tpu.memory_space<vmem>> -> memref<1x128xi32, #tpu.memory_space<vmem>>
      %dma_start3A_253 = tpu.memref_squeeze %dma_start3A_252 : memref<1x128xi32, #tpu.memory_space<vmem>> -> memref<128xi32, #tpu.memory_space<vmem>>
      %dma_start3A_254 = arith.constant 0 : i32
      %dma_start3A_255 = tpu.memref_slice %arg11[%dma_start3A_254] : memref<10240xf32, #tpu.memory_space<vmem_shared>> -> memref<10240xf32, #tpu.memory_space<vmem_shared>>
      tpu.enqueue_indirect_dma source(%dma_start3A_250 : memref<128xf32, #tpu.memory_space<vmem>>) target(%dma_start3A_255 : memref<10240xf32, #tpu.memory_space<vmem_shared>>) offsets(%dma_start3A_253 : memref<128xi32, #tpu.memory_space<vmem>>) semaphore(%arg13 : memref<!tpu.dma_semaphore, #tpu.memory_space<semaphore_mem>>) {add = true}
      %mul3A_256 = arith.constant 16 : i32
      %mul3A_257 = arith.muli %scan3A_55, %mul3A_256 : i32
      %add3A_258 = arith.constant 10 : i32
      %add3A_259 = arith.addi %mul3A_257, %add3A_258 : i32
      %dma_start3A_260 = arith.constant 0 : i32
      %dma_start3A_261 = tpu.memref_slice %arg8[%add3A_259, %dma_start3A_260] : memref<160x128xf32, #tpu.memory_space<vmem>> -> memref<1x128xf32, #tpu.memory_space<vmem>>
      %dma_start3A_262 = tpu.memref_squeeze %dma_start3A_261 : memref<1x128xf32, #tpu.memory_space<vmem>> -> memref<128xf32, #tpu.memory_space<vmem>>
      %dma_start3A_263 = arith.constant 0 : i32
      %dma_start3A_264 = tpu.memref_slice %arg6[%add3A_259, %dma_start3A_263] : memref<160x128xi32, #tpu.memory_space<vmem>> -> memref<1x128xi32, #tpu.memory_space<vmem>>
      %dma_start3A_265 = tpu.memref_squeeze %dma_start3A_264 : memref<1x128xi32, #tpu.memory_space<vmem>> -> memref<128xi32, #tpu.memory_space<vmem>>
      %dma_start3A_266 = arith.constant 0 : i32
      %dma_start3A_267 = tpu.memref_slice %arg10[%dma_start3A_266] : memref<10240xf32, #tpu.memory_space<vmem_shared>> -> memref<10240xf32, #tpu.memory_space<vmem_shared>>
      tpu.enqueue_indirect_dma source(%dma_start3A_262 : memref<128xf32, #tpu.memory_space<vmem>>) target(%dma_start3A_267 : memref<10240xf32, #tpu.memory_space<vmem_shared>>) offsets(%dma_start3A_265 : memref<128xi32, #tpu.memory_space<vmem>>) semaphore(%arg12 : memref<!tpu.dma_semaphore, #tpu.memory_space<semaphore_mem>>) {add = true}
      %dma_start3A_268 = arith.constant 0 : i32
      %dma_start3A_269 = tpu.memref_slice %arg8[%add3A_259, %dma_start3A_268] : memref<160x128xf32, #tpu.memory_space<vmem>> -> memref<1x128xf32, #tpu.memory_space<vmem>>
      %dma_start3A_270 = tpu.memref_squeeze %dma_start3A_269 : memref<1x128xf32, #tpu.memory_space<vmem>> -> memref<128xf32, #tpu.memory_space<vmem>>
      %dma_start3A_271 = arith.constant 0 : i32
      %dma_start3A_272 = tpu.memref_slice %arg7[%add3A_259, %dma_start3A_271] : memref<160x128xi32, #tpu.memory_space<vmem>> -> memref<1x128xi32, #tpu.memory_space<vmem>>
      %dma_start3A_273 = tpu.memref_squeeze %dma_start3A_272 : memref<1x128xi32, #tpu.memory_space<vmem>> -> memref<128xi32, #tpu.memory_space<vmem>>
      %dma_start3A_274 = arith.constant 0 : i32
      %dma_start3A_275 = tpu.memref_slice %arg11[%dma_start3A_274] : memref<10240xf32, #tpu.memory_space<vmem_shared>> -> memref<10240xf32, #tpu.memory_space<vmem_shared>>
      tpu.enqueue_indirect_dma source(%dma_start3A_270 : memref<128xf32, #tpu.memory_space<vmem>>) target(%dma_start3A_275 : memref<10240xf32, #tpu.memory_space<vmem_shared>>) offsets(%dma_start3A_273 : memref<128xi32, #tpu.memory_space<vmem>>) semaphore(%arg13 : memref<!tpu.dma_semaphore, #tpu.memory_space<semaphore_mem>>) {add = true}
      %mul3A_276 = arith.constant 16 : i32
      %mul3A_277 = arith.muli %scan3A_55, %mul3A_276 : i32
      %add3A_278 = arith.constant 11 : i32
      %add3A_279 = arith.addi %mul3A_277, %add3A_278 : i32
      %dma_start3A_280 = arith.constant 0 : i32
      %dma_start3A_281 = tpu.memref_slice %arg8[%add3A_279, %dma_start3A_280] : memref<160x128xf32, #tpu.memory_space<vmem>> -> memref<1x128xf32, #tpu.memory_space<vmem>>
      %dma_start3A_282 = tpu.memref_squeeze %dma_start3A_281 : memref<1x128xf32, #tpu.memory_space<vmem>> -> memref<128xf32, #tpu.memory_space<vmem>>
      %dma_start3A_283 = arith.constant 0 : i32
      %dma_start3A_284 = tpu.memref_slice %arg6[%add3A_279, %dma_start3A_283] : memref<160x128xi32, #tpu.memory_space<vmem>> -> memref<1x128xi32, #tpu.memory_space<vmem>>
      %dma_start3A_285 = tpu.memref_squeeze %dma_start3A_284 : memref<1x128xi32, #tpu.memory_space<vmem>> -> memref<128xi32, #tpu.memory_space<vmem>>
      %dma_start3A_286 = arith.constant 0 : i32
      %dma_start3A_287 = tpu.memref_slice %arg10[%dma_start3A_286] : memref<10240xf32, #tpu.memory_space<vmem_shared>> -> memref<10240xf32, #tpu.memory_space<vmem_shared>>
      tpu.enqueue_indirect_dma source(%dma_start3A_282 : memref<128xf32, #tpu.memory_space<vmem>>) target(%dma_start3A_287 : memref<10240xf32, #tpu.memory_space<vmem_shared>>) offsets(%dma_start3A_285 : memref<128xi32, #tpu.memory_space<vmem>>) semaphore(%arg12 : memref<!tpu.dma_semaphore, #tpu.memory_space<semaphore_mem>>) {add = true}
      %dma_start3A_288 = arith.constant 0 : i32
      %dma_start3A_289 = tpu.memref_slice %arg8[%add3A_279, %dma_start3A_288] : memref<160x128xf32, #tpu.memory_space<vmem>> -> memref<1x128xf32, #tpu.memory_space<vmem>>
      %dma_start3A_290 = tpu.memref_squeeze %dma_start3A_289 : memref<1x128xf32, #tpu.memory_space<vmem>> -> memref<128xf32, #tpu.memory_space<vmem>>
      %dma_start3A_291 = arith.constant 0 : i32
      %dma_start3A_292 = tpu.memref_slice %arg7[%add3A_279, %dma_start3A_291] : memref<160x128xi32, #tpu.memory_space<vmem>> -> memref<1x128xi32, #tpu.memory_space<vmem>>
      %dma_start3A_293 = tpu.memref_squeeze %dma_start3A_292 : memref<1x128xi32, #tpu.memory_space<vmem>> -> memref<128xi32, #tpu.memory_space<vmem>>
      %dma_start3A_294 = arith.constant 0 : i32
      %dma_start3A_295 = tpu.memref_slice %arg11[%dma_start3A_294] : memref<10240xf32, #tpu.memory_space<vmem_shared>> -> memref<10240xf32, #tpu.memory_space<vmem_shared>>
      tpu.enqueue_indirect_dma source(%dma_start3A_290 : memref<128xf32, #tpu.memory_space<vmem>>) target(%dma_start3A_295 : memref<10240xf32, #tpu.memory_space<vmem_shared>>) offsets(%dma_start3A_293 : memref<128xi32, #tpu.memory_space<vmem>>) semaphore(%arg13 : memref<!tpu.dma_semaphore, #tpu.memory_space<semaphore_mem>>) {add = true}
      %mul3A_296 = arith.constant 16 : i32
      %mul3A_297 = arith.muli %scan3A_55, %mul3A_296 : i32
      %add3A_298 = arith.constant 12 : i32
      %add3A_299 = arith.addi %mul3A_297, %add3A_298 : i32
      %dma_start3A_300 = arith.constant 0 : i32
      %dma_start3A_301 = tpu.memref_slice %arg8[%add3A_299, %dma_start3A_300] : memref<160x128xf32, #tpu.memory_space<vmem>> -> memref<1x128xf32, #tpu.memory_space<vmem>>
      %dma_start3A_302 = tpu.memref_squeeze %dma_start3A_301 : memref<1x128xf32, #tpu.memory_space<vmem>> -> memref<128xf32, #tpu.memory_space<vmem>>
      %dma_start3A_303 = arith.constant 0 : i32
      %dma_start3A_304 = tpu.memref_slice %arg6[%add3A_299, %dma_start3A_303] : memref<160x128xi32, #tpu.memory_space<vmem>> -> memref<1x128xi32, #tpu.memory_space<vmem>>
      %dma_start3A_305 = tpu.memref_squeeze %dma_start3A_304 : memref<1x128xi32, #tpu.memory_space<vmem>> -> memref<128xi32, #tpu.memory_space<vmem>>
      %dma_start3A_306 = arith.constant 0 : i32
      %dma_start3A_307 = tpu.memref_slice %arg10[%dma_start3A_306] : memref<10240xf32, #tpu.memory_space<vmem_shared>> -> memref<10240xf32, #tpu.memory_space<vmem_shared>>
      tpu.enqueue_indirect_dma source(%dma_start3A_302 : memref<128xf32, #tpu.memory_space<vmem>>) target(%dma_start3A_307 : memref<10240xf32, #tpu.memory_space<vmem_shared>>) offsets(%dma_start3A_305 : memref<128xi32, #tpu.memory_space<vmem>>) semaphore(%arg12 : memref<!tpu.dma_semaphore, #tpu.memory_space<semaphore_mem>>) {add = true}
      %dma_start3A_308 = arith.constant 0 : i32
      %dma_start3A_309 = tpu.memref_slice %arg8[%add3A_299, %dma_start3A_308] : memref<160x128xf32, #tpu.memory_space<vmem>> -> memref<1x128xf32, #tpu.memory_space<vmem>>
      %dma_start3A_310 = tpu.memref_squeeze %dma_start3A_309 : memref<1x128xf32, #tpu.memory_space<vmem>> -> memref<128xf32, #tpu.memory_space<vmem>>
      %dma_start3A_311 = arith.constant 0 : i32
      %dma_start3A_312 = tpu.memref_slice %arg7[%add3A_299, %dma_start3A_311] : memref<160x128xi32, #tpu.memory_space<vmem>> -> memref<1x128xi32, #tpu.memory_space<vmem>>
      %dma_start3A_313 = tpu.memref_squeeze %dma_start3A_312 : memref<1x128xi32, #tpu.memory_space<vmem>> -> memref<128xi32, #tpu.memory_space<vmem>>
      %dma_start3A_314 = arith.constant 0 : i32
      %dma_start3A_315 = tpu.memref_slice %arg11[%dma_start3A_314] : memref<10240xf32, #tpu.memory_space<vmem_shared>> -> memref<10240xf32, #tpu.memory_space<vmem_shared>>
      tpu.enqueue_indirect_dma source(%dma_start3A_310 : memref<128xf32, #tpu.memory_space<vmem>>) target(%dma_start3A_315 : memref<10240xf32, #tpu.memory_space<vmem_shared>>) offsets(%dma_start3A_313 : memref<128xi32, #tpu.memory_space<vmem>>) semaphore(%arg13 : memref<!tpu.dma_semaphore, #tpu.memory_space<semaphore_mem>>) {add = true}
      %mul3A_316 = arith.constant 16 : i32
      %mul3A_317 = arith.muli %scan3A_55, %mul3A_316 : i32
      %add3A_318 = arith.constant 13 : i32
      %add3A_319 = arith.addi %mul3A_317, %add3A_318 : i32
      %dma_start3A_320 = arith.constant 0 : i32
      %dma_start3A_321 = tpu.memref_slice %arg8[%add3A_319, %dma_start3A_320] : memref<160x128xf32, #tpu.memory_space<vmem>> -> memref<1x128xf32, #tpu.memory_space<vmem>>
      %dma_start3A_322 = tpu.memref_squeeze %dma_start3A_321 : memref<1x128xf32, #tpu.memory_space<vmem>> -> memref<128xf32, #tpu.memory_space<vmem>>
      %dma_start3A_323 = arith.constant 0 : i32
      %dma_start3A_324 = tpu.memref_slice %arg6[%add3A_319, %dma_start3A_323] : memref<160x128xi32, #tpu.memory_space<vmem>> -> memref<1x128xi32, #tpu.memory_space<vmem>>
      %dma_start3A_325 = tpu.memref_squeeze %dma_start3A_324 : memref<1x128xi32, #tpu.memory_space<vmem>> -> memref<128xi32, #tpu.memory_space<vmem>>
      %dma_start3A_326 = arith.constant 0 : i32
      %dma_start3A_327 = tpu.memref_slice %arg10[%dma_start3A_326] : memref<10240xf32, #tpu.memory_space<vmem_shared>> -> memref<10240xf32, #tpu.memory_space<vmem_shared>>
      tpu.enqueue_indirect_dma source(%dma_start3A_322 : memref<128xf32, #tpu.memory_space<vmem>>) target(%dma_start3A_327 : memref<10240xf32, #tpu.memory_space<vmem_shared>>) offsets(%dma_start3A_325 : memref<128xi32, #tpu.memory_space<vmem>>) semaphore(%arg12 : memref<!tpu.dma_semaphore, #tpu.memory_space<semaphore_mem>>) {add = true}
      %dma_start3A_328 = arith.constant 0 : i32
      %dma_start3A_329 = tpu.memref_slice %arg8[%add3A_319, %dma_start3A_328] : memref<160x128xf32, #tpu.memory_space<vmem>> -> memref<1x128xf32, #tpu.memory_space<vmem>>
      %dma_start3A_330 = tpu.memref_squeeze %dma_start3A_329 : memref<1x128xf32, #tpu.memory_space<vmem>> -> memref<128xf32, #tpu.memory_space<vmem>>
      %dma_start3A_331 = arith.constant 0 : i32
      %dma_start3A_332 = tpu.memref_slice %arg7[%add3A_319, %dma_start3A_331] : memref<160x128xi32, #tpu.memory_space<vmem>> -> memref<1x128xi32, #tpu.memory_space<vmem>>
      %dma_start3A_333 = tpu.memref_squeeze %dma_start3A_332 : memref<1x128xi32, #tpu.memory_space<vmem>> -> memref<128xi32, #tpu.memory_space<vmem>>
      %dma_start3A_334 = arith.constant 0 : i32
      %dma_start3A_335 = tpu.memref_slice %arg11[%dma_start3A_334] : memref<10240xf32, #tpu.memory_space<vmem_shared>> -> memref<10240xf32, #tpu.memory_space<vmem_shared>>
      tpu.enqueue_indirect_dma source(%dma_start3A_330 : memref<128xf32, #tpu.memory_space<vmem>>) target(%dma_start3A_335 : memref<10240xf32, #tpu.memory_space<vmem_shared>>) offsets(%dma_start3A_333 : memref<128xi32, #tpu.memory_space<vmem>>) semaphore(%arg13 : memref<!tpu.dma_semaphore, #tpu.memory_space<semaphore_mem>>) {add = true}
      %mul3A_336 = arith.constant 16 : i32
      %mul3A_337 = arith.muli %scan3A_55, %mul3A_336 : i32
      %add3A_338 = arith.constant 14 : i32
      %add3A_339 = arith.addi %mul3A_337, %add3A_338 : i32
      %dma_start3A_340 = arith.constant 0 : i32
      %dma_start3A_341 = tpu.memref_slice %arg8[%add3A_339, %dma_start3A_340] : memref<160x128xf32, #tpu.memory_space<vmem>> -> memref<1x128xf32, #tpu.memory_space<vmem>>
      %dma_start3A_342 = tpu.memref_squeeze %dma_start3A_341 : memref<1x128xf32, #tpu.memory_space<vmem>> -> memref<128xf32, #tpu.memory_space<vmem>>
      %dma_start3A_343 = arith.constant 0 : i32
      %dma_start3A_344 = tpu.memref_slice %arg6[%add3A_339, %dma_start3A_343] : memref<160x128xi32, #tpu.memory_space<vmem>> -> memref<1x128xi32, #tpu.memory_space<vmem>>
      %dma_start3A_345 = tpu.memref_squeeze %dma_start3A_344 : memref<1x128xi32, #tpu.memory_space<vmem>> -> memref<128xi32, #tpu.memory_space<vmem>>
      %dma_start3A_346 = arith.constant 0 : i32
      %dma_start3A_347 = tpu.memref_slice %arg10[%dma_start3A_346] : memref<10240xf32, #tpu.memory_space<vmem_shared>> -> memref<10240xf32, #tpu.memory_space<vmem_shared>>
      tpu.enqueue_indirect_dma source(%dma_start3A_342 : memref<128xf32, #tpu.memory_space<vmem>>) target(%dma_start3A_347 : memref<10240xf32, #tpu.memory_space<vmem_shared>>) offsets(%dma_start3A_345 : memref<128xi32, #tpu.memory_space<vmem>>) semaphore(%arg12 : memref<!tpu.dma_semaphore, #tpu.memory_space<semaphore_mem>>) {add = true}
      %dma_start3A_348 = arith.constant 0 : i32
      %dma_start3A_349 = tpu.memref_slice %arg8[%add3A_339, %dma_start3A_348] : memref<160x128xf32, #tpu.memory_space<vmem>> -> memref<1x128xf32, #tpu.memory_space<vmem>>
      %dma_start3A_350 = tpu.memref_squeeze %dma_start3A_349 : memref<1x128xf32, #tpu.memory_space<vmem>> -> memref<128xf32, #tpu.memory_space<vmem>>
      %dma_start3A_351 = arith.constant 0 : i32
      %dma_start3A_352 = tpu.memref_slice %arg7[%add3A_339, %dma_start3A_351] : memref<160x128xi32, #tpu.memory_space<vmem>> -> memref<1x128xi32, #tpu.memory_space<vmem>>
      %dma_start3A_353 = tpu.memref_squeeze %dma_start3A_352 : memref<1x128xi32, #tpu.memory_space<vmem>> -> memref<128xi32, #tpu.memory_space<vmem>>
      %dma_start3A_354 = arith.constant 0 : i32
      %dma_start3A_355 = tpu.memref_slice %arg11[%dma_start3A_354] : memref<10240xf32, #tpu.memory_space<vmem_shared>> -> memref<10240xf32, #tpu.memory_space<vmem_shared>>
      tpu.enqueue_indirect_dma source(%dma_start3A_350 : memref<128xf32, #tpu.memory_space<vmem>>) target(%dma_start3A_355 : memref<10240xf32, #tpu.memory_space<vmem_shared>>) offsets(%dma_start3A_353 : memref<128xi32, #tpu.memory_space<vmem>>) semaphore(%arg13 : memref<!tpu.dma_semaphore, #tpu.memory_space<semaphore_mem>>) {add = true}
      %mul3A_356 = arith.constant 16 : i32
      %mul3A_357 = arith.muli %scan3A_55, %mul3A_356 : i32
      %add3A_358 = arith.constant 15 : i32
      %add3A_359 = arith.addi %mul3A_357, %add3A_358 : i32
      %dma_start3A_360 = arith.constant 0 : i32
      %dma_start3A_361 = tpu.memref_slice %arg8[%add3A_359, %dma_start3A_360] : memref<160x128xf32, #tpu.memory_space<vmem>> -> memref<1x128xf32, #tpu.memory_space<vmem>>
      %dma_start3A_362 = tpu.memref_squeeze %dma_start3A_361 : memref<1x128xf32, #tpu.memory_space<vmem>> -> memref<128xf32, #tpu.memory_space<vmem>>
      %dma_start3A_363 = arith.constant 0 : i32
      %dma_start3A_364 = tpu.memref_slice %arg6[%add3A_359, %dma_start3A_363] : memref<160x128xi32, #tpu.memory_space<vmem>> -> memref<1x128xi32, #tpu.memory_space<vmem>>
      %dma_start3A_365 = tpu.memref_squeeze %dma_start3A_364 : memref<1x128xi32, #tpu.memory_space<vmem>> -> memref<128xi32, #tpu.memory_space<vmem>>
      %dma_start3A_366 = arith.constant 0 : i32
      %dma_start3A_367 = tpu.memref_slice %arg10[%dma_start3A_366] : memref<10240xf32, #tpu.memory_space<vmem_shared>> -> memref<10240xf32, #tpu.memory_space<vmem_shared>>
      tpu.enqueue_indirect_dma source(%dma_start3A_362 : memref<128xf32, #tpu.memory_space<vmem>>) target(%dma_start3A_367 : memref<10240xf32, #tpu.memory_space<vmem_shared>>) offsets(%dma_start3A_365 : memref<128xi32, #tpu.memory_space<vmem>>) semaphore(%arg12 : memref<!tpu.dma_semaphore, #tpu.memory_space<semaphore_mem>>) {add = true}
      %dma_start3A_368 = arith.constant 0 : i32
      %dma_start3A_369 = tpu.memref_slice %arg8[%add3A_359, %dma_start3A_368] : memref<160x128xf32, #tpu.memory_space<vmem>> -> memref<1x128xf32, #tpu.memory_space<vmem>>
      %dma_start3A_370 = tpu.memref_squeeze %dma_start3A_369 : memref<1x128xf32, #tpu.memory_space<vmem>> -> memref<128xf32, #tpu.memory_space<vmem>>
      %dma_start3A_371 = arith.constant 0 : i32
      %dma_start3A_372 = tpu.memref_slice %arg7[%add3A_359, %dma_start3A_371] : memref<160x128xi32, #tpu.memory_space<vmem>> -> memref<1x128xi32, #tpu.memory_space<vmem>>
      %dma_start3A_373 = tpu.memref_squeeze %dma_start3A_372 : memref<1x128xi32, #tpu.memory_space<vmem>> -> memref<128xi32, #tpu.memory_space<vmem>>
      %dma_start3A_374 = arith.constant 0 : i32
      %dma_start3A_375 = tpu.memref_slice %arg11[%dma_start3A_374] : memref<10240xf32, #tpu.memory_space<vmem_shared>> -> memref<10240xf32, #tpu.memory_space<vmem_shared>>
      tpu.enqueue_indirect_dma source(%dma_start3A_370 : memref<128xf32, #tpu.memory_space<vmem>>) target(%dma_start3A_375 : memref<10240xf32, #tpu.memory_space<vmem_shared>>) offsets(%dma_start3A_373 : memref<128xi32, #tpu.memory_space<vmem>>) semaphore(%arg13 : memref<!tpu.dma_semaphore, #tpu.memory_space<semaphore_mem>>) {add = true}
      %dma_wait3A_376 = arith.constant 0 : i32
      %dma_wait3A_377 = arith.constant 0 : i32
      %dma_wait3A_378 = tpu.memref_slice %arg6[%dma_wait3A_376, %dma_wait3A_377] : memref<160x128xi32, #tpu.memory_space<vmem>> -> memref<16x128xi32, #tpu.memory_space<vmem>>
      %dma_wait3A_379 = arith.constant 0 : i32
      %dma_wait3A_380 = arith.constant 0 : i32
      %dma_wait3A_381 = tpu.memref_slice %arg2[%dma_wait3A_379, %dma_wait3A_380] : memref<2560x128xi32, #tpu.memory_space<hbm>> -> memref<16x128xi32, #tpu.memory_space<hbm>>
      %dma_wait3A_382 = arith.constant 0 : i32
      %dma_wait3A_383 = arith.constant 0 : i32
      %dma_wait3A_384 = tpu.memref_slice %arg6[%dma_wait3A_382, %dma_wait3A_383] : memref<160x128xi32, #tpu.memory_space<vmem>> -> memref<16x128xi32, #tpu.memory_space<vmem>>
      %dma_wait3A_385 = arith.constant 0 : i32
      %dma_wait3A_386 = arith.constant 0 : i32
      %dma_wait3A_387 = tpu.memref_slice %arg2[%dma_wait3A_385, %dma_wait3A_386] : memref<2560x128xi32, #tpu.memory_space<hbm>> -> memref<16x128xi32, #tpu.memory_space<hbm>>
      tpu.wait_dma2 semaphore(%arg12 : memref<!tpu.dma_semaphore, #tpu.memory_space<semaphore_mem>>) src(%dma_wait3A_387 : memref<16x128xi32, #tpu.memory_space<hbm>>) dst(%dma_wait3A_384 : memref<16x128xi32, #tpu.memory_space<vmem>>)
      %dma_wait3A_388 = arith.constant 0 : i32
      %dma_wait3A_389 = arith.constant 0 : i32
      %dma_wait3A_390 = tpu.memref_slice %arg7[%dma_wait3A_388, %dma_wait3A_389] : memref<160x128xi32, #tpu.memory_space<vmem>> -> memref<16x128xi32, #tpu.memory_space<vmem>>
      %dma_wait3A_391 = arith.constant 0 : i32
      %dma_wait3A_392 = arith.constant 0 : i32
      %dma_wait3A_393 = tpu.memref_slice %arg3[%dma_wait3A_391, %dma_wait3A_392] : memref<2560x128xi32, #tpu.memory_space<hbm>> -> memref<16x128xi32, #tpu.memory_space<hbm>>
      %dma_wait3A_394 = arith.constant 0 : i32
      %dma_wait3A_395 = arith.constant 0 : i32
      %dma_wait3A_396 = tpu.memref_slice %arg7[%dma_wait3A_394, %dma_wait3A_395] : memref<160x128xi32, #tpu.memory_space<vmem>> -> memref<16x128xi32, #tpu.memory_space<vmem>>
      %dma_wait3A_397 = arith.constant 0 : i32
      %dma_wait3A_398 = arith.constant 0 : i32
      %dma_wait3A_399 = tpu.memref_slice %arg3[%dma_wait3A_397, %dma_wait3A_398] : memref<2560x128xi32, #tpu.memory_space<hbm>> -> memref<16x128xi32, #tpu.memory_space<hbm>>
      tpu.wait_dma2 semaphore(%arg13 : memref<!tpu.dma_semaphore, #tpu.memory_space<semaphore_mem>>) src(%dma_wait3A_399 : memref<16x128xi32, #tpu.memory_space<hbm>>) dst(%dma_wait3A_396 : memref<16x128xi32, #tpu.memory_space<vmem>>)
    }
    %scan3A_33 = arith.constant 10 : i32
    %barrier3A_34 = arith.constant 0 : index
    tpu.barrier barrier_id(%barrier3A_34)
    %mul3A_35 = arith.constant 640 : i32
    %mul3A_36 = arith.muli %arg1, %mul3A_35 : i32
    "tpu.region"() ({
      %run_scoped3A = tpu.sem_alloc : memref<!tpu.dma_semaphore, #tpu.memory_space<semaphore_mem>>
      %dma_start3A_55 = tpu.memref_slice %arg10[%mul3A_36] : memref<10240xf32, #tpu.memory_space<vmem_shared>> -> memref<640xf32, #tpu.memory_space<vmem_shared>>
      %dma_start3A_56 = tpu.memref_slice %arg10[%mul3A_36] : memref<10240xf32, #tpu.memory_space<vmem_shared>> -> memref<640xf32, #tpu.memory_space<vmem_shared>>
      tpu.enqueue_dma source(%dma_start3A_56 : memref<640xf32, #tpu.memory_space<vmem_shared>>) target(%arg9 : memref<640xf32, #tpu.memory_space<vmem>>) target_semaphore(%run_scoped3A : memref<!tpu.dma_semaphore, #tpu.memory_space<semaphore_mem>>)
      %dma_wait3A_57 = tpu.memref_slice %arg10[%mul3A_36] : memref<10240xf32, #tpu.memory_space<vmem_shared>> -> memref<640xf32, #tpu.memory_space<vmem_shared>>
      %dma_wait3A_58 = tpu.memref_slice %arg10[%mul3A_36] : memref<10240xf32, #tpu.memory_space<vmem_shared>> -> memref<640xf32, #tpu.memory_space<vmem_shared>>
      tpu.wait_dma2 semaphore(%run_scoped3A : memref<!tpu.dma_semaphore, #tpu.memory_space<semaphore_mem>>) src(%dma_wait3A_58 : memref<640xf32, #tpu.memory_space<vmem_shared>>) dst(%arg9 : memref<640xf32, #tpu.memory_space<vmem>>)
      tpu.yield
    }) : () -> ()
    %mul3A_37 = arith.constant 2 : i32
    %mul3A_38 = arith.muli %mul3A_37, %arg0 : i32
    %mul3A_39 = arith.constant 10240 : i32
    %mul3A_40 = arith.muli %mul3A_38, %mul3A_39 : i32
    %mul3A_41 = arith.constant 640 : i32
    %mul3A_42 = arith.muli %arg1, %mul3A_41 : i32
    %add3A_43 = arith.addi %mul3A_40, %mul3A_42 : i32
    "tpu.region"() ({
      %run_scoped3A = tpu.sem_alloc : memref<!tpu.dma_semaphore, #tpu.memory_space<semaphore_mem>>
      %dma_start3A_55 = tpu.memref_slice %arg5[%add3A_43] : memref<40960xf32, #tpu.memory_space<hbm>> -> memref<640xf32, #tpu.memory_space<hbm>>
      %dma_start3A_56 = tpu.memref_slice %arg5[%add3A_43] : memref<40960xf32, #tpu.memory_space<hbm>> -> memref<640xf32, #tpu.memory_space<hbm>>
      tpu.enqueue_dma source(%arg9 : memref<640xf32, #tpu.memory_space<vmem>>) target(%dma_start3A_56 : memref<640xf32, #tpu.memory_space<hbm>>) target_semaphore(%run_scoped3A : memref<!tpu.dma_semaphore, #tpu.memory_space<semaphore_mem>>)
      %dma_wait3A_57 = tpu.memref_slice %arg5[%add3A_43] : memref<40960xf32, #tpu.memory_space<hbm>> -> memref<640xf32, #tpu.memory_space<hbm>>
      %dma_wait3A_58 = tpu.memref_slice %arg5[%add3A_43] : memref<40960xf32, #tpu.memory_space<hbm>> -> memref<640xf32, #tpu.memory_space<hbm>>
      tpu.wait_dma2 semaphore(%run_scoped3A : memref<!tpu.dma_semaphore, #tpu.memory_space<semaphore_mem>>) src(%arg9 : memref<640xf32, #tpu.memory_space<vmem>>) dst(%dma_wait3A_58 : memref<640xf32, #tpu.memory_space<hbm>>)
      tpu.yield
    }) : () -> ()
    %mul3A_44 = arith.constant 640 : i32
    %mul3A_45 = arith.muli %arg1, %mul3A_44 : i32
    "tpu.region"() ({
      %run_scoped3A = tpu.sem_alloc : memref<!tpu.dma_semaphore, #tpu.memory_space<semaphore_mem>>
      %dma_start3A_55 = tpu.memref_slice %arg11[%mul3A_45] : memref<10240xf32, #tpu.memory_space<vmem_shared>> -> memref<640xf32, #tpu.memory_space<vmem_shared>>
      %dma_start3A_56 = tpu.memref_slice %arg11[%mul3A_45] : memref<10240xf32, #tpu.memory_space<vmem_shared>> -> memref<640xf32, #tpu.memory_space<vmem_shared>>
      tpu.enqueue_dma source(%dma_start3A_56 : memref<640xf32, #tpu.memory_space<vmem_shared>>) target(%arg9 : memref<640xf32, #tpu.memory_space<vmem>>) target_semaphore(%run_scoped3A : memref<!tpu.dma_semaphore, #tpu.memory_space<semaphore_mem>>)
      %dma_wait3A_57 = tpu.memref_slice %arg11[%mul3A_45] : memref<10240xf32, #tpu.memory_space<vmem_shared>> -> memref<640xf32, #tpu.memory_space<vmem_shared>>
      %dma_wait3A_58 = tpu.memref_slice %arg11[%mul3A_45] : memref<10240xf32, #tpu.memory_space<vmem_shared>> -> memref<640xf32, #tpu.memory_space<vmem_shared>>
      tpu.wait_dma2 semaphore(%run_scoped3A : memref<!tpu.dma_semaphore, #tpu.memory_space<semaphore_mem>>) src(%dma_wait3A_58 : memref<640xf32, #tpu.memory_space<vmem_shared>>) dst(%arg9 : memref<640xf32, #tpu.memory_space<vmem>>)
      tpu.yield
    }) : () -> ()
    %mul3A_46 = arith.constant 2 : i32
    %mul3A_47 = arith.muli %mul3A_46, %arg0 : i32
    %add3A_48 = arith.constant 1 : i32
    %add3A_49 = arith.addi %mul3A_47, %add3A_48 : i32
    %mul3A_50 = arith.constant 10240 : i32
    %mul3A_51 = arith.muli %add3A_49, %mul3A_50 : i32
    %mul3A_52 = arith.constant 640 : i32
    %mul3A_53 = arith.muli %arg1, %mul3A_52 : i32
    %add3A_54 = arith.addi %mul3A_51, %mul3A_53 : i32
    "tpu.region"() ({
      %run_scoped3A = tpu.sem_alloc : memref<!tpu.dma_semaphore, #tpu.memory_space<semaphore_mem>>
      %dma_start3A_55 = tpu.memref_slice %arg5[%add3A_54] : memref<40960xf32, #tpu.memory_space<hbm>> -> memref<640xf32, #tpu.memory_space<hbm>>
      %dma_start3A_56 = tpu.memref_slice %arg5[%add3A_54] : memref<40960xf32, #tpu.memory_space<hbm>> -> memref<640xf32, #tpu.memory_space<hbm>>
      tpu.enqueue_dma source(%arg9 : memref<640xf32, #tpu.memory_space<vmem>>) target(%dma_start3A_56 : memref<640xf32, #tpu.memory_space<hbm>>) target_semaphore(%run_scoped3A : memref<!tpu.dma_semaphore, #tpu.memory_space<semaphore_mem>>)
      %dma_wait3A_57 = tpu.memref_slice %arg5[%add3A_54] : memref<40960xf32, #tpu.memory_space<hbm>> -> memref<640xf32, #tpu.memory_space<hbm>>
      %dma_wait3A_58 = tpu.memref_slice %arg5[%add3A_54] : memref<40960xf32, #tpu.memory_space<hbm>> -> memref<640xf32, #tpu.memory_space<hbm>>
      tpu.wait_dma2 semaphore(%run_scoped3A : memref<!tpu.dma_semaphore, #tpu.memory_space<semaphore_mem>>) src(%arg9 : memref<640xf32, #tpu.memory_space<vmem>>) dst(%dma_wait3A_58 : memref<640xf32, #tpu.memory_space<hbm>>)
      tpu.yield
    }) : () -> ()
    return
  }
}

#map = affine_map<(d0, d1) -> (0, 0)>
module attributes {stable_mosaic.version = 14 : i64} {
  func.func @_agg_kernel(%arg0: i32, %arg1: i32, %arg2: memref<10240x128xf32, #tpu.memory_space<hbm>>, %arg3: memref<10240x128xf32, #tpu.memory_space<hbm>>, %arg4: memref<5120x64xi32, #tpu.memory_space<hbm>>, %arg5: memref<5120x64xi32, #tpu.memory_space<hbm>>, %arg6: memref<5120x64xi32, #tpu.memory_space<hbm>>, %arg7: memref<64x128xf32, #tpu.memory_space<hbm>>, %arg8: memref<20480x128xf32, #tpu.memory_space<hbm>>, %arg9: memref<32x64xi32, #tpu.memory_space<vmem>>, %arg10: memref<32x64xi32, #tpu.memory_space<vmem>>, %arg11: memref<64x128xf32, #tpu.memory_space<vmem>>, %arg12: memref<64x128xf32, #tpu.memory_space<vmem>>, %arg13: memref<64x128xf32, #tpu.memory_space<vmem>>, %arg14: memref<64x128xf32, #tpu.memory_space<vmem>>, %arg15: memref<10240x128xf32, #tpu.memory_space<vmem_shared>>, %arg16: memref<!tpu.dma_semaphore, #tpu.memory_space<semaphore_mem>>, %arg17: memref<!tpu.dma_semaphore, #tpu.memory_space<semaphore_mem>>, %arg18: memref<!tpu.dma_semaphore, #tpu.memory_space<semaphore_mem>>, %arg19: memref<!tpu.dma_semaphore, #tpu.memory_space<semaphore_mem>>, %arg20: memref<!tpu.dma_semaphore, #tpu.memory_space<semaphore_mem>>) attributes {dimension_semantics = [#tpu.dimension_semantics<core_parallel>, #tpu.dimension_semantics<subcore_parallel>], iteration_bounds = array<i64: 2, 16>, scalar_prefetch = 0 : i64, scratch_operands = 12 : i64, tpu.core_type = #tpu.core_type<sc_vector_subcore>, window_params = [{transform_indices = #map}, {transform_indices = #map}, {transform_indices = #map}, {transform_indices = #map}, {transform_indices = #map}, {transform_indices = #map}, {transform_indices = #map}]} {
    "tpu.region"() ({
      %run_scoped3A = tpu.sem_alloc : memref<!tpu.dma_semaphore, #tpu.memory_space<semaphore_mem>>
      tpu.enqueue_dma source(%arg7 : memref<64x128xf32, #tpu.memory_space<hbm>>) target(%arg11 : memref<64x128xf32, #tpu.memory_space<vmem>>) target_semaphore(%run_scoped3A : memref<!tpu.dma_semaphore, #tpu.memory_space<semaphore_mem>>)
      tpu.wait_dma2 semaphore(%run_scoped3A : memref<!tpu.dma_semaphore, #tpu.memory_space<semaphore_mem>>) src(%arg7 : memref<64x128xf32, #tpu.memory_space<hbm>>) dst(%arg11 : memref<64x128xf32, #tpu.memory_space<vmem>>)
      tpu.yield
    }) : () -> ()
    %scan3A = arith.constant 0 : i32
    %scan3A_0 = arith.constant 10 : i32
    %scan3A_1 = arith.addi %scan3A, %scan3A_0 : i32
    %scan3A_2 = arith.constant 1 : i32
    scf.for %scan3A_17 = %scan3A to %scan3A_1 step %scan3A_2  : i32 {
      %mul3A = arith.constant 640 : i32
      %mul3A_18 = arith.muli %arg1, %mul3A : i32
      %mul3A_19 = arith.constant 64 : i32
      %mul3A_20 = arith.muli %scan3A_17, %mul3A_19 : i32
      %add3A = arith.addi %mul3A_18, %mul3A_20 : i32
      "tpu.region"() ({
        %run_scoped3A = tpu.sem_alloc : memref<!tpu.dma_semaphore, #tpu.memory_space<semaphore_mem>>
        %dma_start3A = arith.constant 0 : i32
        %dma_start3A_21 = tpu.memref_slice %arg15[%add3A, %dma_start3A] : memref<10240x128xf32, #tpu.memory_space<vmem_shared>> -> memref<64x128xf32, #tpu.memory_space<vmem_shared>>
        %dma_start3A_22 = arith.constant 0 : i32
        %dma_start3A_23 = tpu.memref_slice %arg15[%add3A, %dma_start3A_22] : memref<10240x128xf32, #tpu.memory_space<vmem_shared>> -> memref<64x128xf32, #tpu.memory_space<vmem_shared>>
        tpu.enqueue_dma source(%arg11 : memref<64x128xf32, #tpu.memory_space<vmem>>) target(%dma_start3A_23 : memref<64x128xf32, #tpu.memory_space<vmem_shared>>) target_semaphore(%run_scoped3A : memref<!tpu.dma_semaphore, #tpu.memory_space<semaphore_mem>>)
        %dma_wait3A = arith.constant 0 : i32
        %dma_wait3A_24 = tpu.memref_slice %arg15[%add3A, %dma_wait3A] : memref<10240x128xf32, #tpu.memory_space<vmem_shared>> -> memref<64x128xf32, #tpu.memory_space<vmem_shared>>
        %dma_wait3A_25 = arith.constant 0 : i32
        %dma_wait3A_26 = tpu.memref_slice %arg15[%add3A, %dma_wait3A_25] : memref<10240x128xf32, #tpu.memory_space<vmem_shared>> -> memref<64x128xf32, #tpu.memory_space<vmem_shared>>
        tpu.wait_dma2 semaphore(%run_scoped3A : memref<!tpu.dma_semaphore, #tpu.memory_space<semaphore_mem>>) src(%arg11 : memref<64x128xf32, #tpu.memory_space<vmem>>) dst(%dma_wait3A_26 : memref<64x128xf32, #tpu.memory_space<vmem_shared>>)
        tpu.yield
      }) : () -> ()
    }
    %scan3A_3 = arith.constant 10 : i32
    %barrier3A = arith.constant 0 : index
    tpu.barrier barrier_id(%barrier3A)
    %eq3A = arith.constant 0 : i32
    %eq3A_4 = arith.cmpi eq, %arg0, %eq3A : i32
    %convert_element_type3A = arith.extui %eq3A_4 : i1 to i32
    %cond3A = arith.constant 0 : i32
    %cond3A_5 = arith.cmpi ne, %convert_element_type3A, %cond3A : i32
    scf.if %cond3A_5 {
      %scan3A_17 = arith.constant 0 : i32
      %scan3A_18 = arith.constant 80 : i32
      %scan3A_19 = arith.addi %scan3A_17, %scan3A_18 : i32
      %scan3A_20 = arith.constant 1 : i32
      scf.for %scan3A_22 = %scan3A_17 to %scan3A_19 step %scan3A_20  : i32 {
        %jit3A = arith.constant 8 : i32
        %eq3A_23 = arith.constant 0 : i32
        %eq3A_24 = arith.cmpi eq, %jit3A, %eq3A_23 : i32
        %jit3A_25 = arith.constant 1 : i32
        %select_n3A = arith.select %eq3A_24, %jit3A_25, %jit3A : i32
        %rem3A = arith.remsi %scan3A_22, %select_n3A : i32
        %ne3A = arith.constant 0 : i32
        %ne3A_26 = arith.cmpi ne, %rem3A, %ne3A : i32
        %lt3A = arith.constant 0 : i32
        %lt3A_27 = arith.cmpi slt, %rem3A, %lt3A : i32
        %lt3A_28 = arith.constant 0 : i32
        %lt3A_29 = arith.cmpi slt, %select_n3A, %lt3A_28 : i32
        %ne3A_30 = arith.xori %lt3A_27, %lt3A_29 : i1
        %and3A = arith.andi %ne3A_30, %ne3A_26 : i1
        %add3A = arith.addi %rem3A, %select_n3A : i32
        %select_n3A_31 = arith.select %and3A, %add3A, %rem3A : i32
        %eq3A_32 = arith.constant 0 : i32
        %eq3A_33 = arith.cmpi eq, %select_n3A_31, %eq3A_32 : i32
        %convert_element_type3A_34 = arith.extui %eq3A_33 : i1 to i32
        %cond3A_35 = arith.constant 0 : i32
        %cond3A_36 = arith.cmpi ne, %convert_element_type3A_34, %cond3A_35 : i32
        scf.if %cond3A_36 {
          %jit3A_159 = arith.constant 8 : i32
          %div3A = arith.divsi %scan3A_22, %jit3A_159 : i32
          %sign3A = arith.constant 0 : i32
          %sign3A_160 = arith.cmpi sgt, %scan3A_22, %sign3A : i32
          %sign3A_161 = arith.extui %sign3A_160 : i1 to i32
          %sign3A_162 = arith.constant 0 : i32
          %sign3A_163 = arith.cmpi slt, %scan3A_22, %sign3A_162 : i32
          %sign3A_164 = arith.extui %sign3A_163 : i1 to i32
          %sign3A_165 = arith.subi %sign3A_161, %sign3A_164 : i32
          %sign3A_166 = arith.constant 0 : i32
          %sign3A_167 = arith.cmpi sgt, %jit3A_159, %sign3A_166 : i32
          %sign3A_168 = arith.extui %sign3A_167 : i1 to i32
          %sign3A_169 = arith.constant 0 : i32
          %sign3A_170 = arith.cmpi slt, %jit3A_159, %sign3A_169 : i32
          %sign3A_171 = arith.extui %sign3A_170 : i1 to i32
          %sign3A_172 = arith.subi %sign3A_168, %sign3A_171 : i32
          %ne3A_173 = arith.cmpi ne, %sign3A_165, %sign3A_172 : i32
          %rem3A_174 = arith.remsi %scan3A_22, %jit3A_159 : i32
          %ne3A_175 = arith.constant 0 : i32
          %ne3A_176 = arith.cmpi ne, %rem3A_174, %ne3A_175 : i32
          %and3A_177 = arith.andi %ne3A_173, %ne3A_176 : i1
          %sub3A = arith.constant 1 : i32
          %sub3A_178 = arith.subi %div3A, %sub3A : i32
          %select_n3A_179 = arith.select %and3A_177, %sub3A_178, %div3A : i32
          %mul3A_180 = arith.constant 320 : i32
          %mul3A_181 = arith.muli %arg1, %mul3A_180 : i32
          %mul3A_182 = arith.constant 32 : i32
          %mul3A_183 = arith.muli %select_n3A_179, %mul3A_182 : i32
          %add3A_184 = arith.addi %mul3A_181, %mul3A_183 : i32
          %dma_start3A_185 = arith.constant 0 : i32
          %dma_start3A_186 = tpu.memref_slice %arg4[%add3A_184, %dma_start3A_185] : memref<5120x64xi32, #tpu.memory_space<hbm>> -> memref<32x64xi32, #tpu.memory_space<hbm>>
          %dma_start3A_187 = arith.constant 0 : i32
          %dma_start3A_188 = tpu.memref_slice %arg4[%add3A_184, %dma_start3A_187] : memref<5120x64xi32, #tpu.memory_space<hbm>> -> memref<32x64xi32, #tpu.memory_space<hbm>>
          tpu.enqueue_dma source(%dma_start3A_188 : memref<32x64xi32, #tpu.memory_space<hbm>>) target(%arg9 : memref<32x64xi32, #tpu.memory_space<vmem>>) target_semaphore(%arg20 : memref<!tpu.dma_semaphore, #tpu.memory_space<semaphore_mem>>)
          %mul3A_189 = arith.constant 320 : i32
          %mul3A_190 = arith.muli %arg1, %mul3A_189 : i32
          %mul3A_191 = arith.constant 32 : i32
          %mul3A_192 = arith.muli %select_n3A_179, %mul3A_191 : i32
          %add3A_193 = arith.addi %mul3A_190, %mul3A_192 : i32
          %dma_start3A_194 = arith.constant 0 : i32
          %dma_start3A_195 = tpu.memref_slice %arg6[%add3A_193, %dma_start3A_194] : memref<5120x64xi32, #tpu.memory_space<hbm>> -> memref<32x64xi32, #tpu.memory_space<hbm>>
          %dma_start3A_196 = arith.constant 0 : i32
          %dma_start3A_197 = tpu.memref_slice %arg6[%add3A_193, %dma_start3A_196] : memref<5120x64xi32, #tpu.memory_space<hbm>> -> memref<32x64xi32, #tpu.memory_space<hbm>>
          tpu.enqueue_dma source(%dma_start3A_197 : memref<32x64xi32, #tpu.memory_space<hbm>>) target(%arg10 : memref<32x64xi32, #tpu.memory_space<vmem>>) target_semaphore(%arg20 : memref<!tpu.dma_semaphore, #tpu.memory_space<semaphore_mem>>)
          %dma_wait3A_198 = arith.constant 0 : i32
          %dma_wait3A_199 = tpu.memref_slice %arg4[%add3A_184, %dma_wait3A_198] : memref<5120x64xi32, #tpu.memory_space<hbm>> -> memref<32x64xi32, #tpu.memory_space<hbm>>
          %dma_wait3A_200 = arith.constant 0 : i32
          %dma_wait3A_201 = tpu.memref_slice %arg4[%add3A_184, %dma_wait3A_200] : memref<5120x64xi32, #tpu.memory_space<hbm>> -> memref<32x64xi32, #tpu.memory_space<hbm>>
          tpu.wait_dma2 semaphore(%arg20 : memref<!tpu.dma_semaphore, #tpu.memory_space<semaphore_mem>>) src(%dma_wait3A_201 : memref<32x64xi32, #tpu.memory_space<hbm>>) dst(%arg9 : memref<32x64xi32, #tpu.memory_space<vmem>>)
          %dma_wait3A_202 = arith.constant 0 : i32
          %dma_wait3A_203 = tpu.memref_slice %arg6[%add3A_193, %dma_wait3A_202] : memref<5120x64xi32, #tpu.memory_space<hbm>> -> memref<32x64xi32, #tpu.memory_space<hbm>>
          %dma_wait3A_204 = arith.constant 0 : i32
          %dma_wait3A_205 = tpu.memref_slice %arg6[%add3A_193, %dma_wait3A_204] : memref<5120x64xi32, #tpu.memory_space<hbm>> -> memref<32x64xi32, #tpu.memory_space<hbm>>
          tpu.wait_dma2 semaphore(%arg20 : memref<!tpu.dma_semaphore, #tpu.memory_space<semaphore_mem>>) src(%dma_wait3A_205 : memref<32x64xi32, #tpu.memory_space<hbm>>) dst(%arg10 : memref<32x64xi32, #tpu.memory_space<vmem>>)
        } else {
        }
        %jit3A_37 = arith.constant 8 : i32
        %eq3A_38 = arith.constant 0 : i32
        %eq3A_39 = arith.cmpi eq, %jit3A_37, %eq3A_38 : i32
        %jit3A_40 = arith.constant 1 : i32
        %select_n3A_41 = arith.select %eq3A_39, %jit3A_40, %jit3A_37 : i32
        %rem3A_42 = arith.remsi %scan3A_22, %select_n3A_41 : i32
        %ne3A_43 = arith.constant 0 : i32
        %ne3A_44 = arith.cmpi ne, %rem3A_42, %ne3A_43 : i32
        %lt3A_45 = arith.constant 0 : i32
        %lt3A_46 = arith.cmpi slt, %rem3A_42, %lt3A_45 : i32
        %lt3A_47 = arith.constant 0 : i32
        %lt3A_48 = arith.cmpi slt, %select_n3A_41, %lt3A_47 : i32
        %ne3A_49 = arith.xori %lt3A_46, %lt3A_48 : i1
        %and3A_50 = arith.andi %ne3A_49, %ne3A_44 : i1
        %add3A_51 = arith.addi %rem3A_42, %select_n3A_41 : i32
        %select_n3A_52 = arith.select %and3A_50, %add3A_51, %rem3A_42 : i32
        %mul3A = arith.constant 4 : i32
        %mul3A_53 = arith.muli %select_n3A_52, %mul3A : i32
        %gt3A = arith.constant 0 : i32
        %gt3A_54 = arith.cmpi sgt, %scan3A_22, %gt3A : i32
        %convert_element_type3A_55 = arith.extui %gt3A_54 : i1 to i32
        %cond3A_56 = arith.constant 0 : i32
        %cond3A_57 = arith.cmpi ne, %convert_element_type3A_55, %cond3A_56 : i32
        scf.if %cond3A_57 {
          tpu.wait_dma2 semaphore(%arg16 : memref<!tpu.dma_semaphore, #tpu.memory_space<semaphore_mem>>) src(%arg7 : memref<64x128xf32, #tpu.memory_space<hbm>>) dst(%arg11 : memref<64x128xf32, #tpu.memory_space<vmem>>)
        } else {
        }
        %add3A_58 = arith.constant 0 : i32
        %add3A_59 = arith.addi %mul3A_53, %add3A_58 : i32
        %dma_start3A = arith.constant 0 : i32
        %dma_start3A_60 = tpu.memref_slice %arg9[%add3A_59, %dma_start3A] : memref<32x64xi32, #tpu.memory_space<vmem>> -> memref<1x64xi32, #tpu.memory_space<vmem>>
        %dma_start3A_61 = tpu.memref_squeeze %dma_start3A_60 : memref<1x64xi32, #tpu.memory_space<vmem>> -> memref<64xi32, #tpu.memory_space<vmem>>
        %dma_start3A_62 = arith.constant 0 : i32
        %dma_start3A_63 = arith.constant 0 : i32
        %dma_start3A_64 = tpu.memref_slice %arg2[%dma_start3A_62, %dma_start3A_63] : memref<10240x128xf32, #tpu.memory_space<hbm>> -> memref<10240x128xf32, #tpu.memory_space<hbm>>
        tpu.enqueue_indirect_dma source(%dma_start3A_64 : memref<10240x128xf32, #tpu.memory_space<hbm>>) target(%arg11 : memref<64x128xf32, #tpu.memory_space<vmem>>) offsets(%dma_start3A_61 : memref<64xi32, #tpu.memory_space<vmem>>) semaphore(%arg16 : memref<!tpu.dma_semaphore, #tpu.memory_space<semaphore_mem>>)
        %gt3A_65 = arith.constant 0 : i32
        %gt3A_66 = arith.cmpi sgt, %scan3A_22, %gt3A_65 : i32
        %convert_element_type3A_67 = arith.extui %gt3A_66 : i1 to i32
        %cond3A_68 = arith.constant 0 : i32
        %cond3A_69 = arith.cmpi ne, %convert_element_type3A_67, %cond3A_68 : i32
        scf.if %cond3A_69 {
          tpu.wait_dma2 semaphore(%arg17 : memref<!tpu.dma_semaphore, #tpu.memory_space<semaphore_mem>>) src(%arg7 : memref<64x128xf32, #tpu.memory_space<hbm>>) dst(%arg12 : memref<64x128xf32, #tpu.memory_space<vmem>>)
        } else {
        }
        %add3A_70 = arith.constant 1 : i32
        %add3A_71 = arith.addi %mul3A_53, %add3A_70 : i32
        %dma_start3A_72 = arith.constant 0 : i32
        %dma_start3A_73 = tpu.memref_slice %arg9[%add3A_71, %dma_start3A_72] : memref<32x64xi32, #tpu.memory_space<vmem>> -> memref<1x64xi32, #tpu.memory_space<vmem>>
        %dma_start3A_74 = tpu.memref_squeeze %dma_start3A_73 : memref<1x64xi32, #tpu.memory_space<vmem>> -> memref<64xi32, #tpu.memory_space<vmem>>
        %dma_start3A_75 = arith.constant 0 : i32
        %dma_start3A_76 = arith.constant 0 : i32
        %dma_start3A_77 = tpu.memref_slice %arg2[%dma_start3A_75, %dma_start3A_76] : memref<10240x128xf32, #tpu.memory_space<hbm>> -> memref<10240x128xf32, #tpu.memory_space<hbm>>
        tpu.enqueue_indirect_dma source(%dma_start3A_77 : memref<10240x128xf32, #tpu.memory_space<hbm>>) target(%arg12 : memref<64x128xf32, #tpu.memory_space<vmem>>) offsets(%dma_start3A_74 : memref<64xi32, #tpu.memory_space<vmem>>) semaphore(%arg17 : memref<!tpu.dma_semaphore, #tpu.memory_space<semaphore_mem>>)
        %gt3A_78 = arith.constant 0 : i32
        %gt3A_79 = arith.cmpi sgt, %scan3A_22, %gt3A_78 : i32
        %convert_element_type3A_80 = arith.extui %gt3A_79 : i1 to i32
        %cond3A_81 = arith.constant 0 : i32
        %cond3A_82 = arith.cmpi ne, %convert_element_type3A_80, %cond3A_81 : i32
        scf.if %cond3A_82 {
          tpu.wait_dma2 semaphore(%arg18 : memref<!tpu.dma_semaphore, #tpu.memory_space<semaphore_mem>>) src(%arg7 : memref<64x128xf32, #tpu.memory_space<hbm>>) dst(%arg13 : memref<64x128xf32, #tpu.memory_space<vmem>>)
        } else {
        }
        %add3A_83 = arith.constant 2 : i32
        %add3A_84 = arith.addi %mul3A_53, %add3A_83 : i32
        %dma_start3A_85 = arith.constant 0 : i32
        %dma_start3A_86 = tpu.memref_slice %arg9[%add3A_84, %dma_start3A_85] : memref<32x64xi32, #tpu.memory_space<vmem>> -> memref<1x64xi32, #tpu.memory_space<vmem>>
        %dma_start3A_87 = tpu.memref_squeeze %dma_start3A_86 : memref<1x64xi32, #tpu.memory_space<vmem>> -> memref<64xi32, #tpu.memory_space<vmem>>
        %dma_start3A_88 = arith.constant 0 : i32
        %dma_start3A_89 = arith.constant 0 : i32
        %dma_start3A_90 = tpu.memref_slice %arg2[%dma_start3A_88, %dma_start3A_89] : memref<10240x128xf32, #tpu.memory_space<hbm>> -> memref<10240x128xf32, #tpu.memory_space<hbm>>
        tpu.enqueue_indirect_dma source(%dma_start3A_90 : memref<10240x128xf32, #tpu.memory_space<hbm>>) target(%arg13 : memref<64x128xf32, #tpu.memory_space<vmem>>) offsets(%dma_start3A_87 : memref<64xi32, #tpu.memory_space<vmem>>) semaphore(%arg18 : memref<!tpu.dma_semaphore, #tpu.memory_space<semaphore_mem>>)
        %gt3A_91 = arith.constant 0 : i32
        %gt3A_92 = arith.cmpi sgt, %scan3A_22, %gt3A_91 : i32
        %convert_element_type3A_93 = arith.extui %gt3A_92 : i1 to i32
        %cond3A_94 = arith.constant 0 : i32
        %cond3A_95 = arith.cmpi ne, %convert_element_type3A_93, %cond3A_94 : i32
        scf.if %cond3A_95 {
          tpu.wait_dma2 semaphore(%arg19 : memref<!tpu.dma_semaphore, #tpu.memory_space<semaphore_mem>>) src(%arg7 : memref<64x128xf32, #tpu.memory_space<hbm>>) dst(%arg14 : memref<64x128xf32, #tpu.memory_space<vmem>>)
        } else {
        }
        %add3A_96 = arith.constant 3 : i32
        %add3A_97 = arith.addi %mul3A_53, %add3A_96 : i32
        %dma_start3A_98 = arith.constant 0 : i32
        %dma_start3A_99 = tpu.memref_slice %arg9[%add3A_97, %dma_start3A_98] : memref<32x64xi32, #tpu.memory_space<vmem>> -> memref<1x64xi32, #tpu.memory_space<vmem>>
        %dma_start3A_100 = tpu.memref_squeeze %dma_start3A_99 : memref<1x64xi32, #tpu.memory_space<vmem>> -> memref<64xi32, #tpu.memory_space<vmem>>
        %dma_start3A_101 = arith.constant 0 : i32
        %dma_start3A_102 = arith.constant 0 : i32
        %dma_start3A_103 = tpu.memref_slice %arg2[%dma_start3A_101, %dma_start3A_102] : memref<10240x128xf32, #tpu.memory_space<hbm>> -> memref<10240x128xf32, #tpu.memory_space<hbm>>
        tpu.enqueue_indirect_dma source(%dma_start3A_103 : memref<10240x128xf32, #tpu.memory_space<hbm>>) target(%arg14 : memref<64x128xf32, #tpu.memory_space<vmem>>) offsets(%dma_start3A_100 : memref<64xi32, #tpu.memory_space<vmem>>) semaphore(%arg19 : memref<!tpu.dma_semaphore, #tpu.memory_space<semaphore_mem>>)
        %dma_wait3A = arith.constant 0 : i32
        %dma_wait3A_104 = tpu.memref_slice %arg9[%add3A_59, %dma_wait3A] : memref<32x64xi32, #tpu.memory_space<vmem>> -> memref<1x64xi32, #tpu.memory_space<vmem>>
        %dma_wait3A_105 = tpu.memref_squeeze %dma_wait3A_104 : memref<1x64xi32, #tpu.memory_space<vmem>> -> memref<64xi32, #tpu.memory_space<vmem>>
        %dma_wait3A_106 = arith.constant 0 : i32
        %dma_wait3A_107 = arith.constant 0 : i32
        %dma_wait3A_108 = tpu.memref_slice %arg2[%dma_wait3A_106, %dma_wait3A_107] : memref<10240x128xf32, #tpu.memory_space<hbm>> -> memref<10240x128xf32, #tpu.memory_space<hbm>>
        tpu.wait_indirect_dma semaphore(%arg16 : memref<!tpu.dma_semaphore, #tpu.memory_space<semaphore_mem>>) src(%dma_wait3A_108 : memref<10240x128xf32, #tpu.memory_space<hbm>>) dst(%arg11 : memref<64x128xf32, #tpu.memory_space<vmem>>)
        %add3A_109 = arith.constant 0 : i32
        %add3A_110 = arith.addi %mul3A_53, %add3A_109 : i32
        %dma_start3A_111 = arith.constant 0 : i32
        %dma_start3A_112 = tpu.memref_slice %arg10[%add3A_110, %dma_start3A_111] : memref<32x64xi32, #tpu.memory_space<vmem>> -> memref<1x64xi32, #tpu.memory_space<vmem>>
        %dma_start3A_113 = tpu.memref_squeeze %dma_start3A_112 : memref<1x64xi32, #tpu.memory_space<vmem>> -> memref<64xi32, #tpu.memory_space<vmem>>
        %dma_start3A_114 = arith.constant 0 : i32
        %dma_start3A_115 = arith.constant 0 : i32
        %dma_start3A_116 = tpu.memref_slice %arg15[%dma_start3A_114, %dma_start3A_115] : memref<10240x128xf32, #tpu.memory_space<vmem_shared>> -> memref<10240x128xf32, #tpu.memory_space<vmem_shared>>
        tpu.enqueue_indirect_dma source(%arg11 : memref<64x128xf32, #tpu.memory_space<vmem>>) target(%dma_start3A_116 : memref<10240x128xf32, #tpu.memory_space<vmem_shared>>) offsets(%dma_start3A_113 : memref<64xi32, #tpu.memory_space<vmem>>) semaphore(%arg16 : memref<!tpu.dma_semaphore, #tpu.memory_space<semaphore_mem>>) {add = true}
        %dma_wait3A_117 = arith.constant 0 : i32
        %dma_wait3A_118 = tpu.memref_slice %arg9[%add3A_71, %dma_wait3A_117] : memref<32x64xi32, #tpu.memory_space<vmem>> -> memref<1x64xi32, #tpu.memory_space<vmem>>
        %dma_wait3A_119 = tpu.memref_squeeze %dma_wait3A_118 : memref<1x64xi32, #tpu.memory_space<vmem>> -> memref<64xi32, #tpu.memory_space<vmem>>
        %dma_wait3A_120 = arith.constant 0 : i32
        %dma_wait3A_121 = arith.constant 0 : i32
        %dma_wait3A_122 = tpu.memref_slice %arg2[%dma_wait3A_120, %dma_wait3A_121] : memref<10240x128xf32, #tpu.memory_space<hbm>> -> memref<10240x128xf32, #tpu.memory_space<hbm>>
        tpu.wait_indirect_dma semaphore(%arg17 : memref<!tpu.dma_semaphore, #tpu.memory_space<semaphore_mem>>) src(%dma_wait3A_122 : memref<10240x128xf32, #tpu.memory_space<hbm>>) dst(%arg12 : memref<64x128xf32, #tpu.memory_space<vmem>>)
        %add3A_123 = arith.constant 1 : i32
        %add3A_124 = arith.addi %mul3A_53, %add3A_123 : i32
        %dma_start3A_125 = arith.constant 0 : i32
        %dma_start3A_126 = tpu.memref_slice %arg10[%add3A_124, %dma_start3A_125] : memref<32x64xi32, #tpu.memory_space<vmem>> -> memref<1x64xi32, #tpu.memory_space<vmem>>
        %dma_start3A_127 = tpu.memref_squeeze %dma_start3A_126 : memref<1x64xi32, #tpu.memory_space<vmem>> -> memref<64xi32, #tpu.memory_space<vmem>>
        %dma_start3A_128 = arith.constant 0 : i32
        %dma_start3A_129 = arith.constant 0 : i32
        %dma_start3A_130 = tpu.memref_slice %arg15[%dma_start3A_128, %dma_start3A_129] : memref<10240x128xf32, #tpu.memory_space<vmem_shared>> -> memref<10240x128xf32, #tpu.memory_space<vmem_shared>>
        tpu.enqueue_indirect_dma source(%arg12 : memref<64x128xf32, #tpu.memory_space<vmem>>) target(%dma_start3A_130 : memref<10240x128xf32, #tpu.memory_space<vmem_shared>>) offsets(%dma_start3A_127 : memref<64xi32, #tpu.memory_space<vmem>>) semaphore(%arg17 : memref<!tpu.dma_semaphore, #tpu.memory_space<semaphore_mem>>) {add = true}
        %dma_wait3A_131 = arith.constant 0 : i32
        %dma_wait3A_132 = tpu.memref_slice %arg9[%add3A_84, %dma_wait3A_131] : memref<32x64xi32, #tpu.memory_space<vmem>> -> memref<1x64xi32, #tpu.memory_space<vmem>>
        %dma_wait3A_133 = tpu.memref_squeeze %dma_wait3A_132 : memref<1x64xi32, #tpu.memory_space<vmem>> -> memref<64xi32, #tpu.memory_space<vmem>>
        %dma_wait3A_134 = arith.constant 0 : i32
        %dma_wait3A_135 = arith.constant 0 : i32
        %dma_wait3A_136 = tpu.memref_slice %arg2[%dma_wait3A_134, %dma_wait3A_135] : memref<10240x128xf32, #tpu.memory_space<hbm>> -> memref<10240x128xf32, #tpu.memory_space<hbm>>
        tpu.wait_indirect_dma semaphore(%arg18 : memref<!tpu.dma_semaphore, #tpu.memory_space<semaphore_mem>>) src(%dma_wait3A_136 : memref<10240x128xf32, #tpu.memory_space<hbm>>) dst(%arg13 : memref<64x128xf32, #tpu.memory_space<vmem>>)
        %add3A_137 = arith.constant 2 : i32
        %add3A_138 = arith.addi %mul3A_53, %add3A_137 : i32
        %dma_start3A_139 = arith.constant 0 : i32
        %dma_start3A_140 = tpu.memref_slice %arg10[%add3A_138, %dma_start3A_139] : memref<32x64xi32, #tpu.memory_space<vmem>> -> memref<1x64xi32, #tpu.memory_space<vmem>>
        %dma_start3A_141 = tpu.memref_squeeze %dma_start3A_140 : memref<1x64xi32, #tpu.memory_space<vmem>> -> memref<64xi32, #tpu.memory_space<vmem>>
        %dma_start3A_142 = arith.constant 0 : i32
        %dma_start3A_143 = arith.constant 0 : i32
        %dma_start3A_144 = tpu.memref_slice %arg15[%dma_start3A_142, %dma_start3A_143] : memref<10240x128xf32, #tpu.memory_space<vmem_shared>> -> memref<10240x128xf32, #tpu.memory_space<vmem_shared>>
        tpu.enqueue_indirect_dma source(%arg13 : memref<64x128xf32, #tpu.memory_space<vmem>>) target(%dma_start3A_144 : memref<10240x128xf32, #tpu.memory_space<vmem_shared>>) offsets(%dma_start3A_141 : memref<64xi32, #tpu.memory_space<vmem>>) semaphore(%arg18 : memref<!tpu.dma_semaphore, #tpu.memory_space<semaphore_mem>>) {add = true}
        %dma_wait3A_145 = arith.constant 0 : i32
        %dma_wait3A_146 = tpu.memref_slice %arg9[%add3A_97, %dma_wait3A_145] : memref<32x64xi32, #tpu.memory_space<vmem>> -> memref<1x64xi32, #tpu.memory_space<vmem>>
        %dma_wait3A_147 = tpu.memref_squeeze %dma_wait3A_146 : memref<1x64xi32, #tpu.memory_space<vmem>> -> memref<64xi32, #tpu.memory_space<vmem>>
        %dma_wait3A_148 = arith.constant 0 : i32
        %dma_wait3A_149 = arith.constant 0 : i32
        %dma_wait3A_150 = tpu.memref_slice %arg2[%dma_wait3A_148, %dma_wait3A_149] : memref<10240x128xf32, #tpu.memory_space<hbm>> -> memref<10240x128xf32, #tpu.memory_space<hbm>>
        tpu.wait_indirect_dma semaphore(%arg19 : memref<!tpu.dma_semaphore, #tpu.memory_space<semaphore_mem>>) src(%dma_wait3A_150 : memref<10240x128xf32, #tpu.memory_space<hbm>>) dst(%arg14 : memref<64x128xf32, #tpu.memory_space<vmem>>)
        %add3A_151 = arith.constant 3 : i32
        %add3A_152 = arith.addi %mul3A_53, %add3A_151 : i32
        %dma_start3A_153 = arith.constant 0 : i32
        %dma_start3A_154 = tpu.memref_slice %arg10[%add3A_152, %dma_start3A_153] : memref<32x64xi32, #tpu.memory_space<vmem>> -> memref<1x64xi32, #tpu.memory_space<vmem>>
        %dma_start3A_155 = tpu.memref_squeeze %dma_start3A_154 : memref<1x64xi32, #tpu.memory_space<vmem>> -> memref<64xi32, #tpu.memory_space<vmem>>
        %dma_start3A_156 = arith.constant 0 : i32
        %dma_start3A_157 = arith.constant 0 : i32
        %dma_start3A_158 = tpu.memref_slice %arg15[%dma_start3A_156, %dma_start3A_157] : memref<10240x128xf32, #tpu.memory_space<vmem_shared>> -> memref<10240x128xf32, #tpu.memory_space<vmem_shared>>
        tpu.enqueue_indirect_dma source(%arg14 : memref<64x128xf32, #tpu.memory_space<vmem>>) target(%dma_start3A_158 : memref<10240x128xf32, #tpu.memory_space<vmem_shared>>) offsets(%dma_start3A_155 : memref<64xi32, #tpu.memory_space<vmem>>) semaphore(%arg19 : memref<!tpu.dma_semaphore, #tpu.memory_space<semaphore_mem>>) {add = true}
      }
      %scan3A_21 = arith.constant 80 : i32
      tpu.wait_dma2 semaphore(%arg16 : memref<!tpu.dma_semaphore, #tpu.memory_space<semaphore_mem>>) src(%arg7 : memref<64x128xf32, #tpu.memory_space<hbm>>) dst(%arg11 : memref<64x128xf32, #tpu.memory_space<vmem>>)
      tpu.wait_dma2 semaphore(%arg17 : memref<!tpu.dma_semaphore, #tpu.memory_space<semaphore_mem>>) src(%arg7 : memref<64x128xf32, #tpu.memory_space<hbm>>) dst(%arg12 : memref<64x128xf32, #tpu.memory_space<vmem>>)
      tpu.wait_dma2 semaphore(%arg18 : memref<!tpu.dma_semaphore, #tpu.memory_space<semaphore_mem>>) src(%arg7 : memref<64x128xf32, #tpu.memory_space<hbm>>) dst(%arg13 : memref<64x128xf32, #tpu.memory_space<vmem>>)
      tpu.wait_dma2 semaphore(%arg19 : memref<!tpu.dma_semaphore, #tpu.memory_space<semaphore_mem>>) src(%arg7 : memref<64x128xf32, #tpu.memory_space<hbm>>) dst(%arg14 : memref<64x128xf32, #tpu.memory_space<vmem>>)
    } else {
    }
    %eq3A_6 = arith.constant 1 : i32
    %eq3A_7 = arith.cmpi eq, %arg0, %eq3A_6 : i32
    %convert_element_type3A_8 = arith.extui %eq3A_7 : i1 to i32
    %cond3A_9 = arith.constant 0 : i32
    %cond3A_10 = arith.cmpi ne, %convert_element_type3A_8, %cond3A_9 : i32
    scf.if %cond3A_10 {
      %scan3A_17 = arith.constant 0 : i32
      %scan3A_18 = arith.constant 80 : i32
      %scan3A_19 = arith.addi %scan3A_17, %scan3A_18 : i32
      %scan3A_20 = arith.constant 1 : i32
      scf.for %scan3A_22 = %scan3A_17 to %scan3A_19 step %scan3A_20  : i32 {
        %jit3A = arith.constant 8 : i32
        %eq3A_23 = arith.constant 0 : i32
        %eq3A_24 = arith.cmpi eq, %jit3A, %eq3A_23 : i32
        %jit3A_25 = arith.constant 1 : i32
        %select_n3A = arith.select %eq3A_24, %jit3A_25, %jit3A : i32
        %rem3A = arith.remsi %scan3A_22, %select_n3A : i32
        %ne3A = arith.constant 0 : i32
        %ne3A_26 = arith.cmpi ne, %rem3A, %ne3A : i32
        %lt3A = arith.constant 0 : i32
        %lt3A_27 = arith.cmpi slt, %rem3A, %lt3A : i32
        %lt3A_28 = arith.constant 0 : i32
        %lt3A_29 = arith.cmpi slt, %select_n3A, %lt3A_28 : i32
        %ne3A_30 = arith.xori %lt3A_27, %lt3A_29 : i1
        %and3A = arith.andi %ne3A_30, %ne3A_26 : i1
        %add3A = arith.addi %rem3A, %select_n3A : i32
        %select_n3A_31 = arith.select %and3A, %add3A, %rem3A : i32
        %eq3A_32 = arith.constant 0 : i32
        %eq3A_33 = arith.cmpi eq, %select_n3A_31, %eq3A_32 : i32
        %convert_element_type3A_34 = arith.extui %eq3A_33 : i1 to i32
        %cond3A_35 = arith.constant 0 : i32
        %cond3A_36 = arith.cmpi ne, %convert_element_type3A_34, %cond3A_35 : i32
        scf.if %cond3A_36 {
          %jit3A_159 = arith.constant 8 : i32
          %div3A = arith.divsi %scan3A_22, %jit3A_159 : i32
          %sign3A = arith.constant 0 : i32
          %sign3A_160 = arith.cmpi sgt, %scan3A_22, %sign3A : i32
          %sign3A_161 = arith.extui %sign3A_160 : i1 to i32
          %sign3A_162 = arith.constant 0 : i32
          %sign3A_163 = arith.cmpi slt, %scan3A_22, %sign3A_162 : i32
          %sign3A_164 = arith.extui %sign3A_163 : i1 to i32
          %sign3A_165 = arith.subi %sign3A_161, %sign3A_164 : i32
          %sign3A_166 = arith.constant 0 : i32
          %sign3A_167 = arith.cmpi sgt, %jit3A_159, %sign3A_166 : i32
          %sign3A_168 = arith.extui %sign3A_167 : i1 to i32
          %sign3A_169 = arith.constant 0 : i32
          %sign3A_170 = arith.cmpi slt, %jit3A_159, %sign3A_169 : i32
          %sign3A_171 = arith.extui %sign3A_170 : i1 to i32
          %sign3A_172 = arith.subi %sign3A_168, %sign3A_171 : i32
          %ne3A_173 = arith.cmpi ne, %sign3A_165, %sign3A_172 : i32
          %rem3A_174 = arith.remsi %scan3A_22, %jit3A_159 : i32
          %ne3A_175 = arith.constant 0 : i32
          %ne3A_176 = arith.cmpi ne, %rem3A_174, %ne3A_175 : i32
          %and3A_177 = arith.andi %ne3A_173, %ne3A_176 : i1
          %sub3A = arith.constant 1 : i32
          %sub3A_178 = arith.subi %div3A, %sub3A : i32
          %select_n3A_179 = arith.select %and3A_177, %sub3A_178, %div3A : i32
          %mul3A_180 = arith.constant 320 : i32
          %mul3A_181 = arith.muli %arg1, %mul3A_180 : i32
          %mul3A_182 = arith.constant 32 : i32
          %mul3A_183 = arith.muli %select_n3A_179, %mul3A_182 : i32
          %add3A_184 = arith.addi %mul3A_181, %mul3A_183 : i32
          %dma_start3A_185 = arith.constant 0 : i32
          %dma_start3A_186 = tpu.memref_slice %arg5[%add3A_184, %dma_start3A_185] : memref<5120x64xi32, #tpu.memory_space<hbm>> -> memref<32x64xi32, #tpu.memory_space<hbm>>
          %dma_start3A_187 = arith.constant 0 : i32
          %dma_start3A_188 = tpu.memref_slice %arg5[%add3A_184, %dma_start3A_187] : memref<5120x64xi32, #tpu.memory_space<hbm>> -> memref<32x64xi32, #tpu.memory_space<hbm>>
          tpu.enqueue_dma source(%dma_start3A_188 : memref<32x64xi32, #tpu.memory_space<hbm>>) target(%arg9 : memref<32x64xi32, #tpu.memory_space<vmem>>) target_semaphore(%arg20 : memref<!tpu.dma_semaphore, #tpu.memory_space<semaphore_mem>>)
          %mul3A_189 = arith.constant 320 : i32
          %mul3A_190 = arith.muli %arg1, %mul3A_189 : i32
          %mul3A_191 = arith.constant 32 : i32
          %mul3A_192 = arith.muli %select_n3A_179, %mul3A_191 : i32
          %add3A_193 = arith.addi %mul3A_190, %mul3A_192 : i32
          %dma_start3A_194 = arith.constant 0 : i32
          %dma_start3A_195 = tpu.memref_slice %arg6[%add3A_193, %dma_start3A_194] : memref<5120x64xi32, #tpu.memory_space<hbm>> -> memref<32x64xi32, #tpu.memory_space<hbm>>
          %dma_start3A_196 = arith.constant 0 : i32
          %dma_start3A_197 = tpu.memref_slice %arg6[%add3A_193, %dma_start3A_196] : memref<5120x64xi32, #tpu.memory_space<hbm>> -> memref<32x64xi32, #tpu.memory_space<hbm>>
          tpu.enqueue_dma source(%dma_start3A_197 : memref<32x64xi32, #tpu.memory_space<hbm>>) target(%arg10 : memref<32x64xi32, #tpu.memory_space<vmem>>) target_semaphore(%arg20 : memref<!tpu.dma_semaphore, #tpu.memory_space<semaphore_mem>>)
          %dma_wait3A_198 = arith.constant 0 : i32
          %dma_wait3A_199 = tpu.memref_slice %arg5[%add3A_184, %dma_wait3A_198] : memref<5120x64xi32, #tpu.memory_space<hbm>> -> memref<32x64xi32, #tpu.memory_space<hbm>>
          %dma_wait3A_200 = arith.constant 0 : i32
          %dma_wait3A_201 = tpu.memref_slice %arg5[%add3A_184, %dma_wait3A_200] : memref<5120x64xi32, #tpu.memory_space<hbm>> -> memref<32x64xi32, #tpu.memory_space<hbm>>
          tpu.wait_dma2 semaphore(%arg20 : memref<!tpu.dma_semaphore, #tpu.memory_space<semaphore_mem>>) src(%dma_wait3A_201 : memref<32x64xi32, #tpu.memory_space<hbm>>) dst(%arg9 : memref<32x64xi32, #tpu.memory_space<vmem>>)
          %dma_wait3A_202 = arith.constant 0 : i32
          %dma_wait3A_203 = tpu.memref_slice %arg6[%add3A_193, %dma_wait3A_202] : memref<5120x64xi32, #tpu.memory_space<hbm>> -> memref<32x64xi32, #tpu.memory_space<hbm>>
          %dma_wait3A_204 = arith.constant 0 : i32
          %dma_wait3A_205 = tpu.memref_slice %arg6[%add3A_193, %dma_wait3A_204] : memref<5120x64xi32, #tpu.memory_space<hbm>> -> memref<32x64xi32, #tpu.memory_space<hbm>>
          tpu.wait_dma2 semaphore(%arg20 : memref<!tpu.dma_semaphore, #tpu.memory_space<semaphore_mem>>) src(%dma_wait3A_205 : memref<32x64xi32, #tpu.memory_space<hbm>>) dst(%arg10 : memref<32x64xi32, #tpu.memory_space<vmem>>)
        } else {
        }
        %jit3A_37 = arith.constant 8 : i32
        %eq3A_38 = arith.constant 0 : i32
        %eq3A_39 = arith.cmpi eq, %jit3A_37, %eq3A_38 : i32
        %jit3A_40 = arith.constant 1 : i32
        %select_n3A_41 = arith.select %eq3A_39, %jit3A_40, %jit3A_37 : i32
        %rem3A_42 = arith.remsi %scan3A_22, %select_n3A_41 : i32
        %ne3A_43 = arith.constant 0 : i32
        %ne3A_44 = arith.cmpi ne, %rem3A_42, %ne3A_43 : i32
        %lt3A_45 = arith.constant 0 : i32
        %lt3A_46 = arith.cmpi slt, %rem3A_42, %lt3A_45 : i32
        %lt3A_47 = arith.constant 0 : i32
        %lt3A_48 = arith.cmpi slt, %select_n3A_41, %lt3A_47 : i32
        %ne3A_49 = arith.xori %lt3A_46, %lt3A_48 : i1
        %and3A_50 = arith.andi %ne3A_49, %ne3A_44 : i1
        %add3A_51 = arith.addi %rem3A_42, %select_n3A_41 : i32
        %select_n3A_52 = arith.select %and3A_50, %add3A_51, %rem3A_42 : i32
        %mul3A = arith.constant 4 : i32
        %mul3A_53 = arith.muli %select_n3A_52, %mul3A : i32
        %gt3A = arith.constant 0 : i32
        %gt3A_54 = arith.cmpi sgt, %scan3A_22, %gt3A : i32
        %convert_element_type3A_55 = arith.extui %gt3A_54 : i1 to i32
        %cond3A_56 = arith.constant 0 : i32
        %cond3A_57 = arith.cmpi ne, %convert_element_type3A_55, %cond3A_56 : i32
        scf.if %cond3A_57 {
          tpu.wait_dma2 semaphore(%arg16 : memref<!tpu.dma_semaphore, #tpu.memory_space<semaphore_mem>>) src(%arg7 : memref<64x128xf32, #tpu.memory_space<hbm>>) dst(%arg11 : memref<64x128xf32, #tpu.memory_space<vmem>>)
        } else {
        }
        %add3A_58 = arith.constant 0 : i32
        %add3A_59 = arith.addi %mul3A_53, %add3A_58 : i32
        %dma_start3A = arith.constant 0 : i32
        %dma_start3A_60 = tpu.memref_slice %arg9[%add3A_59, %dma_start3A] : memref<32x64xi32, #tpu.memory_space<vmem>> -> memref<1x64xi32, #tpu.memory_space<vmem>>
        %dma_start3A_61 = tpu.memref_squeeze %dma_start3A_60 : memref<1x64xi32, #tpu.memory_space<vmem>> -> memref<64xi32, #tpu.memory_space<vmem>>
        %dma_start3A_62 = arith.constant 0 : i32
        %dma_start3A_63 = arith.constant 0 : i32
        %dma_start3A_64 = tpu.memref_slice %arg3[%dma_start3A_62, %dma_start3A_63] : memref<10240x128xf32, #tpu.memory_space<hbm>> -> memref<10240x128xf32, #tpu.memory_space<hbm>>
        tpu.enqueue_indirect_dma source(%dma_start3A_64 : memref<10240x128xf32, #tpu.memory_space<hbm>>) target(%arg11 : memref<64x128xf32, #tpu.memory_space<vmem>>) offsets(%dma_start3A_61 : memref<64xi32, #tpu.memory_space<vmem>>) semaphore(%arg16 : memref<!tpu.dma_semaphore, #tpu.memory_space<semaphore_mem>>)
        %gt3A_65 = arith.constant 0 : i32
        %gt3A_66 = arith.cmpi sgt, %scan3A_22, %gt3A_65 : i32
        %convert_element_type3A_67 = arith.extui %gt3A_66 : i1 to i32
        %cond3A_68 = arith.constant 0 : i32
        %cond3A_69 = arith.cmpi ne, %convert_element_type3A_67, %cond3A_68 : i32
        scf.if %cond3A_69 {
          tpu.wait_dma2 semaphore(%arg17 : memref<!tpu.dma_semaphore, #tpu.memory_space<semaphore_mem>>) src(%arg7 : memref<64x128xf32, #tpu.memory_space<hbm>>) dst(%arg12 : memref<64x128xf32, #tpu.memory_space<vmem>>)
        } else {
        }
        %add3A_70 = arith.constant 1 : i32
        %add3A_71 = arith.addi %mul3A_53, %add3A_70 : i32
        %dma_start3A_72 = arith.constant 0 : i32
        %dma_start3A_73 = tpu.memref_slice %arg9[%add3A_71, %dma_start3A_72] : memref<32x64xi32, #tpu.memory_space<vmem>> -> memref<1x64xi32, #tpu.memory_space<vmem>>
        %dma_start3A_74 = tpu.memref_squeeze %dma_start3A_73 : memref<1x64xi32, #tpu.memory_space<vmem>> -> memref<64xi32, #tpu.memory_space<vmem>>
        %dma_start3A_75 = arith.constant 0 : i32
        %dma_start3A_76 = arith.constant 0 : i32
        %dma_start3A_77 = tpu.memref_slice %arg3[%dma_start3A_75, %dma_start3A_76] : memref<10240x128xf32, #tpu.memory_space<hbm>> -> memref<10240x128xf32, #tpu.memory_space<hbm>>
        tpu.enqueue_indirect_dma source(%dma_start3A_77 : memref<10240x128xf32, #tpu.memory_space<hbm>>) target(%arg12 : memref<64x128xf32, #tpu.memory_space<vmem>>) offsets(%dma_start3A_74 : memref<64xi32, #tpu.memory_space<vmem>>) semaphore(%arg17 : memref<!tpu.dma_semaphore, #tpu.memory_space<semaphore_mem>>)
        %gt3A_78 = arith.constant 0 : i32
        %gt3A_79 = arith.cmpi sgt, %scan3A_22, %gt3A_78 : i32
        %convert_element_type3A_80 = arith.extui %gt3A_79 : i1 to i32
        %cond3A_81 = arith.constant 0 : i32
        %cond3A_82 = arith.cmpi ne, %convert_element_type3A_80, %cond3A_81 : i32
        scf.if %cond3A_82 {
          tpu.wait_dma2 semaphore(%arg18 : memref<!tpu.dma_semaphore, #tpu.memory_space<semaphore_mem>>) src(%arg7 : memref<64x128xf32, #tpu.memory_space<hbm>>) dst(%arg13 : memref<64x128xf32, #tpu.memory_space<vmem>>)
        } else {
        }
        %add3A_83 = arith.constant 2 : i32
        %add3A_84 = arith.addi %mul3A_53, %add3A_83 : i32
        %dma_start3A_85 = arith.constant 0 : i32
        %dma_start3A_86 = tpu.memref_slice %arg9[%add3A_84, %dma_start3A_85] : memref<32x64xi32, #tpu.memory_space<vmem>> -> memref<1x64xi32, #tpu.memory_space<vmem>>
        %dma_start3A_87 = tpu.memref_squeeze %dma_start3A_86 : memref<1x64xi32, #tpu.memory_space<vmem>> -> memref<64xi32, #tpu.memory_space<vmem>>
        %dma_start3A_88 = arith.constant 0 : i32
        %dma_start3A_89 = arith.constant 0 : i32
        %dma_start3A_90 = tpu.memref_slice %arg3[%dma_start3A_88, %dma_start3A_89] : memref<10240x128xf32, #tpu.memory_space<hbm>> -> memref<10240x128xf32, #tpu.memory_space<hbm>>
        tpu.enqueue_indirect_dma source(%dma_start3A_90 : memref<10240x128xf32, #tpu.memory_space<hbm>>) target(%arg13 : memref<64x128xf32, #tpu.memory_space<vmem>>) offsets(%dma_start3A_87 : memref<64xi32, #tpu.memory_space<vmem>>) semaphore(%arg18 : memref<!tpu.dma_semaphore, #tpu.memory_space<semaphore_mem>>)
        %gt3A_91 = arith.constant 0 : i32
        %gt3A_92 = arith.cmpi sgt, %scan3A_22, %gt3A_91 : i32
        %convert_element_type3A_93 = arith.extui %gt3A_92 : i1 to i32
        %cond3A_94 = arith.constant 0 : i32
        %cond3A_95 = arith.cmpi ne, %convert_element_type3A_93, %cond3A_94 : i32
        scf.if %cond3A_95 {
          tpu.wait_dma2 semaphore(%arg19 : memref<!tpu.dma_semaphore, #tpu.memory_space<semaphore_mem>>) src(%arg7 : memref<64x128xf32, #tpu.memory_space<hbm>>) dst(%arg14 : memref<64x128xf32, #tpu.memory_space<vmem>>)
        } else {
        }
        %add3A_96 = arith.constant 3 : i32
        %add3A_97 = arith.addi %mul3A_53, %add3A_96 : i32
        %dma_start3A_98 = arith.constant 0 : i32
        %dma_start3A_99 = tpu.memref_slice %arg9[%add3A_97, %dma_start3A_98] : memref<32x64xi32, #tpu.memory_space<vmem>> -> memref<1x64xi32, #tpu.memory_space<vmem>>
        %dma_start3A_100 = tpu.memref_squeeze %dma_start3A_99 : memref<1x64xi32, #tpu.memory_space<vmem>> -> memref<64xi32, #tpu.memory_space<vmem>>
        %dma_start3A_101 = arith.constant 0 : i32
        %dma_start3A_102 = arith.constant 0 : i32
        %dma_start3A_103 = tpu.memref_slice %arg3[%dma_start3A_101, %dma_start3A_102] : memref<10240x128xf32, #tpu.memory_space<hbm>> -> memref<10240x128xf32, #tpu.memory_space<hbm>>
        tpu.enqueue_indirect_dma source(%dma_start3A_103 : memref<10240x128xf32, #tpu.memory_space<hbm>>) target(%arg14 : memref<64x128xf32, #tpu.memory_space<vmem>>) offsets(%dma_start3A_100 : memref<64xi32, #tpu.memory_space<vmem>>) semaphore(%arg19 : memref<!tpu.dma_semaphore, #tpu.memory_space<semaphore_mem>>)
        %dma_wait3A = arith.constant 0 : i32
        %dma_wait3A_104 = tpu.memref_slice %arg9[%add3A_59, %dma_wait3A] : memref<32x64xi32, #tpu.memory_space<vmem>> -> memref<1x64xi32, #tpu.memory_space<vmem>>
        %dma_wait3A_105 = tpu.memref_squeeze %dma_wait3A_104 : memref<1x64xi32, #tpu.memory_space<vmem>> -> memref<64xi32, #tpu.memory_space<vmem>>
        %dma_wait3A_106 = arith.constant 0 : i32
        %dma_wait3A_107 = arith.constant 0 : i32
        %dma_wait3A_108 = tpu.memref_slice %arg3[%dma_wait3A_106, %dma_wait3A_107] : memref<10240x128xf32, #tpu.memory_space<hbm>> -> memref<10240x128xf32, #tpu.memory_space<hbm>>
        tpu.wait_indirect_dma semaphore(%arg16 : memref<!tpu.dma_semaphore, #tpu.memory_space<semaphore_mem>>) src(%dma_wait3A_108 : memref<10240x128xf32, #tpu.memory_space<hbm>>) dst(%arg11 : memref<64x128xf32, #tpu.memory_space<vmem>>)
        %add3A_109 = arith.constant 0 : i32
        %add3A_110 = arith.addi %mul3A_53, %add3A_109 : i32
        %dma_start3A_111 = arith.constant 0 : i32
        %dma_start3A_112 = tpu.memref_slice %arg10[%add3A_110, %dma_start3A_111] : memref<32x64xi32, #tpu.memory_space<vmem>> -> memref<1x64xi32, #tpu.memory_space<vmem>>
        %dma_start3A_113 = tpu.memref_squeeze %dma_start3A_112 : memref<1x64xi32, #tpu.memory_space<vmem>> -> memref<64xi32, #tpu.memory_space<vmem>>
        %dma_start3A_114 = arith.constant 0 : i32
        %dma_start3A_115 = arith.constant 0 : i32
        %dma_start3A_116 = tpu.memref_slice %arg15[%dma_start3A_114, %dma_start3A_115] : memref<10240x128xf32, #tpu.memory_space<vmem_shared>> -> memref<10240x128xf32, #tpu.memory_space<vmem_shared>>
        tpu.enqueue_indirect_dma source(%arg11 : memref<64x128xf32, #tpu.memory_space<vmem>>) target(%dma_start3A_116 : memref<10240x128xf32, #tpu.memory_space<vmem_shared>>) offsets(%dma_start3A_113 : memref<64xi32, #tpu.memory_space<vmem>>) semaphore(%arg16 : memref<!tpu.dma_semaphore, #tpu.memory_space<semaphore_mem>>) {add = true}
        %dma_wait3A_117 = arith.constant 0 : i32
        %dma_wait3A_118 = tpu.memref_slice %arg9[%add3A_71, %dma_wait3A_117] : memref<32x64xi32, #tpu.memory_space<vmem>> -> memref<1x64xi32, #tpu.memory_space<vmem>>
        %dma_wait3A_119 = tpu.memref_squeeze %dma_wait3A_118 : memref<1x64xi32, #tpu.memory_space<vmem>> -> memref<64xi32, #tpu.memory_space<vmem>>
        %dma_wait3A_120 = arith.constant 0 : i32
        %dma_wait3A_121 = arith.constant 0 : i32
        %dma_wait3A_122 = tpu.memref_slice %arg3[%dma_wait3A_120, %dma_wait3A_121] : memref<10240x128xf32, #tpu.memory_space<hbm>> -> memref<10240x128xf32, #tpu.memory_space<hbm>>
        tpu.wait_indirect_dma semaphore(%arg17 : memref<!tpu.dma_semaphore, #tpu.memory_space<semaphore_mem>>) src(%dma_wait3A_122 : memref<10240x128xf32, #tpu.memory_space<hbm>>) dst(%arg12 : memref<64x128xf32, #tpu.memory_space<vmem>>)
        %add3A_123 = arith.constant 1 : i32
        %add3A_124 = arith.addi %mul3A_53, %add3A_123 : i32
        %dma_start3A_125 = arith.constant 0 : i32
        %dma_start3A_126 = tpu.memref_slice %arg10[%add3A_124, %dma_start3A_125] : memref<32x64xi32, #tpu.memory_space<vmem>> -> memref<1x64xi32, #tpu.memory_space<vmem>>
        %dma_start3A_127 = tpu.memref_squeeze %dma_start3A_126 : memref<1x64xi32, #tpu.memory_space<vmem>> -> memref<64xi32, #tpu.memory_space<vmem>>
        %dma_start3A_128 = arith.constant 0 : i32
        %dma_start3A_129 = arith.constant 0 : i32
        %dma_start3A_130 = tpu.memref_slice %arg15[%dma_start3A_128, %dma_start3A_129] : memref<10240x128xf32, #tpu.memory_space<vmem_shared>> -> memref<10240x128xf32, #tpu.memory_space<vmem_shared>>
        tpu.enqueue_indirect_dma source(%arg12 : memref<64x128xf32, #tpu.memory_space<vmem>>) target(%dma_start3A_130 : memref<10240x128xf32, #tpu.memory_space<vmem_shared>>) offsets(%dma_start3A_127 : memref<64xi32, #tpu.memory_space<vmem>>) semaphore(%arg17 : memref<!tpu.dma_semaphore, #tpu.memory_space<semaphore_mem>>) {add = true}
        %dma_wait3A_131 = arith.constant 0 : i32
        %dma_wait3A_132 = tpu.memref_slice %arg9[%add3A_84, %dma_wait3A_131] : memref<32x64xi32, #tpu.memory_space<vmem>> -> memref<1x64xi32, #tpu.memory_space<vmem>>
        %dma_wait3A_133 = tpu.memref_squeeze %dma_wait3A_132 : memref<1x64xi32, #tpu.memory_space<vmem>> -> memref<64xi32, #tpu.memory_space<vmem>>
        %dma_wait3A_134 = arith.constant 0 : i32
        %dma_wait3A_135 = arith.constant 0 : i32
        %dma_wait3A_136 = tpu.memref_slice %arg3[%dma_wait3A_134, %dma_wait3A_135] : memref<10240x128xf32, #tpu.memory_space<hbm>> -> memref<10240x128xf32, #tpu.memory_space<hbm>>
        tpu.wait_indirect_dma semaphore(%arg18 : memref<!tpu.dma_semaphore, #tpu.memory_space<semaphore_mem>>) src(%dma_wait3A_136 : memref<10240x128xf32, #tpu.memory_space<hbm>>) dst(%arg13 : memref<64x128xf32, #tpu.memory_space<vmem>>)
        %add3A_137 = arith.constant 2 : i32
        %add3A_138 = arith.addi %mul3A_53, %add3A_137 : i32
        %dma_start3A_139 = arith.constant 0 : i32
        %dma_start3A_140 = tpu.memref_slice %arg10[%add3A_138, %dma_start3A_139] : memref<32x64xi32, #tpu.memory_space<vmem>> -> memref<1x64xi32, #tpu.memory_space<vmem>>
        %dma_start3A_141 = tpu.memref_squeeze %dma_start3A_140 : memref<1x64xi32, #tpu.memory_space<vmem>> -> memref<64xi32, #tpu.memory_space<vmem>>
        %dma_start3A_142 = arith.constant 0 : i32
        %dma_start3A_143 = arith.constant 0 : i32
        %dma_start3A_144 = tpu.memref_slice %arg15[%dma_start3A_142, %dma_start3A_143] : memref<10240x128xf32, #tpu.memory_space<vmem_shared>> -> memref<10240x128xf32, #tpu.memory_space<vmem_shared>>
        tpu.enqueue_indirect_dma source(%arg13 : memref<64x128xf32, #tpu.memory_space<vmem>>) target(%dma_start3A_144 : memref<10240x128xf32, #tpu.memory_space<vmem_shared>>) offsets(%dma_start3A_141 : memref<64xi32, #tpu.memory_space<vmem>>) semaphore(%arg18 : memref<!tpu.dma_semaphore, #tpu.memory_space<semaphore_mem>>) {add = true}
        %dma_wait3A_145 = arith.constant 0 : i32
        %dma_wait3A_146 = tpu.memref_slice %arg9[%add3A_97, %dma_wait3A_145] : memref<32x64xi32, #tpu.memory_space<vmem>> -> memref<1x64xi32, #tpu.memory_space<vmem>>
        %dma_wait3A_147 = tpu.memref_squeeze %dma_wait3A_146 : memref<1x64xi32, #tpu.memory_space<vmem>> -> memref<64xi32, #tpu.memory_space<vmem>>
        %dma_wait3A_148 = arith.constant 0 : i32
        %dma_wait3A_149 = arith.constant 0 : i32
        %dma_wait3A_150 = tpu.memref_slice %arg3[%dma_wait3A_148, %dma_wait3A_149] : memref<10240x128xf32, #tpu.memory_space<hbm>> -> memref<10240x128xf32, #tpu.memory_space<hbm>>
        tpu.wait_indirect_dma semaphore(%arg19 : memref<!tpu.dma_semaphore, #tpu.memory_space<semaphore_mem>>) src(%dma_wait3A_150 : memref<10240x128xf32, #tpu.memory_space<hbm>>) dst(%arg14 : memref<64x128xf32, #tpu.memory_space<vmem>>)
        %add3A_151 = arith.constant 3 : i32
        %add3A_152 = arith.addi %mul3A_53, %add3A_151 : i32
        %dma_start3A_153 = arith.constant 0 : i32
        %dma_start3A_154 = tpu.memref_slice %arg10[%add3A_152, %dma_start3A_153] : memref<32x64xi32, #tpu.memory_space<vmem>> -> memref<1x64xi32, #tpu.memory_space<vmem>>
        %dma_start3A_155 = tpu.memref_squeeze %dma_start3A_154 : memref<1x64xi32, #tpu.memory_space<vmem>> -> memref<64xi32, #tpu.memory_space<vmem>>
        %dma_start3A_156 = arith.constant 0 : i32
        %dma_start3A_157 = arith.constant 0 : i32
        %dma_start3A_158 = tpu.memref_slice %arg15[%dma_start3A_156, %dma_start3A_157] : memref<10240x128xf32, #tpu.memory_space<vmem_shared>> -> memref<10240x128xf32, #tpu.memory_space<vmem_shared>>
        tpu.enqueue_indirect_dma source(%arg14 : memref<64x128xf32, #tpu.memory_space<vmem>>) target(%dma_start3A_158 : memref<10240x128xf32, #tpu.memory_space<vmem_shared>>) offsets(%dma_start3A_155 : memref<64xi32, #tpu.memory_space<vmem>>) semaphore(%arg19 : memref<!tpu.dma_semaphore, #tpu.memory_space<semaphore_mem>>) {add = true}
      }
      %scan3A_21 = arith.constant 80 : i32
      tpu.wait_dma2 semaphore(%arg16 : memref<!tpu.dma_semaphore, #tpu.memory_space<semaphore_mem>>) src(%arg7 : memref<64x128xf32, #tpu.memory_space<hbm>>) dst(%arg11 : memref<64x128xf32, #tpu.memory_space<vmem>>)
      tpu.wait_dma2 semaphore(%arg17 : memref<!tpu.dma_semaphore, #tpu.memory_space<semaphore_mem>>) src(%arg7 : memref<64x128xf32, #tpu.memory_space<hbm>>) dst(%arg12 : memref<64x128xf32, #tpu.memory_space<vmem>>)
      tpu.wait_dma2 semaphore(%arg18 : memref<!tpu.dma_semaphore, #tpu.memory_space<semaphore_mem>>) src(%arg7 : memref<64x128xf32, #tpu.memory_space<hbm>>) dst(%arg13 : memref<64x128xf32, #tpu.memory_space<vmem>>)
      tpu.wait_dma2 semaphore(%arg19 : memref<!tpu.dma_semaphore, #tpu.memory_space<semaphore_mem>>) src(%arg7 : memref<64x128xf32, #tpu.memory_space<hbm>>) dst(%arg14 : memref<64x128xf32, #tpu.memory_space<vmem>>)
    } else {
    }
    %barrier3A_11 = arith.constant 0 : index
    tpu.barrier barrier_id(%barrier3A_11)
    %scan3A_12 = arith.constant 0 : i32
    %scan3A_13 = arith.constant 10 : i32
    %scan3A_14 = arith.addi %scan3A_12, %scan3A_13 : i32
    %scan3A_15 = arith.constant 1 : i32
    scf.for %scan3A_17 = %scan3A_12 to %scan3A_14 step %scan3A_15  : i32 {
      %mul3A = arith.constant 640 : i32
      %mul3A_18 = arith.muli %arg1, %mul3A : i32
      %mul3A_19 = arith.constant 64 : i32
      %mul3A_20 = arith.muli %scan3A_17, %mul3A_19 : i32
      %add3A = arith.addi %mul3A_18, %mul3A_20 : i32
      "tpu.region"() ({
        %run_scoped3A = tpu.sem_alloc : memref<!tpu.dma_semaphore, #tpu.memory_space<semaphore_mem>>
        %dma_start3A = arith.constant 0 : i32
        %dma_start3A_24 = tpu.memref_slice %arg15[%add3A, %dma_start3A] : memref<10240x128xf32, #tpu.memory_space<vmem_shared>> -> memref<64x128xf32, #tpu.memory_space<vmem_shared>>
        %dma_start3A_25 = arith.constant 0 : i32
        %dma_start3A_26 = tpu.memref_slice %arg15[%add3A, %dma_start3A_25] : memref<10240x128xf32, #tpu.memory_space<vmem_shared>> -> memref<64x128xf32, #tpu.memory_space<vmem_shared>>
        tpu.enqueue_dma source(%dma_start3A_26 : memref<64x128xf32, #tpu.memory_space<vmem_shared>>) target(%arg11 : memref<64x128xf32, #tpu.memory_space<vmem>>) target_semaphore(%run_scoped3A : memref<!tpu.dma_semaphore, #tpu.memory_space<semaphore_mem>>)
        %dma_wait3A = arith.constant 0 : i32
        %dma_wait3A_27 = tpu.memref_slice %arg15[%add3A, %dma_wait3A] : memref<10240x128xf32, #tpu.memory_space<vmem_shared>> -> memref<64x128xf32, #tpu.memory_space<vmem_shared>>
        %dma_wait3A_28 = arith.constant 0 : i32
        %dma_wait3A_29 = tpu.memref_slice %arg15[%add3A, %dma_wait3A_28] : memref<10240x128xf32, #tpu.memory_space<vmem_shared>> -> memref<64x128xf32, #tpu.memory_space<vmem_shared>>
        tpu.wait_dma2 semaphore(%run_scoped3A : memref<!tpu.dma_semaphore, #tpu.memory_space<semaphore_mem>>) src(%dma_wait3A_29 : memref<64x128xf32, #tpu.memory_space<vmem_shared>>) dst(%arg11 : memref<64x128xf32, #tpu.memory_space<vmem>>)
        tpu.yield
      }) : () -> ()
      %mul3A_21 = arith.constant 10240 : i32
      %mul3A_22 = arith.muli %arg0, %mul3A_21 : i32
      %add3A_23 = arith.addi %mul3A_22, %add3A : i32
      "tpu.region"() ({
        %run_scoped3A = tpu.sem_alloc : memref<!tpu.dma_semaphore, #tpu.memory_space<semaphore_mem>>
        %dma_start3A = arith.constant 0 : i32
        %dma_start3A_24 = tpu.memref_slice %arg8[%add3A_23, %dma_start3A] : memref<20480x128xf32, #tpu.memory_space<hbm>> -> memref<64x128xf32, #tpu.memory_space<hbm>>
        %dma_start3A_25 = arith.constant 0 : i32
        %dma_start3A_26 = tpu.memref_slice %arg8[%add3A_23, %dma_start3A_25] : memref<20480x128xf32, #tpu.memory_space<hbm>> -> memref<64x128xf32, #tpu.memory_space<hbm>>
        tpu.enqueue_dma source(%arg11 : memref<64x128xf32, #tpu.memory_space<vmem>>) target(%dma_start3A_26 : memref<64x128xf32, #tpu.memory_space<hbm>>) target_semaphore(%run_scoped3A : memref<!tpu.dma_semaphore, #tpu.memory_space<semaphore_mem>>)
        %dma_wait3A = arith.constant 0 : i32
        %dma_wait3A_27 = tpu.memref_slice %arg8[%add3A_23, %dma_wait3A] : memref<20480x128xf32, #tpu.memory_space<hbm>> -> memref<64x128xf32, #tpu.memory_space<hbm>>
        %dma_wait3A_28 = arith.constant 0 : i32
        %dma_wait3A_29 = tpu.memref_slice %arg8[%add3A_23, %dma_wait3A_28] : memref<20480x128xf32, #tpu.memory_space<hbm>> -> memref<64x128xf32, #tpu.memory_space<hbm>>
        tpu.wait_dma2 semaphore(%run_scoped3A : memref<!tpu.dma_semaphore, #tpu.memory_space<semaphore_mem>>) src(%arg11 : memref<64x128xf32, #tpu.memory_space<vmem>>) dst(%dma_wait3A_29 : memref<64x128xf32, #tpu.memory_space<hbm>>)
        tpu.yield
      }) : () -> ()
    }
    %scan3A_16 = arith.constant 10 : i32
    return
  }
}

module attributes {stable_mosaic.version = 14 : i64} {
  func.func @_prep_body(%arg0: i32, %arg1: memref<1024x128xf32, #tpu.memory_space<vmem>>, %arg2: memref<1024x4xf32, #tpu.memory_space<vmem>>, %arg3: memref<1x128xf32, #tpu.memory_space<vmem>>, %arg4: memref<1x1024xi32, #tpu.memory_space<vmem>>, %arg5: memref<256x128xi32, #tpu.memory_space<vmem>>, %arg6: memref<256x128xf32, #tpu.memory_space<vmem>>, %arg7: memref<1024x128xf32, #tpu.memory_space<vmem>>, %arg8: memref<1024x128xf32, #tpu.memory_space<vmem>>, %arg9: memref<256x128xi32, #tpu.memory_space<vmem>>, %arg10: memref<1024x128xf32, #tpu.memory_space<vmem>>, %arg11: memref<128x128xf32, #tpu.memory_space<vmem>>, %arg12: memref<128x128xf32, #tpu.memory_space<vmem>>) attributes {dimension_semantics = [#tpu.dimension_semantics<arbitrary>], iteration_bounds = array<i64: 10>, scalar_prefetch = 0 : i64, scratch_operands = 0 : i64, tpu.core_type = #tpu.core_type<tc>, window_params = [{transform_indices = @transform_0, window_bounds = array<i64: 1024, 128>}, {transform_indices = @transform_1, window_bounds = array<i64: 1024, 4>}, {pipeline_mode = #tpu.pipeline_mode<synchronous>, transform_indices = @transform_2, window_bounds = array<i64: 1, 128>}, {transform_indices = @transform_3, window_bounds = array<i64: 1, 1024>}, {transform_indices = @transform_4, window_bounds = array<i64: 256, 128>}, {transform_indices = @transform_5, window_bounds = array<i64: 256, 128>}, {transform_indices = @transform_6, window_bounds = array<i64: 1024, 128>}, {transform_indices = @transform_7, window_bounds = array<i64: 1024, 128>}, {transform_indices = @transform_8, window_bounds = array<i64: 256, 128>}, {transform_indices = @transform_9, window_bounds = array<i64: 1024, 128>}, {pipeline_mode = #tpu.pipeline_mode<synchronous>, transform_indices = @transform_10, window_bounds = array<i64: 128, 128>}, {pipeline_mode = #tpu.pipeline_mode<synchronous>, transform_indices = @transform_11, window_bounds = array<i64: 128, 128>}]} {
    %get3A = arith.constant 0 : index
    %get3A_0 = arith.constant 0 : index
    %get3A_1 = vector.load %arg1[%get3A, %get3A_0] : memref<1024x128xf32, #tpu.memory_space<vmem>>, vector<1024x128xf32>
    %get3A_2 = arith.constant 0 : index
    %get3A_3 = arith.constant 0 : index
    %get3A_4 = vector.load %arg2[%get3A_2, %get3A_3] : memref<1024x4xf32, #tpu.memory_space<vmem>>, vector<1024x1xf32>
    %max3A = arith.constant 1.000000e+00 : f32
    %max3A_5 = vector.broadcast %max3A : f32 to vector<1024x1xf32>
    %max3A_6 = arith.maximumf %get3A_4, %max3A_5 : vector<1024x1xf32>
    %rsqrt3A = math.rsqrt %max3A_6 : vector<1024x1xf32>
    %get3A_7 = arith.constant 0 : index
    %get3A_8 = arith.constant 2 : index
    %get3A_9 = vector.load %arg2[%get3A_7, %get3A_8] : memref<1024x4xf32, #tpu.memory_space<vmem>>, vector<1024x1xf32>
    %max3A_10 = arith.constant 1.000000e+00 : f32
    %max3A_11 = vector.broadcast %max3A_10 : f32 to vector<1024x1xf32>
    %max3A_12 = arith.maximumf %get3A_9, %max3A_11 : vector<1024x1xf32>
    %rsqrt3A_13 = math.rsqrt %max3A_12 : vector<1024x1xf32>
    %mul3A = vector.broadcast %rsqrt3A : vector<1024x1xf32> to vector<1024x128xf32>
    %mul3A_14 = arith.mulf %get3A_1, %mul3A : vector<1024x128xf32>
    %swap3A = arith.constant 0 : index
    %swap3A_15 = arith.constant 0 : index
    %swap3A_16 = vector.load %arg7[%swap3A, %swap3A_15] : memref<1024x128xf32, #tpu.memory_space<vmem>>, vector<1024x128xf32>
    tpu.vector_store %arg7[%swap3A, %swap3A_15], %mul3A_14 {strides = array<i32>} : memref<1024x128xf32, #tpu.memory_space<vmem>>, vector<1024x128xf32>,
    %mul3A_17 = vector.broadcast %rsqrt3A_13 : vector<1024x1xf32> to vector<1024x128xf32>
    %mul3A_18 = arith.mulf %get3A_1, %mul3A_17 : vector<1024x128xf32>
    %swap3A_19 = arith.constant 0 : index
    %swap3A_20 = arith.constant 0 : index
    %swap3A_21 = vector.load %arg8[%swap3A_19, %swap3A_20] : memref<1024x128xf32, #tpu.memory_space<vmem>>, vector<1024x128xf32>
    tpu.vector_store %arg8[%swap3A_19, %swap3A_20], %mul3A_18 {strides = array<i32>} : memref<1024x128xf32, #tpu.memory_space<vmem>>, vector<1024x128xf32>,
    %get3A_22 = arith.constant 0 : index
    %get3A_23 = arith.constant 0 : index
    %get3A_24 = vector.load %arg3[%get3A_22, %get3A_23] : memref<1x128xf32, #tpu.memory_space<vmem>>, vector<1x128xf32>
    %mul3A_25 = vector.broadcast %get3A_24 : vector<1x128xf32> to vector<1024x128xf32>
    %mul3A_26 = arith.mulf %get3A_1, %mul3A_25 : vector<1024x128xf32>
    %swap3A_27 = arith.constant 0 : index
    %swap3A_28 = arith.constant 0 : index
    %swap3A_29 = vector.load %arg10[%swap3A_27, %swap3A_28] : memref<1024x128xf32, #tpu.memory_space<vmem>>, vector<1024x128xf32>
    tpu.vector_store %arg10[%swap3A_27, %swap3A_28], %mul3A_26 {strides = array<i32>} : memref<1024x128xf32, #tpu.memory_space<vmem>>, vector<1024x128xf32>,
    %iota3A = tpu.iota {dimensions = array<i32: 1>} : vector<256x128xi32>
    %add3A = arith.constant 10000 : i32
    %add3A_30 = vector.broadcast %add3A : i32 to vector<256x128xi32>
    %add3A_31 = arith.addi %add3A_30, %iota3A : vector<256x128xi32>
    %get3A_32 = arith.constant 0 : index
    %get3A_33 = arith.constant 0 : index
    %get3A_34 = vector.load %arg6[%get3A_32, %get3A_33] : memref<256x128xf32, #tpu.memory_space<vmem>>, vector<256x128xf32>
    %gt3A = arith.constant 0.000000e+00 : f32
    %gt3A_35 = vector.broadcast %gt3A : f32 to vector<256x128xf32>
    %gt3A_36 = arith.cmpf ogt, %get3A_34, %gt3A_35 : vector<256x128xf32>
    %get3A_37 = arith.constant 0 : index
    %get3A_38 = arith.constant 0 : index
    %get3A_39 = vector.load %arg5[%get3A_37, %get3A_38] : memref<256x128xi32, #tpu.memory_space<vmem>>, vector<256x128xi32>
    %select_n3A = arith.select %gt3A_36, %get3A_39, %add3A_31 : vector<256x128xi1>, vector<256x128xi32>
    %swap3A_40 = arith.constant 0 : index
    %swap3A_41 = arith.constant 0 : index
    %swap3A_42 = vector.load %arg9[%swap3A_40, %swap3A_41] : memref<256x128xi32, #tpu.memory_space<vmem>>, vector<256x128xi32>
    tpu.vector_store %arg9[%swap3A_40, %swap3A_41], %select_n3A {strides = array<i32>} : memref<256x128xi32, #tpu.memory_space<vmem>>, vector<256x128xi32>,
    %iota3A_43 = tpu.iota {dimensions = array<i32: 0>} : vector<128x1024xi32>
    %get3A_44 = arith.constant 0 : index
    %get3A_45 = arith.constant 0 : index
    %get3A_46 = vector.load %arg4[%get3A_44, %get3A_45] : memref<1x1024xi32, #tpu.memory_space<vmem>>, vector<1x1024xi32>
    %eq3A = vector.broadcast %get3A_46 : vector<1x1024xi32> to vector<128x1024xi32>
    %eq3A_47 = arith.cmpi eq, %iota3A_43, %eq3A : vector<128x1024xi32>
    %convert_element_type3A = arith.extui %eq3A_47 : vector<128x1024xi1> to vector<128x1024xi32>
    %convert_element_type3A_48 = arith.sitofp %convert_element_type3A : vector<128x1024xi32> to vector<128x1024xf32>
    %eq3A_49 = arith.constant 0 : i32
    %eq3A_50 = arith.cmpi eq, %arg0, %eq3A_49 : i32
    %convert_element_type3A_51 = arith.extui %eq3A_50 : i1 to i32
    %cond3A = arith.constant 0 : i32
    %cond3A_52 = arith.cmpi ne, %convert_element_type3A_51, %cond3A : i32
    scf.if %cond3A_52 {
      %broadcast_in_dim3A = arith.constant 0.000000e+00 : f32
      %broadcast_in_dim3A_66 = vector.broadcast %broadcast_in_dim3A : f32 to vector<128x128xf32>
      %swap3A_67 = arith.constant 0 : index
      %swap3A_68 = arith.constant 0 : index
      %swap3A_69 = vector.load %arg11[%swap3A_67, %swap3A_68] : memref<128x128xf32, #tpu.memory_space<vmem>>, vector<128x128xf32>
      tpu.vector_store %arg11[%swap3A_67, %swap3A_68], %broadcast_in_dim3A_66 {strides = array<i32>} : memref<128x128xf32, #tpu.memory_space<vmem>>, vector<128x128xf32>,
    } else {
    }
    %get3A_53 = arith.constant 0 : index
    %get3A_54 = arith.constant 0 : index
    %get3A_55 = vector.load %arg11[%get3A_53, %get3A_54] : memref<128x128xf32, #tpu.memory_space<vmem>>, vector<128x128xf32>
    %dot_general3A = arith.constant dense<0.000000e+00> : vector<128x128xf32>
    %dot_general3A_56 = tpu.matmul %convert_element_type3A_48, %get3A_1, %dot_general3A {dimension_numbers = #tpu.dot_dimension_numbers<[1], [0], [0], [1], [0, 0, 1, 1], [], []>, transpose_lhs_hint = false} : vector<128x1024xf32>, vector<1024x128xf32>, vector<128x128xf32> -> vector<128x128xf32>
    %add3A_57 = arith.addf %get3A_55, %dot_general3A_56 : vector<128x128xf32>
    %swap3A_58 = arith.constant 0 : index
    %swap3A_59 = arith.constant 0 : index
    %swap3A_60 = vector.load %arg11[%swap3A_58, %swap3A_59] : memref<128x128xf32, #tpu.memory_space<vmem>>, vector<128x128xf32>
    tpu.vector_store %arg11[%swap3A_58, %swap3A_59], %add3A_57 {strides = array<i32>} : memref<128x128xf32, #tpu.memory_space<vmem>>, vector<128x128xf32>,
    %eq3A_61 = arith.constant 9 : i32
    %eq3A_62 = arith.cmpi eq, %arg0, %eq3A_61 : i32
    %convert_element_type3A_63 = arith.extui %eq3A_62 : i1 to i32
    %cond3A_64 = arith.constant 0 : i32
    %cond3A_65 = arith.cmpi ne, %convert_element_type3A_63, %cond3A_64 : i32
    scf.if %cond3A_65 {
      %get3A_66 = arith.constant 0 : index
      %get3A_67 = arith.constant 0 : index
      %get3A_68 = vector.load %arg11[%get3A_66, %get3A_67] : memref<128x128xf32, #tpu.memory_space<vmem>>, vector<128x128xf32>
      %get3A_69 = arith.constant 0 : index
      %get3A_70 = arith.constant 0 : index
      %get3A_71 = vector.load %arg3[%get3A_69, %get3A_70] : memref<1x128xf32, #tpu.memory_space<vmem>>, vector<1x128xf32>
      %mul3A_72 = vector.broadcast %get3A_71 : vector<1x128xf32> to vector<128x128xf32>
      %mul3A_73 = arith.mulf %get3A_68, %mul3A_72 : vector<128x128xf32>
      %swap3A_74 = arith.constant 0 : index
      %swap3A_75 = arith.constant 0 : index
      %swap3A_76 = vector.load %arg12[%swap3A_74, %swap3A_75] : memref<128x128xf32, #tpu.memory_space<vmem>>, vector<128x128xf32>
      tpu.vector_store %arg12[%swap3A_74, %swap3A_75], %mul3A_73 {strides = array<i32>} : memref<128x128xf32, #tpu.memory_space<vmem>>, vector<128x128xf32>,
    } else {
    }
    return
  }
  func.func @transform_0(%arg0: i32) -> (i32, i32) {
    %c0_i32 = arith.constant 0 : i32
    %c0_i32_0 = arith.constant 0 : i32
    return %arg0, %c0_i32 : i32, i32
  }
  func.func @transform_1(%arg0: i32) -> (i32, i32) {
    %c0_i32 = arith.constant 0 : i32
    %c0_i32_0 = arith.constant 0 : i32
    return %arg0, %c0_i32 : i32, i32
  }
  func.func @transform_2(%arg0: i32) -> (i32, i32) {
    %c0_i32 = arith.constant 0 : i32
    %c0_i32_0 = arith.constant 0 : i32
    %c0_i32_1 = arith.constant 0 : i32
    return %c0_i32, %c0_i32_0 : i32, i32
  }
  func.func @transform_3(%arg0: i32) -> (i32, i32) {
    %c0_i32 = arith.constant 0 : i32
    %c0_i32_0 = arith.constant 0 : i32
    return %c0_i32, %arg0 : i32, i32
  }
  func.func @transform_4(%arg0: i32) -> (i32, i32) {
    %c0_i32 = arith.constant 0 : i32
    %c0_i32_0 = arith.constant 0 : i32
    return %arg0, %c0_i32 : i32, i32
  }
  func.func @transform_5(%arg0: i32) -> (i32, i32) {
    %c0_i32 = arith.constant 0 : i32
    %c0_i32_0 = arith.constant 0 : i32
    return %arg0, %c0_i32 : i32, i32
  }
  func.func @transform_6(%arg0: i32) -> (i32, i32) {
    %c0_i32 = arith.constant 0 : i32
    %c0_i32_0 = arith.constant 0 : i32
    return %arg0, %c0_i32 : i32, i32
  }
  func.func @transform_7(%arg0: i32) -> (i32, i32) {
    %c0_i32 = arith.constant 0 : i32
    %c0_i32_0 = arith.constant 0 : i32
    return %arg0, %c0_i32 : i32, i32
  }
  func.func @transform_8(%arg0: i32) -> (i32, i32) {
    %c0_i32 = arith.constant 0 : i32
    %c0_i32_0 = arith.constant 0 : i32
    return %arg0, %c0_i32 : i32, i32
  }
  func.func @transform_9(%arg0: i32) -> (i32, i32) {
    %c0_i32 = arith.constant 0 : i32
    %c0_i32_0 = arith.constant 0 : i32
    return %arg0, %c0_i32 : i32, i32
  }
  func.func @transform_10(%arg0: i32) -> (i32, i32) {
    %c0_i32 = arith.constant 0 : i32
    %c0_i32_0 = arith.constant 0 : i32
    %c0_i32_1 = arith.constant 0 : i32
    return %c0_i32, %c0_i32_0 : i32, i32
  }
  func.func @transform_11(%arg0: i32) -> (i32, i32) {
    %c0_i32 = arith.constant 0 : i32
    %c0_i32_0 = arith.constant 0 : i32
    %c0_i32_1 = arith.constant 0 : i32
    return %c0_i32, %c0_i32_0 : i32, i32
  }
}

module attributes {stable_mosaic.version = 14 : i64} {
  func.func @_post_body(%arg0: i32, %arg1: memref<1024x128xf32, #tpu.memory_space<vmem>>, %arg2: memref<1024x128xf32, #tpu.memory_space<vmem>>, %arg3: memref<1024x4xf32, #tpu.memory_space<vmem>>, %arg4: memref<1x128xf32, #tpu.memory_space<vmem>>, %arg5: memref<128x128xf32, #tpu.memory_space<vmem>>, %arg6: memref<1x128xf32, #tpu.memory_space<vmem>>, %arg7: memref<1x1024xi32, #tpu.memory_space<vmem>>, %arg8: memref<1024x128xf32, #tpu.memory_space<vmem>>, %arg9: memref<1024x128xf32, #tpu.memory_space<vmem>>, %arg10: memref<1024x128xf32, #tpu.memory_space<vmem>>, %arg11: memref<128x128xf32, #tpu.memory_space<vmem>>, %arg12: memref<128x128xf32, #tpu.memory_space<vmem>>, %arg13: memref<128x128xf32, #tpu.memory_space<vmem>>) attributes {dimension_semantics = [#tpu.dimension_semantics<arbitrary>], iteration_bounds = array<i64: 10>, scalar_prefetch = 0 : i64, scratch_operands = 0 : i64, tpu.core_type = #tpu.core_type<tc>, window_params = [{transform_indices = @transform_0, window_bounds = array<i64: 1024, 128>}, {transform_indices = @transform_1, window_bounds = array<i64: 1024, 128>}, {transform_indices = @transform_2, window_bounds = array<i64: 1024, 4>}, {pipeline_mode = #tpu.pipeline_mode<synchronous>, transform_indices = @transform_3, window_bounds = array<i64: 1, 128>}, {pipeline_mode = #tpu.pipeline_mode<synchronous>, transform_indices = @transform_4, window_bounds = array<i64: 128, 128>}, {pipeline_mode = #tpu.pipeline_mode<synchronous>, transform_indices = @transform_5, window_bounds = array<i64: 1, 128>}, {transform_indices = @transform_6, window_bounds = array<i64: 1, 1024>}, {transform_indices = @transform_7, window_bounds = array<i64: 1024, 128>}, {transform_indices = @transform_8, window_bounds = array<i64: 1024, 128>}, {transform_indices = @transform_9, window_bounds = array<i64: 1024, 128>}, {pipeline_mode = #tpu.pipeline_mode<synchronous>, transform_indices = @transform_10, window_bounds = array<i64: 128, 128>}, {pipeline_mode = #tpu.pipeline_mode<synchronous>, transform_indices = @transform_11, window_bounds = array<i64: 128, 128>}, {pipeline_mode = #tpu.pipeline_mode<synchronous>, transform_indices = @transform_12, window_bounds = array<i64: 128, 128>}]} {
    %get3A = arith.constant 0 : index
    %get3A_0 = arith.constant 1 : index
    %get3A_1 = vector.load %arg3[%get3A, %get3A_0] : memref<1024x4xf32, #tpu.memory_space<vmem>>, vector<1024x1xf32>
    %max3A = arith.constant 1.000000e+00 : f32
    %max3A_2 = vector.broadcast %max3A : f32 to vector<1024x1xf32>
    %max3A_3 = arith.maximumf %get3A_1, %max3A_2 : vector<1024x1xf32>
    %rsqrt3A = math.rsqrt %max3A_3 : vector<1024x1xf32>
    %get3A_4 = arith.constant 0 : index
    %get3A_5 = arith.constant 3 : index
    %get3A_6 = vector.load %arg3[%get3A_4, %get3A_5] : memref<1024x4xf32, #tpu.memory_space<vmem>>, vector<1024x1xf32>
    %max3A_7 = arith.constant 1.000000e+00 : f32
    %max3A_8 = vector.broadcast %max3A_7 : f32 to vector<1024x1xf32>
    %max3A_9 = arith.maximumf %get3A_6, %max3A_8 : vector<1024x1xf32>
    %rsqrt3A_10 = math.rsqrt %max3A_9 : vector<1024x1xf32>
    %get3A_11 = arith.constant 0 : index
    %get3A_12 = arith.constant 0 : index
    %get3A_13 = vector.load %arg1[%get3A_11, %get3A_12] : memref<1024x128xf32, #tpu.memory_space<vmem>>, vector<1024x128xf32>
    %mul3A = vector.broadcast %rsqrt3A : vector<1024x1xf32> to vector<1024x128xf32>
    %mul3A_14 = arith.mulf %get3A_13, %mul3A : vector<1024x128xf32>
    %get3A_15 = arith.constant 0 : index
    %get3A_16 = arith.constant 0 : index
    %get3A_17 = vector.load %arg2[%get3A_15, %get3A_16] : memref<1024x128xf32, #tpu.memory_space<vmem>>, vector<1024x128xf32>
    %mul3A_18 = vector.broadcast %rsqrt3A_10 : vector<1024x1xf32> to vector<1024x128xf32>
    %mul3A_19 = arith.mulf %get3A_17, %mul3A_18 : vector<1024x128xf32>
    %get3A_20 = arith.constant 0 : index
    %get3A_21 = arith.constant 0 : index
    %get3A_22 = vector.load %arg5[%get3A_20, %get3A_21] : memref<128x128xf32, #tpu.memory_space<vmem>>, vector<128x128xf32>
    %get3A_23 = arith.constant 0 : index
    %get3A_24 = arith.constant 0 : index
    %get3A_25 = vector.load %arg6[%get3A_23, %get3A_24] : memref<1x128xf32, #tpu.memory_space<vmem>>, vector<1x128xf32>
    %dot_general3A = arith.constant dense<0.000000e+00> : vector<1024x128xf32>
    %dot_general3A_26 = tpu.matmul %mul3A_14, %get3A_22, %dot_general3A {dimension_numbers = #tpu.dot_dimension_numbers<[1], [0], [0], [1], [0, 0, 1, 1], [], []>, transpose_lhs_hint = false} : vector<1024x128xf32>, vector<128x128xf32>, vector<1024x128xf32> -> vector<1024x128xf32>
    %add3A = vector.broadcast %get3A_25 : vector<1x128xf32> to vector<1024x128xf32>
    %add3A_27 = arith.addf %dot_general3A_26, %add3A : vector<1024x128xf32>
    %max3A_28 = arith.constant 0.000000e+00 : f32
    %max3A_29 = vector.broadcast %max3A_28 : f32 to vector<1024x128xf32>
    %max3A_30 = arith.maximumf %add3A_27, %max3A_29 : vector<1024x128xf32>
    %get3A_31 = arith.constant 0 : index
    %get3A_32 = arith.constant 0 : index
    %get3A_33 = vector.load %arg4[%get3A_31, %get3A_32] : memref<1x128xf32, #tpu.memory_space<vmem>>, vector<1x128xf32>
    %mul3A_34 = vector.broadcast %get3A_33 : vector<1x128xf32> to vector<1024x128xf32>
    %mul3A_35 = arith.mulf %mul3A_14, %mul3A_34 : vector<1024x128xf32>
    %dot_general3A_36 = arith.constant dense<0.000000e+00> : vector<1024x128xf32>
    %dot_general3A_37 = tpu.matmul %mul3A_35, %get3A_22, %dot_general3A_36 {dimension_numbers = #tpu.dot_dimension_numbers<[1], [0], [0], [1], [0, 0, 1, 1], [], []>, transpose_lhs_hint = false} : vector<1024x128xf32>, vector<128x128xf32>, vector<1024x128xf32> -> vector<1024x128xf32>
    %add3A_38 = vector.broadcast %get3A_25 : vector<1x128xf32> to vector<1024x128xf32>
    %add3A_39 = arith.addf %dot_general3A_37, %add3A_38 : vector<1024x128xf32>
    %max3A_40 = arith.constant 0.000000e+00 : f32
    %max3A_41 = vector.broadcast %max3A_40 : f32 to vector<1024x128xf32>
    %max3A_42 = arith.maximumf %add3A_39, %max3A_41 : vector<1024x128xf32>
    %dot_general3A_43 = arith.constant dense<0.000000e+00> : vector<1024x128xf32>
    %dot_general3A_44 = tpu.matmul %mul3A_19, %get3A_22, %dot_general3A_43 {dimension_numbers = #tpu.dot_dimension_numbers<[1], [0], [0], [1], [0, 0, 1, 1], [], []>, transpose_lhs_hint = false} : vector<1024x128xf32>, vector<128x128xf32>, vector<1024x128xf32> -> vector<1024x128xf32>
    %add3A_45 = vector.broadcast %get3A_25 : vector<1x128xf32> to vector<1024x128xf32>
    %add3A_46 = arith.addf %dot_general3A_44, %add3A_45 : vector<1024x128xf32>
    %max3A_47 = arith.constant 0.000000e+00 : f32
    %max3A_48 = vector.broadcast %max3A_47 : f32 to vector<1024x128xf32>
    %max3A_49 = arith.maximumf %add3A_46, %max3A_48 : vector<1024x128xf32>
    %swap3A = arith.constant 0 : index
    %swap3A_50 = arith.constant 0 : index
    %swap3A_51 = vector.load %arg8[%swap3A, %swap3A_50] : memref<1024x128xf32, #tpu.memory_space<vmem>>, vector<1024x128xf32>
    tpu.vector_store %arg8[%swap3A, %swap3A_50], %max3A_30 {strides = array<i32>} : memref<1024x128xf32, #tpu.memory_space<vmem>>, vector<1024x128xf32>,
    %swap3A_52 = arith.constant 0 : index
    %swap3A_53 = arith.constant 0 : index
    %swap3A_54 = vector.load %arg9[%swap3A_52, %swap3A_53] : memref<1024x128xf32, #tpu.memory_space<vmem>>, vector<1024x128xf32>
    tpu.vector_store %arg9[%swap3A_52, %swap3A_53], %max3A_42 {strides = array<i32>} : memref<1024x128xf32, #tpu.memory_space<vmem>>, vector<1024x128xf32>,
    %swap3A_55 = arith.constant 0 : index
    %swap3A_56 = arith.constant 0 : index
    %swap3A_57 = vector.load %arg10[%swap3A_55, %swap3A_56] : memref<1024x128xf32, #tpu.memory_space<vmem>>, vector<1024x128xf32>
    tpu.vector_store %arg10[%swap3A_55, %swap3A_56], %max3A_49 {strides = array<i32>} : memref<1024x128xf32, #tpu.memory_space<vmem>>, vector<1024x128xf32>,
    %iota3A = tpu.iota {dimensions = array<i32: 0>} : vector<128x1024xi32>
    %get3A_58 = arith.constant 0 : index
    %get3A_59 = arith.constant 0 : index
    %get3A_60 = vector.load %arg7[%get3A_58, %get3A_59] : memref<1x1024xi32, #tpu.memory_space<vmem>>, vector<1x1024xi32>
    %eq3A = vector.broadcast %get3A_60 : vector<1x1024xi32> to vector<128x1024xi32>
    %eq3A_61 = arith.cmpi eq, %iota3A, %eq3A : vector<128x1024xi32>
    %convert_element_type3A = arith.extui %eq3A_61 : vector<128x1024xi1> to vector<128x1024xi32>
    %convert_element_type3A_62 = arith.sitofp %convert_element_type3A : vector<128x1024xi32> to vector<128x1024xf32>
    %eq3A_63 = arith.constant 0 : i32
    %eq3A_64 = arith.cmpi eq, %arg0, %eq3A_63 : i32
    %convert_element_type3A_65 = arith.extui %eq3A_64 : i1 to i32
    %cond3A = arith.constant 0 : i32
    %cond3A_66 = arith.cmpi ne, %convert_element_type3A_65, %cond3A : i32
    scf.if %cond3A_66 {
      %broadcast_in_dim3A = arith.constant 0.000000e+00 : f32
      %broadcast_in_dim3A_94 = vector.broadcast %broadcast_in_dim3A : f32 to vector<128x128xf32>
      %swap3A_95 = arith.constant 0 : index
      %swap3A_96 = arith.constant 0 : index
      %swap3A_97 = vector.load %arg11[%swap3A_95, %swap3A_96] : memref<128x128xf32, #tpu.memory_space<vmem>>, vector<128x128xf32>
      tpu.vector_store %arg11[%swap3A_95, %swap3A_96], %broadcast_in_dim3A_94 {strides = array<i32>} : memref<128x128xf32, #tpu.memory_space<vmem>>, vector<128x128xf32>,
      %broadcast_in_dim3A_98 = arith.constant 0.000000e+00 : f32
      %broadcast_in_dim3A_99 = vector.broadcast %broadcast_in_dim3A_98 : f32 to vector<128x128xf32>
      %swap3A_100 = arith.constant 0 : index
      %swap3A_101 = arith.constant 0 : index
      %swap3A_102 = vector.load %arg12[%swap3A_100, %swap3A_101] : memref<128x128xf32, #tpu.memory_space<vmem>>, vector<128x128xf32>
      tpu.vector_store %arg12[%swap3A_100, %swap3A_101], %broadcast_in_dim3A_99 {strides = array<i32>} : memref<128x128xf32, #tpu.memory_space<vmem>>, vector<128x128xf32>,
      %broadcast_in_dim3A_103 = arith.constant 0.000000e+00 : f32
      %broadcast_in_dim3A_104 = vector.broadcast %broadcast_in_dim3A_103 : f32 to vector<128x128xf32>
      %swap3A_105 = arith.constant 0 : index
      %swap3A_106 = arith.constant 0 : index
      %swap3A_107 = vector.load %arg13[%swap3A_105, %swap3A_106] : memref<128x128xf32, #tpu.memory_space<vmem>>, vector<128x128xf32>
      tpu.vector_store %arg13[%swap3A_105, %swap3A_106], %broadcast_in_dim3A_104 {strides = array<i32>} : memref<128x128xf32, #tpu.memory_space<vmem>>, vector<128x128xf32>,
    } else {
    }
    %get3A_67 = arith.constant 0 : index
    %get3A_68 = arith.constant 0 : index
    %get3A_69 = vector.load %arg11[%get3A_67, %get3A_68] : memref<128x128xf32, #tpu.memory_space<vmem>>, vector<128x128xf32>
    %dot_general3A_70 = arith.constant dense<0.000000e+00> : vector<128x128xf32>
    %dot_general3A_71 = tpu.matmul %convert_element_type3A_62, %max3A_30, %dot_general3A_70 {dimension_numbers = #tpu.dot_dimension_numbers<[1], [0], [0], [1], [0, 0, 1, 1], [], []>, transpose_lhs_hint = false} : vector<128x1024xf32>, vector<1024x128xf32>, vector<128x128xf32> -> vector<128x128xf32>
    %add3A_72 = arith.addf %get3A_69, %dot_general3A_71 : vector<128x128xf32>
    %swap3A_73 = arith.constant 0 : index
    %swap3A_74 = arith.constant 0 : index
    %swap3A_75 = vector.load %arg11[%swap3A_73, %swap3A_74] : memref<128x128xf32, #tpu.memory_space<vmem>>, vector<128x128xf32>
    tpu.vector_store %arg11[%swap3A_73, %swap3A_74], %add3A_72 {strides = array<i32>} : memref<128x128xf32, #tpu.memory_space<vmem>>, vector<128x128xf32>,
    %get3A_76 = arith.constant 0 : index
    %get3A_77 = arith.constant 0 : index
    %get3A_78 = vector.load %arg12[%get3A_76, %get3A_77] : memref<128x128xf32, #tpu.memory_space<vmem>>, vector<128x128xf32>
    %dot_general3A_79 = arith.constant dense<0.000000e+00> : vector<128x128xf32>
    %dot_general3A_80 = tpu.matmul %convert_element_type3A_62, %max3A_42, %dot_general3A_79 {dimension_numbers = #tpu.dot_dimension_numbers<[1], [0], [0], [1], [0, 0, 1, 1], [], []>, transpose_lhs_hint = false} : vector<128x1024xf32>, vector<1024x128xf32>, vector<128x128xf32> -> vector<128x128xf32>
    %add3A_81 = arith.addf %get3A_78, %dot_general3A_80 : vector<128x128xf32>
    %swap3A_82 = arith.constant 0 : index
    %swap3A_83 = arith.constant 0 : index
    %swap3A_84 = vector.load %arg12[%swap3A_82, %swap3A_83] : memref<128x128xf32, #tpu.memory_space<vmem>>, vector<128x128xf32>
    tpu.vector_store %arg12[%swap3A_82, %swap3A_83], %add3A_81 {strides = array<i32>} : memref<128x128xf32, #tpu.memory_space<vmem>>, vector<128x128xf32>,
    %get3A_85 = arith.constant 0 : index
    %get3A_86 = arith.constant 0 : index
    %get3A_87 = vector.load %arg13[%get3A_85, %get3A_86] : memref<128x128xf32, #tpu.memory_space<vmem>>, vector<128x128xf32>
    %dot_general3A_88 = arith.constant dense<0.000000e+00> : vector<128x128xf32>
    %dot_general3A_89 = tpu.matmul %convert_element_type3A_62, %max3A_49, %dot_general3A_88 {dimension_numbers = #tpu.dot_dimension_numbers<[1], [0], [0], [1], [0, 0, 1, 1], [], []>, transpose_lhs_hint = false} : vector<128x1024xf32>, vector<1024x128xf32>, vector<128x128xf32> -> vector<128x128xf32>
    %add3A_90 = arith.addf %get3A_87, %dot_general3A_89 : vector<128x128xf32>
    %swap3A_91 = arith.constant 0 : index
    %swap3A_92 = arith.constant 0 : index
    %swap3A_93 = vector.load %arg13[%swap3A_91, %swap3A_92] : memref<128x128xf32, #tpu.memory_space<vmem>>, vector<128x128xf32>
    tpu.vector_store %arg13[%swap3A_91, %swap3A_92], %add3A_90 {strides = array<i32>} : memref<128x128xf32, #tpu.memory_space<vmem>>, vector<128x128xf32>,
    return
  }
  func.func @transform_0(%arg0: i32) -> (i32, i32) {
    %c0_i32 = arith.constant 0 : i32
    %c0_i32_0 = arith.constant 0 : i32
    return %arg0, %c0_i32 : i32, i32
  }
  func.func @transform_1(%arg0: i32) -> (i32, i32) {
    %add3A = arith.constant 10 : i32
    %add3A_0 = arith.addi %arg0, %add3A : i32
    %c0_i32 = arith.constant 0 : i32
    %c0_i32_1 = arith.constant 0 : i32
    return %add3A_0, %c0_i32 : i32, i32
  }
  func.func @transform_2(%arg0: i32) -> (i32, i32) {
    %c0_i32 = arith.constant 0 : i32
    %c0_i32_0 = arith.constant 0 : i32
    return %arg0, %c0_i32 : i32, i32
  }
  func.func @transform_3(%arg0: i32) -> (i32, i32) {
    %c0_i32 = arith.constant 0 : i32
    %c0_i32_0 = arith.constant 0 : i32
    %c0_i32_1 = arith.constant 0 : i32
    return %c0_i32, %c0_i32_0 : i32, i32
  }
  func.func @transform_4(%arg0: i32) -> (i32, i32) {
    %c0_i32 = arith.constant 0 : i32
    %c0_i32_0 = arith.constant 0 : i32
    %c0_i32_1 = arith.constant 0 : i32
    return %c0_i32, %c0_i32_0 : i32, i32
  }
  func.func @transform_5(%arg0: i32) -> (i32, i32) {
    %c0_i32 = arith.constant 0 : i32
    %c0_i32_0 = arith.constant 0 : i32
    %c0_i32_1 = arith.constant 0 : i32
    return %c0_i32, %c0_i32_0 : i32, i32
  }
  func.func @transform_6(%arg0: i32) -> (i32, i32) {
    %c0_i32 = arith.constant 0 : i32
    %c0_i32_0 = arith.constant 0 : i32
    return %c0_i32, %arg0 : i32, i32
  }
  func.func @transform_7(%arg0: i32) -> (i32, i32) {
    %c0_i32 = arith.constant 0 : i32
    %c0_i32_0 = arith.constant 0 : i32
    return %arg0, %c0_i32 : i32, i32
  }
  func.func @transform_8(%arg0: i32) -> (i32, i32) {
    %c0_i32 = arith.constant 0 : i32
    %c0_i32_0 = arith.constant 0 : i32
    return %arg0, %c0_i32 : i32, i32
  }
  func.func @transform_9(%arg0: i32) -> (i32, i32) {
    %c0_i32 = arith.constant 0 : i32
    %c0_i32_0 = arith.constant 0 : i32
    return %arg0, %c0_i32 : i32, i32
  }
  func.func @transform_10(%arg0: i32) -> (i32, i32) {
    %c0_i32 = arith.constant 0 : i32
    %c0_i32_0 = arith.constant 0 : i32
    %c0_i32_1 = arith.constant 0 : i32
    return %c0_i32, %c0_i32_0 : i32, i32
  }
  func.func @transform_11(%arg0: i32) -> (i32, i32) {
    %c0_i32 = arith.constant 0 : i32
    %c0_i32_0 = arith.constant 0 : i32
    %c0_i32_1 = arith.constant 0 : i32
    return %c0_i32, %c0_i32_0 : i32, i32
  }
  func.func @transform_12(%arg0: i32) -> (i32, i32) {
    %c0_i32 = arith.constant 0 : i32
    %c0_i32_0 = arith.constant 0 : i32
    %c0_i32_1 = arith.constant 0 : i32
    return %c0_i32, %c0_i32_0 : i32, i32
  }
}

</mosaic_0001>

<sc_bundles>
// kernel: kernel.6.cloned.1.call-start
scs
__scs_entry_jumppad:
0x0: {  	(pc) =	sbr.rel $0x88, $3  }
0x1: {  	(tag) =	ssettag $0x0;
	lr =	simm.s32 $0x1  }
0x2: {  	[smem:$0x3F9A] =	sst lr;
	_ =	strace $0xD0000000  }
0x3: {  	_ = 	snop  }
0x4: {  	_ = 	snop  }
0x5: {  	_ = 	snop  }
0x6: {  	_ = 	snop  }
0x7: {  	_ = 	snop  }
__scs_overlays_trampoline_lowered:
0x8: {  	[smem:$0x3FA9] =	sst s0  }
0x9: {  	[smem:$0x3FAA] =	sst s1  }
0xa: {  	[smem:$0x3FAB] =	sst s2  }
0xb: {  	[smem:$0x3FAC] =	sst s3  }
0xc: {  	[smem:$0x3FAD] =	sst s4  }
0xd: {  	[smem:$0x3FAE] =	sst s5  }
0xe: {  	[smem:$0x3FAF] =	sst s6  }
0xf: {  	[smem:$0x3FB0] =	sst s7  }
0x10: {  	[smem:$0x3FB1] =	sst s8  }
0x11: {  	[smem:$0x3FB2] =	sst s9;
	s0 =	simm.s32 @!p0 $0x0  }
0x12: {  	s1 =	sld [smem:$0x3F98];
	s0 =	simm.s32 @p0 $0x1  }
0x13: {  	[smem:$0x3FB3] =	sst s0;
	s0 =	simm.s32 @!p1 $0x0  }
0x14: {  	s2 =	sld [smem:$0x3F97];
	s0 =	simm.s32 @p1 $0x1  }
0x15: {  	[smem:$0x3FB4] =	sst s0;
	s0 =	simm.s32 @!p2 $0x0  }
0x16: {  	s3 =	sld [smem:$0x3FDB];
	s0 =	simm.s32 @p2 $0x1  }
0x17: {  	s4 =	simm.s32 $0x1BF5;
	[smem:$0x3FB6] =	sst s0  }
0x18: {  	s0 =	sld [smem:$0x3F99];
	_ =	swait.ge [sflag:s4], $0x0  }
0x19: {  	s7 =	sld [smem:$0x3F9A]  }
0x1a: {  	s8 =	sadd.s32 $0xFFFFE003, lr  }
0x1b: {  	s9 =	sadd.s32 $0xFFFFFEF7, lr;
	s5 =	simm.s32 $0xFFFFFFFF;
	p2 =	slt.u32 s8, $0xFFFFF086  }
0x1c: {  	p1 =	slt.u32 s9, $0xF7A;
	s5 =	simm.s32 @!p2 $0x0  }
0x1d: {  	s5 =	simm.s32 @p1 $0x1;
	p0 =	seq.s32 s7, s2  }
0x1e: {  	s7 =	smul.u32 @!p0 $0xF7A, s2;
	p2 =	seq.s32 @!p0 s5, $0x0  }
0x1f: {  	s9 =	smul.u32 $0xF7A, s1;
	s8 =	simm.s32 @!p0 $0x1BF5;
	p2 =	por !p2, p0  }
0x20: {  	[sflag:s8] =	ssyncset.s32 @!p0 $0xFFFFF086;
	s6 =	sadd.s32 @!p0 s3, s7;
	s7 =	simm.s32 @!p0 $0x108  }
0x21: {  	s3 =	sadd.s32 s3, s9;
	s6 =	sadd.s32 @!p0 $0x88, s6;
	s7 =	simm.s32 @p2 $0x1082  }
0x22: {  	[simem:s7], [sflag:s8] =	dma.local @!p0 [hbm:s6], $0xF7A  }
0x23: {  	s9 =	sor.u32 $0xD0000000, s2;
	s6 =	simm.s32 $0x108;
	_ =	swait.ge @!p0 [sflag:s8], $0x0  }
0x24: {  	s3 =	sadd.s32 $0x88, s3;
	s6 =	simm.s32 @!p1 $0x1082;
	[sflag:s4] =	ssyncset.s32 $0xFFFFF086  }
0x25: {  	[simem:s6], [sflag:s4] =	dma.local [hbm:s3], $0xF7A  }
0x26: {  	[smem:$0x3F9A] =	sst s1;
	(tag) =	ssettag s2;
	_ =	strace s9  }
0x27: {  	s1 =	sld [smem:$0x3FAA]  }
0x28: {  	s2 =	sld [smem:$0x3FAB]  }
0x29: {  	s4 =	sld [smem:$0x3FAD]  }
0x2a: {  	p0 =	seq.s32 s5, $0x0;
	s5 =	sld [smem:$0x3FAE]  }
0x2b: {  	s6 =	sld [smem:$0x3FAF]  }
0x2c: {  	s7 =	sld [smem:$0x3FB0]  }
0x2d: {  	s3 =	simm.s32 $0x108;
	s8 =	sld [smem:$0x3FB1]  }
0x2e: {  	s3 =	simm.s32 @!p0 $0x1082;
	s9 =	sld [smem:$0x3FB2]  }
0x2f: {  	lr =	sadd.s32 s0, s3;
	s0 =	sld [smem:$0x3FA9]  }
0x30: {  	s3 =	sld [smem:$0x3FAC]  }
0x31: {  	[smem:$0x3FB5] =	sst s10  }
0x32: {  	s10 =	sld [smem:$0x3FB3];
	_ =	sdelay $0x3  }
0x33: {  	p0 =	seq.s32 s10, $0x1;
	s10 =	sld [smem:$0x3FB5];
	_ =	sdelay $0x3  }
0x34: {  	[smem:$0x3FB5] =	sst s10  }
0x35: {  	s10 =	sld [smem:$0x3FB4];
	_ =	sdelay $0x3  }
0x36: {  	p1 =	seq.s32 s10, $0x1;
	s10 =	sld [smem:$0x3FB5];
	_ =	sdelay $0x3  }
0x37: {  	[smem:$0x3FB5] =	sst s10  }
0x38: {  	s10 =	sld [smem:$0x3FB6]  }
0x39: {  	_ = 	snop;
	(pc) =	sbr.ind lr, $3  }
0x3a: {  	_ = 	snop  }
0x3b: {  	_ = 	snop  }
0x3c: {  	p2 =	seq.s32 s10, $0x1;
	s10 =	sld [smem:$0x3FB5]  }
0x3d: {  	_ =	shalt  }
0x3e: {  	_ =	shalt  }
0x3f: {  	_ =	shalt  }
0x40: {  	_ =	shalt  }
0x41: {  	_ =	shalt  }
0x42: {  	_ =	shalt  }
0x43: {  	_ =	shalt  }
0x44: {  	_ =	shalt  }
0x45: {  	_ =	shalt  }
0x46: {  	_ =	shalt  }
0x47: {  	_ =	shalt  }
0x48: {  	_ =	shalt  }
0x49: {  	_ =	shalt  }
0x4a: {  	_ =	shalt  }
0x4b: {  	_ =	shalt  }
0x4c: {  	_ =	shalt  }
0x4d: {  	_ =	shalt  }
0x4e: {  	_ =	shalt  }
0x4f: {  	_ =	shalt  }
0x50: {  	_ =	shalt  }
0x51: {  	_ =	shalt  }
0x52: {  	_ =	shalt  }
0x53: {  	_ =	shalt  }
0x54: {  	_ =	shalt  }
0x55: {  	_ =	shalt  }
0x56: {  	_ =	shalt  }
0x57: {  	_ =	shalt  }
0x58: {  	_ =	shalt  }
0x59: {  	_ =	shalt  }
0x5a: {  	_ =	shalt  }
0x5b: {  	_ =	shalt  }
0x5c: {  	_ =	shalt  }
0x5d: {  	_ =	shalt  }
0x5e: {  	_ =	shalt  }
0x5f: {  	_ =	shalt  }
0x60: {  	_ =	shalt  }
0x61: {  	_ =	shalt  }
0x62: {  	_ =	shalt  }
0x63: {  	_ =	shalt  }
0x64: {  	_ =	shalt  }
0x65: {  	_ =	shalt  }
0x66: {  	_ =	shalt  }
0x67: {  	_ =	shalt  }
0x68: {  	_ =	shalt  }
0x69: {  	_ =	shalt  }
0x6a: {  	_ =	shalt  }
0x6b: {  	_ =	shalt  }
0x6c: {  	_ =	shalt  }
0x6d: {  	_ =	shalt  }
0x6e: {  	_ =	shalt  }
0x6f: {  	_ =	shalt  }
0x70: {  	_ =	shalt  }
0x71: {  	_ =	shalt  }
0x72: {  	_ =	shalt  }
0x73: {  	_ =	shalt  }
0x74: {  	_ =	shalt  }
0x75: {  	_ =	shalt  }
0x76: {  	_ =	shalt  }
0x77: {  	_ =	shalt  }
0x78: {  	_ =	shalt  }
0x79: {  	_ =	shalt  }
0x7a: {  	_ =	shalt  }
0x7b: {  	_ =	shalt  }
0x7c: {  	_ =	shalt  }
0x7d: {  	_ =	shalt  }
0x7e: {  	_ =	shalt  }
0x7f: {  	_ =	shalt  }
0x80: {  	_ =	shalt  }
0x81: {  	_ =	shalt  }
0x82: {  	_ =	shalt  }
0x83: {  	_ =	shalt  }
0x84: {  	_ =	shalt  }
0x85: {  	_ =	shalt  }
0x86: {  	_ =	shalt  }
0x87: {  	_ =	shalt  }
.Lfunc_end0:
.L_simem_size_0:
called_computation_lowered:
.L_overlay_start_0:
0x88: {  	s2 =	sld [smem:$0x3FD9]  }
0x89: {  	s3 =	sld [smem:$0x3FFE];
	_ =	sdelay $0x1  }
0x8a: {  	s1 =	srdreg.scid  }
0x8b: {  	s0 =	sand.u32 $0x1, s1  }
0x8c: {  	s14 =	sshll.u32 s0, $0xA;
	s2 =	sadd.s32 s3, s2  }
0x8d: {  	s2 =	sadd.s32 s2, s14  }
0x8e: {  	[smem:$0x3FC1] =	sst s2  }
0x8f: {  	_ = 	snop  }
0x90: {  	s2 =	sld [smem:$0x3FD0];
	_ =	sdelay $0x2  }
0x91: {  	s15 =	simm.s32 $0xA;
	s4 =	simm.s32 $0x10  }
0x92: {  	[smem:s4], [sflag:s15] =	dma.local [hbm:s2], $0x1  }
0x93: {  	_ =	swait.eq [sflag:s15], $0x1  }
0x94: {  	[sflag:s15] =	ssyncset.done $0x0  }
0x95: {  	s16 =	sld [smem:$0x12];
	[sflag:s15] =	ssyncadd.s32 $0xFFFFFFFF  }
0x96: {  	s17 =	sld [smem:$0x13];
	(tm) =	ssettm $0x1  }
0x97: {  	s18 =	sld [smem:$0x3FFB];
	_ =	sdelay $0x3  }
0x98: {  	_ =	strace s18  }
0x99: {  	s4 =	sld [smem:$0x3FFC];
	_ =	sdelay $0x3  }
0x9a: {  	_ =	strace s4  }
0x9b: {  	s4 =	sld [smem:$0x3FFD];
	_ =	sdelay $0x3  }
0x9c: {  	_ =	strace s4  }
0x9d: {  	_ =	strace $0x8FFFFFFF  }
0x9e: {  	s19 =	sld [smem:$0x3FDB];
	_ =	sdelay $0x1  }
0x9f: {  	s5 =	simm.s32 $_scs_section_size  }
0xa0: {  	s6 =	simm.s32 $_size__tile_overlayer_lowered;
	s7 =	simm.s32 $_tile_overlayer_lowered  }
0xa1: {  	s22 =	simm.s32 $0x1BFF;
	s21 =	sshll.u32 s7, $0x1;
	s4 =	sadd.s32 s5, s19  }
0xa2: {  	s8 =	simm.s32 $0x0;
	s20 =	sshll.u32 s6, $0x1;
	s6 =	sadd.s32 s21, s4  }
0xa3: {  	[timem:s8], [sflag:s22] =	dma.local [hbm:s6], s20  }
0xa4: {  	_ =	swait.ge [sflag:s22], s20  }
0xa5: {  	s5 =	ssub.s32 $0x0, s20;
	[sflag:s22] =	ssyncset.done $0x0  }
0xa6: {  	[sflag:s22] =	ssyncadd.s32 s5;
	_ =	sdelay $0x1  }
0xa7: {  	s23 =	simm.s32 $0x1B8B  }
0xa8: {  	_ =	swait.ge [sflag:s23], $0x1  }
0xa9: {  	[sflag:s23] =	ssyncset.done $0x0  }
0xaa: {  	s25 =	simm.s32 $0x1B8E;
	s24 =	sld [smem:$0x3FFE];
	[sflag:s23] =	ssyncadd.s32 $0xFFFFFFFF  }
0xab: {  	s26 =	simm.s32 $execute0_lowered;
	[smem:$0x3FD2] =	sst s25  }
0xac: {  	s6 =	sshll.u32 s26, $0x1;
	_ =	strace $0x80000046;
	[dreg:$0x1] =	wrdreg $0xFFFFFFFF  }
0xad: {  	s28 =	simm.s32 $_size_execute0_lowered;
	s4 =	sadd.s32 s4, s6;
	[dreg:$0x0] =	wrdreg $0x0  }
0xae: {  	s6 =	sshll.u32 s28, $0x1;
	[dreg:$0x2] =	wrdreg s4  }
0xaf: {  	[dreg:$0x3] =	wrdreg s6  }
0xb0: {  	[dreg:$0x4] =	wrdreg $0xC0  }
0xb1: {  	_ =	task [dreg:s8], $0x5FFFF  }
0xb2: {  	[dreg:$0x1] =	wrdreg $0xFFFFFFFF  }
0xb3: {  	[dreg:$0x0] =	wrdreg $0x60  }
0xb4: {  	[dreg:$0x2] =	wrdreg s16  }
0xb5: {  	[dreg:$0x3] =	wrdreg s24  }
0xb6: {  	[dreg:$0x4] =	wrdreg s17  }
0xb7: {  	[dreg:$0x5] =	wrdreg $0xF2800  }
0xb8: {  	[dreg:$0x6] =	wrdreg $0xF5000  }
0xb9: {  	[dreg:$0x7] =	wrdreg $0x9  }
0xba: {  	_ =	task.clear_ibuf [dreg:s8], $0x8FFFF;
	_ =	strace $0x90000046  }
0xbb: {  	s29 =	simm.s32 $0x9;
	_ =	strace $0x80000048  }
0xbc: {  	_ =	swait.ge [sflag:s29], $0x1  }
0xbd: {  	[sflag:s29] =	ssyncadd.s32 $0xFFFFFFFF  }
0xbe: {  	_ =	strace $0x90000048  }
0xbf: {  	_ =	sfence  }
0xc0: {  	s30 =	sld [smem:$0x0];
	_ =	sdelay $0x2  }
0xc1: {  	s31 =	sshll.u32 s1, $0xD;
	s1 =	sshrl.u32 s1, $0x2  }
0xc2: {  	s3 =	sand.u32 $0x4000, s31;
	s1 =	sadd.s32 s1, s30  }
0xc3: {  	s0 =	sor.u32 s3, s0;
	s1 =	sshll.u32 s1, $0x11  }
0xc4: {  	s0 =	sor.u32 s1, s0  }
0xc5: {  	s0 =	sadd.s32 $0x8F2B, s0  }
0xc6: {  	[sflag:s0] =	ssyncadd.remote.s32 $0x1  }
0xc7: {  	_ =	sfence.sel $0xFFFF  }
0xc8: {  	[dreg:$0x0] =	wrdreg $0xFFFFFFFF;
	(pc) =	sbr.abs _section_cstart, $3  }
0xc9: {  	[dreg:$0x1] =	wrdreg $0xFFFFFFFF  }
0xca: {  	_ =	task.clear_ibuf [dreg:s8], $0x2FFFF;
	_ =	strace $0x9FFFFFFF  }
0xcb: {  	(tm) =	ssettm $0x7FFFFFFF  }
tec
execute0_lowered:
.L_overlay_start_1:
0x0: {  	(tag) =	ssettag $0x1  }
0x1: {  	s7 =	rddreg [dreg:$0x0]  }
0x2: {  	s5 =	rddreg [dreg:$0x1]  }
0x3: {  	s9 =	rddreg [dreg:$0x2]  }
0x4: {  	s1 =	rddreg [dreg:$0x3];
	s0 =	stileid.u32  }
0x5: {  	s2 =	srdreg.scid;
	s3 =	rddreg [dreg:$0x4];
	s4 =	simm.s32 $0x0  }
0x6: {  	s15 =	simm.s32 $0x5000;
	s16 =	simm.s32 $0xA000;
	s17 =	simm.s32 $0x1  }
0x7: {  	s18 =	simm.s32 $0x2;
	s19 =	simm.s32 $0x80;
	s8 =	smul.u32 $0xA00, s0  }
0x8: {  	s6 =	sand.u32 $0x1, s2;
	s10 =	smul.u32 $0x280, s0;
	s2 =	rddreg [dreg:$0x5]  }
0x9: {  	s20 =	simm.s32 $0x0;
	[smem:$0x7FF] =	sst s4;
	s11 =	smul.u32 $0x5000, s6  }
0xa: {  	_ =	strace $0x80000047;
	s13 =	ssub.s32 $0x2, s6;
	s6 =	sshll.u32 s6, $0x4  }
0xb: {  	s12 =	sadd.s32 s8, s5;
	s31 =	sshrl.u32 s13, $0x1;
	s6 =	sor.u32 s0, s6  }
0xc: {  	s7 =	sadd.s32 s7, s8;
	s11 =	sadd.s32 s10, s11;
	s13 =	ssub.s32 s13, s31  }
0xd: {  	s14 =	smul.u32 $0xA00, s6;
	s6 =	sadd.s32 s10, s3;
	s8 =	sadd.s32 $0x2A00, s12  }
0xe: {  	s11 =	sshrl.u32 s11, $0x3;
	s12 =	smax.u32 s13, $0x1;
	s13 =	simm.s32 $0xF000  }
0xf: {  	s11 =	sadd.s32 s11, s5;
	s5 =	sadd.s32 s10, s1;
	s9 =	sadd.s32 s9, s14  }
0x10: {  	v0 =	vimm.f32 $0.0e+00;
	s14 =	simm.s32 $0x3;
	s10 =	sadd.s32 $0xCA00, s11;
	s11 =	sadd.s32 $0xCF00, s11  }
.LBB2_1:
0x11: {  	[tilespmem:$0xF000] =	vst v0  }
0x12: {  	[tilespmem:$0xF010] =	vst v0  }
0x13: {  	[tilespmem:$0xF020] =	vst v0  }
0x14: {  	[tilespmem:$0xF030] =	vst v0  }
0x15: {  	[tilespmem:$0xF040] =	vst v0  }
0x16: {  	[tilespmem:$0xF050] =	vst v0  }
0x17: {  	[tilespmem:$0xF060] =	vst v0  }
0x18: {  	[tilespmem:$0xF070] =	vst v0  }
0x19: {  	[tilespmem:$0xF080] =	vst v0  }
0x1a: {  	[tilespmem:$0xF090] =	vst v0  }
0x1b: {  	[tilespmem:$0xF0A0] =	vst v0  }
0x1c: {  	[tilespmem:$0xF0B0] =	vst v0  }
0x1d: {  	[tilespmem:$0xF0C0] =	vst v0  }
0x1e: {  	[tilespmem:$0xF0D0] =	vst v0  }
0x1f: {  	[tilespmem:$0xF0E0] =	vst v0  }
0x20: {  	[tilespmem:$0xF0F0] =	vst v0  }
0x21: {  	[tilespmem:$0xF100] =	vst v0  }
0x22: {  	[tilespmem:$0xF110] =	vst v0  }
0x23: {  	[tilespmem:$0xF120] =	vst v0  }
0x24: {  	[tilespmem:$0xF130] =	vst v0  }
0x25: {  	[tilespmem:$0xF140] =	vst v0  }
0x26: {  	[tilespmem:$0xF150] =	vst v0  }
0x27: {  	[tilespmem:$0xF160] =	vst v0  }
0x28: {  	[tilespmem:$0xF170] =	vst v0  }
0x29: {  	[tilespmem:$0xF180] =	vst v0  }
0x2a: {  	[tilespmem:$0xF190] =	vst v0  }
0x2b: {  	[tilespmem:$0xF1A0] =	vst v0  }
0x2c: {  	[tilespmem:$0xF1B0] =	vst v0  }
0x2d: {  	[tilespmem:$0xF1C0] =	vst v0  }
0x2e: {  	[tilespmem:$0xF1D0] =	vst v0  }
0x2f: {  	[tilespmem:$0xF1E0] =	vst v0  }
0x30: {  	[tilespmem:$0xF1F0] =	vst v0  }
0x31: {  	[tilespmem:$0xF200] =	vst v0  }
0x32: {  	[tilespmem:$0xF210] =	vst v0  }
0x33: {  	[tilespmem:$0xF220] =	vst v0  }
0x34: {  	[tilespmem:$0xF230] =	vst v0  }
0x35: {  	[tilespmem:$0xF240] =	vst v0  }
0x36: {  	[tilespmem:$0xF250] =	vst v0  }
0x37: {  	[tilespmem:$0xF260] =	vst v0  }
0x38: {  	[tilespmem:$0xF270] =	vst v0  }
0x39: {  	[spmem:s5] =	stream.linear.scatter [tilespmem:s13], [sflag:$0x3], $0x280, $0x38;
	[tilespmem:$0xF780] =	vst v63  }
0x3a: {  	_ =	swait.ge [sflag:s14], $0x280  }
0x3b: {  	[sflag:s14] =	ssyncset.done $0x0  }
0x3c: {  	[sflag:s14] =	ssyncadd.s32 $0xFFFFFD80  }
0x3d: {  	[spmem:s6] =	stream.linear.scatter [tilespmem:s13], [sflag:$0x3], $0x280, $0x38;
	[tilespmem:$0xF780] =	vst v63  }
0x3e: {  	_ =	swait.ge [sflag:s14], $0x280  }
0x3f: {  	[sflag:s14] =	ssyncset.done $0x0  }
0x40: {  	[sflag:s14] =	ssyncadd.s32 $0xFFFFFD80  }
0x41: {  	[tilespmem:s4], [sflag:$0x1] =	stream.linear.gather [hbm4b:s7+s4], $0x5000, $0x38;
	[tilespmem:$0xF780] =	vst v63  }
0x42: {  	_ = 	snop  }
0x43: {  	[tilespmem:s15], [sflag:$0x2] =	stream.linear.gather [hbm4b:s8+s4], $0x5000, $0x38;
	[tilespmem:$0xF780] =	vst v63  }
0x44: {  	_ = 	snop  }
0x45: {  	[tilespmem:s16], [sflag:$0x3] =	stream.linear.gather [hbm4b:s9+s4], $0x5000, $0x38;
	[tilespmem:$0xF780] =	vst v63  }
0x46: {  	_ =	swait.ge [sflag:s14], $0x5000  }
0x47: {  	[sflag:s14] =	ssyncset.done $0x0  }
0x48: {  	[sflag:s14] =	ssyncadd.s32 $0xFFFFB000  }
0x49: {  	_ =	swait.ge [sflag:s17], $0x5000  }
0x4a: {  	[sflag:s17] =	ssyncset.done $0x0  }
0x4b: {  	[sflag:s17] =	ssyncadd.s32 $0xFFFFB000  }
0x4c: {  	_ =	swait.ge [sflag:s18], $0x5000  }
0x4d: {  	[sflag:s18] =	ssyncset.done $0x0  }
0x4e: {  	[sflag:s18] =	ssyncadd.s32 $0xFFFFB000  }
0x4f: {  	s21 =	simm.s32 $0x0;
	s22 =	simm.s32 $0xA000;
	[bflag:$0x0] =	sbarrier.arrive $0xFFFF  }
0x50: {  	[spmem:s1] =	stream.indirect.scatter.add.f32 [tilespmem:s22], [sflag:$0x1], $0x1, s21, s19, $0xb8;
	[tilespmem:$0xF780] =	vst v63  }
0x51: {  	s25 =	simm.s32 $0x5000  }
0x52: {  	[spmem:s3] =	stream.indirect.scatter.add.f32 [tilespmem:s22], [sflag:$0x2], $0x1, s25, s19, $0xb8;
	[tilespmem:$0xF780] =	vst v63  }
0x53: {  	s26 =	simm.s32 $0xA080;
	s28 =	simm.s32 $0x80  }
0x54: {  	[spmem:s1] =	stream.indirect.scatter.add.f32 [tilespmem:s26], [sflag:$0x1], $0x1, s28, s19, $0xb8;
	[tilespmem:$0xF780] =	vst v63  }
0x55: {  	s29 =	simm.s32 $0x5080  }
0x56: {  	[spmem:s3] =	stream.indirect.scatter.add.f32 [tilespmem:s26], [sflag:$0x2], $0x1, s29, s19, $0xb8;
	[tilespmem:$0xF780] =	vst v63  }
0x57: {  	s30 =	simm.s32 $0xA100;
	s31 =	simm.s32 $0x100  }
0x58: {  	[spmem:s1] =	stream.indirect.scatter.add.f32 [tilespmem:s30], [sflag:$0x1], $0x1, s31, s19, $0xb8;
	[tilespmem:$0xF780] =	vst v63  }
0x59: {  	s23 =	simm.s32 $0x5100  }
0x5a: {  	[spmem:s3] =	stream.indirect.scatter.add.f32 [tilespmem:s30], [sflag:$0x2], $0x1, s23, s19, $0xb8;
	[tilespmem:$0xF780] =	vst v63  }
0x5b: {  	s24 =	simm.s32 $0xA180;
	s25 =	simm.s32 $0x180  }
0x5c: {  	[spmem:s1] =	stream.indirect.scatter.add.f32 [tilespmem:s24], [sflag:$0x1], $0x1, s25, s19, $0xb8;
	[tilespmem:$0xF780] =	vst v63  }
0x5d: {  	s26 =	simm.s32 $0x5180  }
0x5e: {  	[spmem:s3] =	stream.indirect.scatter.add.f32 [tilespmem:s24], [sflag:$0x2], $0x1, s26, s19, $0xb8;
	[tilespmem:$0xF780] =	vst v63  }
0x5f: {  	s28 =	simm.s32 $0xA200;
	s29 =	simm.s32 $0x200  }
0x60: {  	[spmem:s1] =	stream.indirect.scatter.add.f32 [tilespmem:s28], [sflag:$0x1], $0x1, s29, s19, $0xb8;
	[tilespmem:$0xF780] =	vst v63  }
0x61: {  	s30 =	simm.s32 $0x5200  }
0x62: {  	[spmem:s3] =	stream.indirect.scatter.add.f32 [tilespmem:s28], [sflag:$0x2], $0x1, s30, s19, $0xb8;
	[tilespmem:$0xF780] =	vst v63  }
0x63: {  	s31 =	simm.s32 $0xA280;
	s23 =	simm.s32 $0x280  }
0x64: {  	[spmem:s1] =	stream.indirect.scatter.add.f32 [tilespmem:s31], [sflag:$0x1], $0x1, s23, s19, $0xb8;
	[tilespmem:$0xF780] =	vst v63  }
0x65: {  	s24 =	simm.s32 $0x5280  }
0x66: {  	[spmem:s3] =	stream.indirect.scatter.add.f32 [tilespmem:s31], [sflag:$0x2], $0x1, s24, s19, $0xb8;
	[tilespmem:$0xF780] =	vst v63  }
0x67: {  	s25 =	simm.s32 $0xA300;
	s26 =	simm.s32 $0x300  }
0x68: {  	[spmem:s1] =	stream.indirect.scatter.add.f32 [tilespmem:s25], [sflag:$0x1], $0x1, s26, s19, $0xb8;
	[tilespmem:$0xF780] =	vst v63  }
0x69: {  	s28 =	simm.s32 $0x5300  }
0x6a: {  	[spmem:s3] =	stream.indirect.scatter.add.f32 [tilespmem:s25], [sflag:$0x2], $0x1, s28, s19, $0xb8;
	[tilespmem:$0xF780] =	vst v63  }
0x6b: {  	s29 =	simm.s32 $0xA380;
	s30 =	simm.s32 $0x380  }
0x6c: {  	[spmem:s1] =	stream.indirect.scatter.add.f32 [tilespmem:s29], [sflag:$0x1], $0x1, s30, s19, $0xb8;
	[tilespmem:$0xF780] =	vst v63  }
0x6d: {  	s31 =	simm.s32 $0x5380  }
0x6e: {  	[spmem:s3] =	stream.indirect.scatter.add.f32 [tilespmem:s29], [sflag:$0x2], $0x1, s31, s19, $0xb8;
	[tilespmem:$0xF780] =	vst v63  }
0x6f: {  	s23 =	simm.s32 $0xA400;
	s24 =	simm.s32 $0x400  }
0x70: {  	[spmem:s1] =	stream.indirect.scatter.add.f32 [tilespmem:s23], [sflag:$0x1], $0x1, s24, s19, $0xb8;
	[tilespmem:$0xF780] =	vst v63  }
0x71: {  	s25 =	simm.s32 $0x5400  }
0x72: {  	[spmem:s3] =	stream.indirect.scatter.add.f32 [tilespmem:s23], [sflag:$0x2], $0x1, s25, s19, $0xb8;
	[tilespmem:$0xF780] =	vst v63  }
0x73: {  	s26 =	simm.s32 $0xA480;
	s28 =	simm.s32 $0x480  }
0x74: {  	[spmem:s1] =	stream.indirect.scatter.add.f32 [tilespmem:s26], [sflag:$0x1], $0x1, s28, s19, $0xb8;
	[tilespmem:$0xF780] =	vst v63  }
0x75: {  	s29 =	simm.s32 $0x5480  }
0x76: {  	[spmem:s3] =	stream.indirect.scatter.add.f32 [tilespmem:s26], [sflag:$0x2], $0x1, s29, s19, $0xb8;
	[tilespmem:$0xF780] =	vst v63  }
0x77: {  	s30 =	simm.s32 $0xA500;
	s31 =	simm.s32 $0x500  }
0x78: {  	[spmem:s1] =	stream.indirect.scatter.add.f32 [tilespmem:s30], [sflag:$0x1], $0x1, s31, s19, $0xb8;
	[tilespmem:$0xF780] =	vst v63  }
0x79: {  	s23 =	simm.s32 $0x5500  }
0x7a: {  	[spmem:s3] =	stream.indirect.scatter.add.f32 [tilespmem:s30], [sflag:$0x2], $0x1, s23, s19, $0xb8;
	[tilespmem:$0xF780] =	vst v63  }
0x7b: {  	s24 =	simm.s32 $0xA580;
	s25 =	simm.s32 $0x580  }
0x7c: {  	[spmem:s1] =	stream.indirect.scatter.add.f32 [tilespmem:s24], [sflag:$0x1], $0x1, s25, s19, $0xb8;
	[tilespmem:$0xF780] =	vst v63  }
0x7d: {  	s26 =	simm.s32 $0x5580  }
0x7e: {  	[spmem:s3] =	stream.indirect.scatter.add.f32 [tilespmem:s24], [sflag:$0x2], $0x1, s26, s19, $0xb8;
	[tilespmem:$0xF780] =	vst v63  }
0x7f: {  	s28 =	simm.s32 $0xA600;
	s29 =	simm.s32 $0x600  }
0x80: {  	[spmem:s1] =	stream.indirect.scatter.add.f32 [tilespmem:s28], [sflag:$0x1], $0x1, s29, s19, $0xb8;
	[tilespmem:$0xF780] =	vst v63  }
0x81: {  	s30 =	simm.s32 $0x5600  }
0x82: {  	[spmem:s3] =	stream.indirect.scatter.add.f32 [tilespmem:s28], [sflag:$0x2], $0x1, s30, s19, $0xb8;
	[tilespmem:$0xF780] =	vst v63  }
0x83: {  	s31 =	simm.s32 $0xA680;
	s23 =	simm.s32 $0x680  }
0x84: {  	[spmem:s1] =	stream.indirect.scatter.add.f32 [tilespmem:s31], [sflag:$0x1], $0x1, s23, s19, $0xb8;
	[tilespmem:$0xF780] =	vst v63  }
0x85: {  	s24 =	simm.s32 $0x5680  }
0x86: {  	[spmem:s3] =	stream.indirect.scatter.add.f32 [tilespmem:s31], [sflag:$0x2], $0x1, s24, s19, $0xb8;
	[tilespmem:$0xF780] =	vst v63  }
0x87: {  	s25 =	simm.s32 $0xA700;
	s26 =	simm.s32 $0x700  }
0x88: {  	[spmem:s1] =	stream.indirect.scatter.add.f32 [tilespmem:s25], [sflag:$0x1], $0x1, s26, s19, $0xb8;
	[tilespmem:$0xF780] =	vst v63  }
0x89: {  	s28 =	simm.s32 $0x5700  }
0x8a: {  	[spmem:s3] =	stream.indirect.scatter.add.f32 [tilespmem:s25], [sflag:$0x2], $0x1, s28, s19, $0xb8;
	[tilespmem:$0xF780] =	vst v63  }
0x8b: {  	s29 =	simm.s32 $0xA780;
	s30 =	simm.s32 $0x780  }
0x8c: {  	[spmem:s1] =	stream.indirect.scatter.add.f32 [tilespmem:s29], [sflag:$0x1], $0x1, s30, s19, $0xb8;
	[tilespmem:$0xF780] =	vst v63  }
0x8d: {  	s31 =	simm.s32 $0x5780  }
0x8e: {  	[spmem:s3] =	stream.indirect.scatter.add.f32 [tilespmem:s29], [sflag:$0x2], $0x1, s31, s19, $0xb8;
	[tilespmem:$0xF780] =	vst v63  }
0x8f: {  	_ =	swait.ge [sflag:s17], $0x800  }
0x90: {  	[sflag:s17] =	ssyncset.done $0x0  }
0x91: {  	[sflag:s17] =	ssyncadd.s32 $0xFFFFF800  }
0x92: {  	_ =	swait.ge [sflag:s18], $0x800  }
0x93: {  	s21 =	simm.s32 $0x800;
	s24 =	simm.s32 $0x4000;
	[sflag:s18] =	ssyncset.done $0x0  }
.LBB2_2:
0x94: {  	s25 =	sadd.s32 $0xA000, s21  }
0x95: {  	[sflag:s18] =	ssyncadd.s32 $0xFFFFF800;
	s23 =	smov.u32 s24;
	s22 =	sadd.s32 $0x2000, s24  }
0x96: {  	[spmem:s1] =	stream.indirect.scatter.add.f32 [tilespmem:s25], [sflag:$0x1], $0x1, s21, s19, $0xb8;
	[tilespmem:$0xF780] =	vst v63  }
0x97: {  	p0 =	sne.s32 s24, $0x12000;
	s24 =	sadd.s32 $0x5000, s21  }
0x98: {  	[spmem:s3] =	stream.indirect.scatter.add.f32 [tilespmem:s25], [sflag:$0x2], $0x1, s24, s19, $0xb8;
	[tilespmem:$0xF780] =	vst v63  }
0x99: {  	s24 =	sadd.s32 $0xA080, s21;
	s25 =	sadd.s32 $0x80, s21  }
0x9a: {  	[spmem:s1] =	stream.indirect.scatter.add.f32 [tilespmem:s24], [sflag:$0x1], $0x1, s25, s19, $0xb8;
	[tilespmem:$0xF780] =	vst v63  }
0x9b: {  	s25 =	sadd.s32 $0x5080, s21  }
0x9c: {  	[spmem:s3] =	stream.indirect.scatter.add.f32 [tilespmem:s24], [sflag:$0x2], $0x1, s25, s19, $0xb8;
	[tilespmem:$0xF780] =	vst v63  }
0x9d: {  	s24 =	sadd.s32 $0xA100, s21;
	s25 =	sadd.s32 $0x100, s21  }
0x9e: {  	[spmem:s1] =	stream.indirect.scatter.add.f32 [tilespmem:s24], [sflag:$0x1], $0x1, s25, s19, $0xb8;
	[tilespmem:$0xF780] =	vst v63  }
0x9f: {  	s25 =	sadd.s32 $0x5100, s21  }
0xa0: {  	[spmem:s3] =	stream.indirect.scatter.add.f32 [tilespmem:s24], [sflag:$0x2], $0x1, s25, s19, $0xb8;
	[tilespmem:$0xF780] =	vst v63  }
0xa1: {  	s24 =	sadd.s32 $0xA180, s21;
	s25 =	sadd.s32 $0x180, s21  }
0xa2: {  	[spmem:s1] =	stream.indirect.scatter.add.f32 [tilespmem:s24], [sflag:$0x1], $0x1, s25, s19, $0xb8;
	[tilespmem:$0xF780] =	vst v63  }
0xa3: {  	s25 =	sadd.s32 $0x5180, s21  }
0xa4: {  	[spmem:s3] =	stream.indirect.scatter.add.f32 [tilespmem:s24], [sflag:$0x2], $0x1, s25, s19, $0xb8;
	[tilespmem:$0xF780] =	vst v63  }
0xa5: {  	s24 =	sadd.s32 $0xA200, s21;
	s25 =	sadd.s32 $0x200, s21  }
0xa6: {  	[spmem:s1] =	stream.indirect.scatter.add.f32 [tilespmem:s24], [sflag:$0x1], $0x1, s25, s19, $0xb8;
	[tilespmem:$0xF780] =	vst v63  }
0xa7: {  	s25 =	sadd.s32 $0x5200, s21  }
0xa8: {  	[spmem:s3] =	stream.indirect.scatter.add.f32 [tilespmem:s24], [sflag:$0x2], $0x1, s25, s19, $0xb8;
	[tilespmem:$0xF780] =	vst v63  }
0xa9: {  	s24 =	sadd.s32 $0xA280, s21;
	s25 =	sadd.s32 $0x280, s21  }
0xaa: {  	[spmem:s1] =	stream.indirect.scatter.add.f32 [tilespmem:s24], [sflag:$0x1], $0x1, s25, s19, $0xb8;
	[tilespmem:$0xF780] =	vst v63  }
0xab: {  	s25 =	sadd.s32 $0x5280, s21  }
0xac: {  	[spmem:s3] =	stream.indirect.scatter.add.f32 [tilespmem:s24], [sflag:$0x2], $0x1, s25, s19, $0xb8;
	[tilespmem:$0xF780] =	vst v63  }
0xad: {  	s24 =	sadd.s32 $0xA300, s21;
	s25 =	sadd.s32 $0x300, s21  }
0xae: {  	[spmem:s1] =	stream.indirect.scatter.add.f32 [tilespmem:s24], [sflag:$0x1], $0x1, s25, s19, $0xb8;
	[tilespmem:$0xF780] =	vst v63  }
0xaf: {  	s25 =	sadd.s32 $0x5300, s21  }
0xb0: {  	[spmem:s3] =	stream.indirect.scatter.add.f32 [tilespmem:s24], [sflag:$0x2], $0x1, s25, s19, $0xb8;
	[tilespmem:$0xF780] =	vst v63  }
0xb1: {  	s24 =	sadd.s32 $0xA380, s21;
	s25 =	sadd.s32 $0x380, s21  }
0xb2: {  	[spmem:s1] =	stream.indirect.scatter.add.f32 [tilespmem:s24], [sflag:$0x1], $0x1, s25, s19, $0xb8;
	[tilespmem:$0xF780] =	vst v63  }
0xb3: {  	s25 =	sadd.s32 $0x5380, s21  }
0xb4: {  	[spmem:s3] =	stream.indirect.scatter.add.f32 [tilespmem:s24], [sflag:$0x2], $0x1, s25, s19, $0xb8;
	[tilespmem:$0xF780] =	vst v63  }
0xb5: {  	s24 =	sadd.s32 $0xA400, s21;
	s25 =	sadd.s32 $0x400, s21  }
0xb6: {  	[spmem:s1] =	stream.indirect.scatter.add.f32 [tilespmem:s24], [sflag:$0x1], $0x1, s25, s19, $0xb8;
	[tilespmem:$0xF780] =	vst v63  }
0xb7: {  	s25 =	sadd.s32 $0x5400, s21  }
0xb8: {  	[spmem:s3] =	stream.indirect.scatter.add.f32 [tilespmem:s24], [sflag:$0x2], $0x1, s25, s19, $0xb8;
	[tilespmem:$0xF780] =	vst v63  }
0xb9: {  	s24 =	sadd.s32 $0xA480, s21;
	s25 =	sadd.s32 $0x480, s21  }
0xba: {  	[spmem:s1] =	stream.indirect.scatter.add.f32 [tilespmem:s24], [sflag:$0x1], $0x1, s25, s19, $0xb8;
	[tilespmem:$0xF780] =	vst v63  }
0xbb: {  	s25 =	sadd.s32 $0x5480, s21  }
0xbc: {  	[spmem:s3] =	stream.indirect.scatter.add.f32 [tilespmem:s24], [sflag:$0x2], $0x1, s25, s19, $0xb8;
	[tilespmem:$0xF780] =	vst v63  }
0xbd: {  	s24 =	sadd.s32 $0xA500, s21;
	s25 =	sadd.s32 $0x500, s21  }
0xbe: {  	[spmem:s1] =	stream.indirect.scatter.add.f32 [tilespmem:s24], [sflag:$0x1], $0x1, s25, s19, $0xb8;
	[tilespmem:$0xF780] =	vst v63  }
0xbf: {  	s25 =	sadd.s32 $0x5500, s21  }
0xc0: {  	[spmem:s3] =	stream.indirect.scatter.add.f32 [tilespmem:s24], [sflag:$0x2], $0x1, s25, s19, $0xb8;
	[tilespmem:$0xF780] =	vst v63  }
0xc1: {  	s24 =	sadd.s32 $0xA580, s21;
	s25 =	sadd.s32 $0x580, s21  }
0xc2: {  	[spmem:s1] =	stream.indirect.scatter.add.f32 [tilespmem:s24], [sflag:$0x1], $0x1, s25, s19, $0xb8;
	[tilespmem:$0xF780] =	vst v63  }
0xc3: {  	s25 =	sadd.s32 $0x5580, s21  }
0xc4: {  	[spmem:s3] =	stream.indirect.scatter.add.f32 [tilespmem:s24], [sflag:$0x2], $0x1, s25, s19, $0xb8;
	[tilespmem:$0xF780] =	vst v63  }
0xc5: {  	s24 =	sadd.s32 $0xA600, s21;
	s25 =	sadd.s32 $0x600, s21  }
0xc6: {  	[spmem:s1] =	stream.indirect.scatter.add.f32 [tilespmem:s24], [sflag:$0x1], $0x1, s25, s19, $0xb8;
	[tilespmem:$0xF780] =	vst v63  }
0xc7: {  	s25 =	sadd.s32 $0x5600, s21  }
0xc8: {  	[spmem:s3] =	stream.indirect.scatter.add.f32 [tilespmem:s24], [sflag:$0x2], $0x1, s25, s19, $0xb8;
	[tilespmem:$0xF780] =	vst v63  }
0xc9: {  	s24 =	sadd.s32 $0xA680, s21;
	s25 =	sadd.s32 $0x680, s21  }
0xca: {  	[spmem:s1] =	stream.indirect.scatter.add.f32 [tilespmem:s24], [sflag:$0x1], $0x1, s25, s19, $0xb8;
	[tilespmem:$0xF780] =	vst v63  }
0xcb: {  	s25 =	sadd.s32 $0x5680, s21  }
0xcc: {  	[spmem:s3] =	stream.indirect.scatter.add.f32 [tilespmem:s24], [sflag:$0x2], $0x1, s25, s19, $0xb8;
	[tilespmem:$0xF780] =	vst v63  }
0xcd: {  	s24 =	sadd.s32 $0xA700, s21;
	s25 =	sadd.s32 $0x700, s21  }
0xce: {  	[spmem:s1] =	stream.indirect.scatter.add.f32 [tilespmem:s24], [sflag:$0x1], $0x1, s25, s19, $0xb8;
	[tilespmem:$0xF780] =	vst v63  }
0xcf: {  	s25 =	sadd.s32 $0x5700, s21  }
0xd0: {  	[spmem:s3] =	stream.indirect.scatter.add.f32 [tilespmem:s24], [sflag:$0x2], $0x1, s25, s19, $0xb8;
	[tilespmem:$0xF780] =	vst v63  }
0xd1: {  	s24 =	sadd.s32 $0xA780, s21;
	s25 =	sadd.s32 $0x780, s21  }
0xd2: {  	[spmem:s1] =	stream.indirect.scatter.add.f32 [tilespmem:s24], [sflag:$0x1], $0x1, s25, s19, $0xb8;
	[tilespmem:$0xF780] =	vst v63  }
0xd3: {  	s21 =	sadd.s32 $0x5780, s21  }
0xd4: {  	[spmem:s3] =	stream.indirect.scatter.add.f32 [tilespmem:s24], [sflag:$0x2], $0x1, s21, s19, $0xb8;
	[tilespmem:$0xF780] =	vst v63  }
.Ltmp0:
0xd5: {  	_ =	swait.ge [sflag:s17], $0x800;
	(pc) =	sbr.rel @p0 .LBB2_2-.Ltmp0, $4  }
0xd6: {  	[sflag:s17] =	ssyncset.done $0x0  }
0xd7: {  	[sflag:s17] =	ssyncadd.s32 $0xFFFFF800  }
0xd8: {  	_ =	swait.ge [sflag:s18], $0x800  }
0xd9: {  	s21 =	sshra.s32 s23, $0x2;
	s24 =	smov.u32 s22;
	[sflag:s18] =	ssyncset.done $0x0  }
0xda: {  	s22 =	sadd.s32 $0xA000, s21;
	[sflag:s18] =	ssyncadd.s32 $0xFFFFF800  }
0xdb: {  	[spmem:s1] =	stream.indirect.scatter.add.f32 [tilespmem:s22], [sflag:$0x1], $0x1, s21, s19, $0xb8;
	[tilespmem:$0xF780] =	vst v63  }
0xdc: {  	s23 =	sadd.s32 $0x5000, s21  }
0xdd: {  	[spmem:s3] =	stream.indirect.scatter.add.f32 [tilespmem:s22], [sflag:$0x2], $0x1, s23, s19, $0xb8;
	[tilespmem:$0xF780] =	vst v63  }
0xde: {  	s29 =	sadd.s32 $0xA080, s21;
	s30 =	sadd.s32 $0x80, s21  }
0xdf: {  	[spmem:s1] =	stream.indirect.scatter.add.f32 [tilespmem:s29], [sflag:$0x1], $0x1, s30, s19, $0xb8;
	[tilespmem:$0xF780] =	vst v63  }
0xe0: {  	s31 =	sadd.s32 $0x5080, s21  }
0xe1: {  	[spmem:s3] =	stream.indirect.scatter.add.f32 [tilespmem:s29], [sflag:$0x2], $0x1, s31, s19, $0xb8;
	[tilespmem:$0xF780] =	vst v63  }
0xe2: {  	s24 =	sadd.s32 $0xA100, s21;
	s25 =	sadd.s32 $0x100, s21  }
0xe3: {  	[spmem:s1] =	stream.indirect.scatter.add.f32 [tilespmem:s24], [sflag:$0x1], $0x1, s25, s19, $0xb8;
	[tilespmem:$0xF780] =	vst v63  }
0xe4: {  	s26 =	sadd.s32 $0x5100, s21  }
0xe5: {  	[spmem:s3] =	stream.indirect.scatter.add.f32 [tilespmem:s24], [sflag:$0x2], $0x1, s26, s19, $0xb8;
	[tilespmem:$0xF780] =	vst v63  }
0xe6: {  	s28 =	sadd.s32 $0xA180, s21;
	s29 =	sadd.s32 $0x180, s21  }
0xe7: {  	[spmem:s1] =	stream.indirect.scatter.add.f32 [tilespmem:s28], [sflag:$0x1], $0x1, s29, s19, $0xb8;
	[tilespmem:$0xF780] =	vst v63  }
0xe8: {  	s30 =	sadd.s32 $0x5180, s21  }
0xe9: {  	[spmem:s3] =	stream.indirect.scatter.add.f32 [tilespmem:s28], [sflag:$0x2], $0x1, s30, s19, $0xb8;
	[tilespmem:$0xF780] =	vst v63  }
0xea: {  	s31 =	sadd.s32 $0xA200, s21;
	s24 =	sadd.s32 $0x200, s21  }
0xeb: {  	[spmem:s1] =	stream.indirect.scatter.add.f32 [tilespmem:s31], [sflag:$0x1], $0x1, s24, s19, $0xb8;
	[tilespmem:$0xF780] =	vst v63  }
0xec: {  	s25 =	sadd.s32 $0x5200, s21  }
0xed: {  	[spmem:s3] =	stream.indirect.scatter.add.f32 [tilespmem:s31], [sflag:$0x2], $0x1, s25, s19, $0xb8;
	[tilespmem:$0xF780] =	vst v63  }
0xee: {  	s26 =	sadd.s32 $0xA280, s21;
	s28 =	sadd.s32 $0x280, s21  }
0xef: {  	[spmem:s1] =	stream.indirect.scatter.add.f32 [tilespmem:s26], [sflag:$0x1], $0x1, s28, s19, $0xb8;
	[tilespmem:$0xF780] =	vst v63  }
0xf0: {  	s29 =	sadd.s32 $0x5280, s21  }
0xf1: {  	[spmem:s3] =	stream.indirect.scatter.add.f32 [tilespmem:s26], [sflag:$0x2], $0x1, s29, s19, $0xb8;
	[tilespmem:$0xF780] =	vst v63  }
0xf2: {  	s30 =	sadd.s32 $0xA300, s21;
	s31 =	sadd.s32 $0x300, s21  }
0xf3: {  	[spmem:s1] =	stream.indirect.scatter.add.f32 [tilespmem:s30], [sflag:$0x1], $0x1, s31, s19, $0xb8;
	[tilespmem:$0xF780] =	vst v63  }
0xf4: {  	s24 =	sadd.s32 $0x5300, s21  }
0xf5: {  	[spmem:s3] =	stream.indirect.scatter.add.f32 [tilespmem:s30], [sflag:$0x2], $0x1, s24, s19, $0xb8;
	[tilespmem:$0xF780] =	vst v63  }
0xf6: {  	s25 =	sadd.s32 $0xA380, s21;
	s26 =	sadd.s32 $0x380, s21  }
0xf7: {  	[spmem:s1] =	stream.indirect.scatter.add.f32 [tilespmem:s25], [sflag:$0x1], $0x1, s26, s19, $0xb8;
	[tilespmem:$0xF780] =	vst v63  }
0xf8: {  	s28 =	sadd.s32 $0x5380, s21  }
0xf9: {  	[spmem:s3] =	stream.indirect.scatter.add.f32 [tilespmem:s25], [sflag:$0x2], $0x1, s28, s19, $0xb8;
	[tilespmem:$0xF780] =	vst v63  }
0xfa: {  	s29 =	sadd.s32 $0xA400, s21;
	s30 =	sadd.s32 $0x400, s21  }
0xfb: {  	[spmem:s1] =	stream.indirect.scatter.add.f32 [tilespmem:s29], [sflag:$0x1], $0x1, s30, s19, $0xb8;
	[tilespmem:$0xF780] =	vst v63  }
0xfc: {  	s31 =	sadd.s32 $0x5400, s21  }
0xfd: {  	[spmem:s3] =	stream.indirect.scatter.add.f32 [tilespmem:s29], [sflag:$0x2], $0x1, s31, s19, $0xb8;
	[tilespmem:$0xF780] =	vst v63  }
0xfe: {  	s24 =	sadd.s32 $0xA480, s21;
	s25 =	sadd.s32 $0x480, s21  }
0xff: {  	[spmem:s1] =	stream.indirect.scatter.add.f32 [tilespmem:s24], [sflag:$0x1], $0x1, s25, s19, $0xb8;
	[tilespmem:$0xF780] =	vst v63  }
0x100: {  	s26 =	sadd.s32 $0x5480, s21  }
0x101: {  	[spmem:s3] =	stream.indirect.scatter.add.f32 [tilespmem:s24], [sflag:$0x2], $0x1, s26, s19, $0xb8;
	[tilespmem:$0xF780] =	vst v63  }
0x102: {  	s28 =	sadd.s32 $0xA500, s21;
	s29 =	sadd.s32 $0x500, s21  }
0x103: {  	[spmem:s1] =	stream.indirect.scatter.add.f32 [tilespmem:s28], [sflag:$0x1], $0x1, s29, s19, $0xb8;
	[tilespmem:$0xF780] =	vst v63  }
0x104: {  	s30 =	sadd.s32 $0x5500, s21  }
0x105: {  	[spmem:s3] =	stream.indirect.scatter.add.f32 [tilespmem:s28], [sflag:$0x2], $0x1, s30, s19, $0xb8;
	[tilespmem:$0xF780] =	vst v63  }
0x106: {  	s31 =	sadd.s32 $0xA580, s21;
	s24 =	sadd.s32 $0x580, s21  }
0x107: {  	[spmem:s1] =	stream.indirect.scatter.add.f32 [tilespmem:s31], [sflag:$0x1], $0x1, s24, s19, $0xb8;
	[tilespmem:$0xF780] =	vst v63  }
0x108: {  	s25 =	sadd.s32 $0x5580, s21  }
0x109: {  	[spmem:s3] =	stream.indirect.scatter.add.f32 [tilespmem:s31], [sflag:$0x2], $0x1, s25, s19, $0xb8;
	[tilespmem:$0xF780] =	vst v63  }
0x10a: {  	s26 =	sadd.s32 $0xA600, s21;
	s28 =	sadd.s32 $0x600, s21  }
0x10b: {  	[spmem:s1] =	stream.indirect.scatter.add.f32 [tilespmem:s26], [sflag:$0x1], $0x1, s28, s19, $0xb8;
	[tilespmem:$0xF780] =	vst v63  }
0x10c: {  	s29 =	sadd.s32 $0x5600, s21  }
0x10d: {  	[spmem:s3] =	stream.indirect.scatter.add.f32 [tilespmem:s26], [sflag:$0x2], $0x1, s29, s19, $0xb8;
	[tilespmem:$0xF780] =	vst v63  }
0x10e: {  	s30 =	sadd.s32 $0xA680, s21;
	s31 =	sadd.s32 $0x680, s21  }
0x10f: {  	[spmem:s1] =	stream.indirect.scatter.add.f32 [tilespmem:s30], [sflag:$0x1], $0x1, s31, s19, $0xb8;
	[tilespmem:$0xF780] =	vst v63  }
0x110: {  	s24 =	sadd.s32 $0x5680, s21  }
0x111: {  	[spmem:s3] =	stream.indirect.scatter.add.f32 [tilespmem:s30], [sflag:$0x2], $0x1, s24, s19, $0xb8;
	[tilespmem:$0xF780] =	vst v63  }
0x112: {  	s25 =	sadd.s32 $0xA700, s21;
	s26 =	sadd.s32 $0x700, s21  }
0x113: {  	[spmem:s1] =	stream.indirect.scatter.add.f32 [tilespmem:s25], [sflag:$0x1], $0x1, s26, s19, $0xb8;
	[tilespmem:$0xF780] =	vst v63  }
0x114: {  	s28 =	sadd.s32 $0x5700, s21  }
0x115: {  	[spmem:s3] =	stream.indirect.scatter.add.f32 [tilespmem:s25], [sflag:$0x2], $0x1, s28, s19, $0xb8;
	[tilespmem:$0xF780] =	vst v63  }
0x116: {  	s29 =	sadd.s32 $0xA780, s21;
	s30 =	sadd.s32 $0x780, s21  }
0x117: {  	[spmem:s1] =	stream.indirect.scatter.add.f32 [tilespmem:s29], [sflag:$0x1], $0x1, s30, s19, $0xb8;
	[tilespmem:$0xF780] =	vst v63  }
0x118: {  	s31 =	sadd.s32 $0x5780, s21  }
0x119: {  	[spmem:s3] =	stream.indirect.scatter.add.f32 [tilespmem:s29], [sflag:$0x2], $0x1, s31, s19, $0xb8;
	[tilespmem:$0xF780] =	vst v63  }
0x11a: {  	_ =	swait.ge [sflag:s17], $0x800  }
0x11b: {  	[sflag:s17] =	ssyncset.done $0x0  }
0x11c: {  	[sflag:s17] =	ssyncadd.s32 $0xFFFFF800  }
0x11d: {  	_ =	swait.ge [sflag:s18], $0x800  }
0x11e: {  	[sflag:s18] =	ssyncset.done $0x0  }
0x11f: {  	[sflag:s18] =	ssyncadd.s32 $0xFFFFF800  }
0x120: {  	[bflag:$0x0] =	sbarrier.arrive $0xFFFF  }
0x121: {  	[tilespmem:s13], [sflag:$0x3] =	stream.linear.gather [spmem:s5], $0x280, $0x38;
	[tilespmem:$0xF780] =	vst v63  }
0x122: {  	_ =	swait.ge [sflag:s14], $0x280  }
0x123: {  	[sflag:s14] =	ssyncset.done $0x0  }
0x124: {  	[sflag:s14] =	ssyncadd.s32 $0xFFFFFD80  }
0x125: {  	[hbm4b:s10+s4] =	stream.linear.scatter [tilespmem:s13], [sflag:$0x3], $0x280, $0x38;
	[tilespmem:$0xF780] =	vst v63  }
0x126: {  	_ =	swait.ge [sflag:s14], $0x280  }
0x127: {  	[sflag:s14] =	ssyncset.done $0x0  }
0x128: {  	[sflag:s14] =	ssyncadd.s32 $0xFFFFFD80  }
0x129: {  	[tilespmem:s13], [sflag:$0x3] =	stream.linear.gather [spmem:s6], $0x280, $0x38;
	[tilespmem:$0xF780] =	vst v63  }
0x12a: {  	s20 =	sadd.s32 $0x1, s20;
	_ =	swait.ge [sflag:s14], $0x280  }
0x12b: {  	p0 =	sne.s32 s20, s12;
	[sflag:s14] =	ssyncset.done $0x0  }
.Ltmp1:
0x12c: {  	[sflag:s14] =	ssyncadd.s32 $0xFFFFFD80;
	(pc) =	sbr.rel @p0 .LBB2_1-.Ltmp1, $4  }
0x12d: {  	[hbm4b:s11+s4] =	stream.linear.scatter [tilespmem:s13], [sflag:$0x3], $0x280, $0x38;
	[tilespmem:$0xF780] =	vst v63  }
0x12e: {  	_ =	swait.ge [sflag:s14], $0x280  }
0x12f: {  	[sflag:s14] =	ssyncset.done $0x0  }
0x130: {  	[sflag:s14] =	ssyncadd.s32 $0xFFFFFD80  }
0x131: {  	_ =	sfence.sel $0x180000  }
0x132: {  	[bflag:$0x0] =	sbarrier.arrive $0xFFFF  }
0x133: {  	p0 =	sne.s32 s0, $0x0;
	_ =	strace $0x90000047  }
0x134: {  	s0 =	sadd.s32 @!p0 $0x100000, s2;
	[bflag:$0x2] =	sbarrier.arrive $0xFFFF  }
0x135: {  	[sflag:s0] =	ssyncadd.tile.s32 @!p0 $0x1;
	_ =	shalt  }
.Lfunc_end2:
_tile_overlayer_lowered:
.L_overlay_start_2:
0x136: {  	(tag) =	ssettag $0x2  }
0x137: {  	s0 =	rddreg [dreg:$0x0];
	s2 =	stileid.u32  }
0x138: {  	s1 =	rddreg [dreg:$0x1];
	p0 =	sne.s32 s2, $0x0  }
0x139: {  	s3 =	rddreg [dreg:$0x2];
	[bflag:$0x3] =	sbarrier.arrive $0xFFFF;
	s2 =	simm.s32 @!p0 $0x1C03  }
0x13a: {  	[timem:s3], [sflag:s2] =	dma.local @!p0 [hbm:s0], s1  }
0x13b: {  	s0 =	simm.s32 @!p0 $0x3  }
0x13c: {  	_ =	swait.ge @!p0 [sflag:s0], s1  }
0x13d: {  	s1 =	ssub.s32 @!p0 $0x0, s1;
	[sflag:s0] =	ssyncset.done @!p0 $0x0  }
0x13e: {  	[sflag:s0] =	ssyncadd.s32 @!p0 s1  }
0x13f: {  	[bflag:$0x3] =	sbarrier.arrive $0xFFFF  }
0x140: {  	_ =	shalt  }

// kernel: kernel.9.cloned.1.call-start
scs
__scs_entry_jumppad:
0x0: {  	(pc) =	sbr.rel $0x88, $3  }
0x1: {  	(tag) =	ssettag $0x0;
	lr =	simm.s32 $0x1  }
0x2: {  	[smem:$0x3F9A] =	sst lr;
	_ =	strace $0xD0000000  }
0x3: {  	_ = 	snop  }
0x4: {  	_ = 	snop  }
0x5: {  	_ = 	snop  }
0x6: {  	_ = 	snop  }
0x7: {  	_ = 	snop  }
__scs_overlays_trampoline_lowered:
0x8: {  	[smem:$0x3FA9] =	sst s0  }
0x9: {  	[smem:$0x3FAA] =	sst s1  }
0xa: {  	[smem:$0x3FAB] =	sst s2  }
0xb: {  	[smem:$0x3FAC] =	sst s3  }
0xc: {  	[smem:$0x3FAD] =	sst s4  }
0xd: {  	[smem:$0x3FAE] =	sst s5  }
0xe: {  	[smem:$0x3FAF] =	sst s6  }
0xf: {  	[smem:$0x3FB0] =	sst s7  }
0x10: {  	[smem:$0x3FB1] =	sst s8  }
0x11: {  	[smem:$0x3FB2] =	sst s9;
	s0 =	simm.s32 @!p0 $0x0  }
0x12: {  	s1 =	sld [smem:$0x3F98];
	s0 =	simm.s32 @p0 $0x1  }
0x13: {  	[smem:$0x3FB3] =	sst s0;
	s0 =	simm.s32 @!p1 $0x0  }
0x14: {  	s2 =	sld [smem:$0x3F97];
	s0 =	simm.s32 @p1 $0x1  }
0x15: {  	[smem:$0x3FB4] =	sst s0;
	s0 =	simm.s32 @!p2 $0x0  }
0x16: {  	s3 =	sld [smem:$0x3FDB];
	s0 =	simm.s32 @p2 $0x1  }
0x17: {  	s4 =	simm.s32 $0x1BF5;
	[smem:$0x3FB6] =	sst s0  }
0x18: {  	s0 =	sld [smem:$0x3F99];
	_ =	swait.ge [sflag:s4], $0x0  }
0x19: {  	s7 =	sld [smem:$0x3F9A]  }
0x1a: {  	s8 =	sadd.s32 $0xFFFFE003, lr  }
0x1b: {  	s9 =	sadd.s32 $0xFFFFFEF7, lr;
	s5 =	simm.s32 $0xFFFFFFFF;
	p2 =	slt.u32 s8, $0xFFFFF086  }
0x1c: {  	p1 =	slt.u32 s9, $0xF7A;
	s5 =	simm.s32 @!p2 $0x0  }
0x1d: {  	s5 =	simm.s32 @p1 $0x1;
	p0 =	seq.s32 s7, s2  }
0x1e: {  	s7 =	smul.u32 @!p0 $0xF7A, s2;
	p2 =	seq.s32 @!p0 s5, $0x0  }
0x1f: {  	s9 =	smul.u32 $0xF7A, s1;
	s8 =	simm.s32 @!p0 $0x1BF5;
	p2 =	por !p2, p0  }
0x20: {  	[sflag:s8] =	ssyncset.s32 @!p0 $0xFFFFF086;
	s6 =	sadd.s32 @!p0 s3, s7;
	s7 =	simm.s32 @!p0 $0x108  }
0x21: {  	s3 =	sadd.s32 s3, s9;
	s6 =	sadd.s32 @!p0 $0x88, s6;
	s7 =	simm.s32 @p2 $0x1082  }
0x22: {  	[simem:s7], [sflag:s8] =	dma.local @!p0 [hbm:s6], $0xF7A  }
0x23: {  	s9 =	sor.u32 $0xD0000000, s2;
	s6 =	simm.s32 $0x108;
	_ =	swait.ge @!p0 [sflag:s8], $0x0  }
0x24: {  	s3 =	sadd.s32 $0x88, s3;
	s6 =	simm.s32 @!p1 $0x1082;
	[sflag:s4] =	ssyncset.s32 $0xFFFFF086  }
0x25: {  	[simem:s6], [sflag:s4] =	dma.local [hbm:s3], $0xF7A  }
0x26: {  	[smem:$0x3F9A] =	sst s1;
	(tag) =	ssettag s2;
	_ =	strace s9  }
0x27: {  	s1 =	sld [smem:$0x3FAA]  }
0x28: {  	s2 =	sld [smem:$0x3FAB]  }
0x29: {  	s4 =	sld [smem:$0x3FAD]  }
0x2a: {  	p0 =	seq.s32 s5, $0x0;
	s5 =	sld [smem:$0x3FAE]  }
0x2b: {  	s6 =	sld [smem:$0x3FAF]  }
0x2c: {  	s7 =	sld [smem:$0x3FB0]  }
0x2d: {  	s3 =	simm.s32 $0x108;
	s8 =	sld [smem:$0x3FB1]  }
0x2e: {  	s3 =	simm.s32 @!p0 $0x1082;
	s9 =	sld [smem:$0x3FB2]  }
0x2f: {  	lr =	sadd.s32 s0, s3;
	s0 =	sld [smem:$0x3FA9]  }
0x30: {  	s3 =	sld [smem:$0x3FAC]  }
0x31: {  	[smem:$0x3FB5] =	sst s10  }
0x32: {  	s10 =	sld [smem:$0x3FB3];
	_ =	sdelay $0x3  }
0x33: {  	p0 =	seq.s32 s10, $0x1;
	s10 =	sld [smem:$0x3FB5];
	_ =	sdelay $0x3  }
0x34: {  	[smem:$0x3FB5] =	sst s10  }
0x35: {  	s10 =	sld [smem:$0x3FB4];
	_ =	sdelay $0x3  }
0x36: {  	p1 =	seq.s32 s10, $0x1;
	s10 =	sld [smem:$0x3FB5];
	_ =	sdelay $0x3  }
0x37: {  	[smem:$0x3FB5] =	sst s10  }
0x38: {  	s10 =	sld [smem:$0x3FB6]  }
0x39: {  	_ = 	snop;
	(pc) =	sbr.ind lr, $3  }
0x3a: {  	_ = 	snop  }
0x3b: {  	_ = 	snop  }
0x3c: {  	p2 =	seq.s32 s10, $0x1;
	s10 =	sld [smem:$0x3FB5]  }
0x3d: {  	_ =	shalt  }
0x3e: {  	_ =	shalt  }
0x3f: {  	_ =	shalt  }
0x40: {  	_ =	shalt  }
0x41: {  	_ =	shalt  }
0x42: {  	_ =	shalt  }
0x43: {  	_ =	shalt  }
0x44: {  	_ =	shalt  }
0x45: {  	_ =	shalt  }
0x46: {  	_ =	shalt  }
0x47: {  	_ =	shalt  }
0x48: {  	_ =	shalt  }
0x49: {  	_ =	shalt  }
0x4a: {  	_ =	shalt  }
0x4b: {  	_ =	shalt  }
0x4c: {  	_ =	shalt  }
0x4d: {  	_ =	shalt  }
0x4e: {  	_ =	shalt  }
0x4f: {  	_ =	shalt  }
0x50: {  	_ =	shalt  }
0x51: {  	_ =	shalt  }
0x52: {  	_ =	shalt  }
0x53: {  	_ =	shalt  }
0x54: {  	_ =	shalt  }
0x55: {  	_ =	shalt  }
0x56: {  	_ =	shalt  }
0x57: {  	_ =	shalt  }
0x58: {  	_ =	shalt  }
0x59: {  	_ =	shalt  }
0x5a: {  	_ =	shalt  }
0x5b: {  	_ =	shalt  }
0x5c: {  	_ =	shalt  }
0x5d: {  	_ =	shalt  }
0x5e: {  	_ =	shalt  }
0x5f: {  	_ =	shalt  }
0x60: {  	_ =	shalt  }
0x61: {  	_ =	shalt  }
0x62: {  	_ =	shalt  }
0x63: {  	_ =	shalt  }
0x64: {  	_ =	shalt  }
0x65: {  	_ =	shalt  }
0x66: {  	_ =	shalt  }
0x67: {  	_ =	shalt  }
0x68: {  	_ =	shalt  }
0x69: {  	_ =	shalt  }
0x6a: {  	_ =	shalt  }
0x6b: {  	_ =	shalt  }
0x6c: {  	_ =	shalt  }
0x6d: {  	_ =	shalt  }
0x6e: {  	_ =	shalt  }
0x6f: {  	_ =	shalt  }
0x70: {  	_ =	shalt  }
0x71: {  	_ =	shalt  }
0x72: {  	_ =	shalt  }
0x73: {  	_ =	shalt  }
0x74: {  	_ =	shalt  }
0x75: {  	_ =	shalt  }
0x76: {  	_ =	shalt  }
0x77: {  	_ =	shalt  }
0x78: {  	_ =	shalt  }
0x79: {  	_ =	shalt  }
0x7a: {  	_ =	shalt  }
0x7b: {  	_ =	shalt  }
0x7c: {  	_ =	shalt  }
0x7d: {  	_ =	shalt  }
0x7e: {  	_ =	shalt  }
0x7f: {  	_ =	shalt  }
0x80: {  	_ =	shalt  }
0x81: {  	_ =	shalt  }
0x82: {  	_ =	shalt  }
0x83: {  	_ =	shalt  }
0x84: {  	_ =	shalt  }
0x85: {  	_ =	shalt  }
0x86: {  	_ =	shalt  }
0x87: {  	_ =	shalt  }
.Lfunc_end0:
.L_simem_size_0:
called_computation.1_lowered:
.L_overlay_start_0:
0x88: {  	s2 =	sld [smem:$0x3FD9]  }
0x89: {  	s3 =	sld [smem:$0x3FFE];
	_ =	sdelay $0x1  }
0x8a: {  	s1 =	srdreg.scid  }
0x8b: {  	s0 =	sand.u32 $0x1, s1  }
0x8c: {  	s14 =	sshll.u32 s0, $0xA;
	s2 =	sadd.s32 s3, s2  }
0x8d: {  	s2 =	sadd.s32 s2, s14  }
0x8e: {  	[smem:$0x3FC1] =	sst s2  }
0x8f: {  	_ = 	snop  }
0x90: {  	s2 =	sld [smem:$0x3FD0];
	_ =	sdelay $0x2  }
0x91: {  	s15 =	simm.s32 $0xA;
	s4 =	simm.s32 $0x10  }
0x92: {  	[smem:s4], [sflag:s15] =	dma.local [hbm:s2], $0x1  }
0x93: {  	_ =	swait.eq [sflag:s15], $0x1  }
0x94: {  	s16 =	sld [smem:$0x10];
	[sflag:s15] =	ssyncset.done $0x0  }
0x95: {  	s17 =	sld [smem:$0x13];
	[sflag:s15] =	ssyncadd.s32 $0xFFFFFFFF  }
0x96: {  	s18 =	sld [smem:$0x15];
	(tm) =	ssettm $0x1  }
0x97: {  	s5 =	sld [smem:$0x3FFB];
	_ =	sdelay $0x3  }
0x98: {  	_ =	strace s5  }
0x99: {  	s5 =	sld [smem:$0x3FFC];
	_ =	sdelay $0x3  }
0x9a: {  	_ =	strace s5  }
0x9b: {  	s5 =	sld [smem:$0x3FFD];
	_ =	sdelay $0x3  }
0x9c: {  	_ =	strace s5  }
0x9d: {  	_ =	strace $0x8FFFFFFF  }
0x9e: {  	s19 =	sld [smem:$0x3FDB];
	_ =	sdelay $0x1  }
0x9f: {  	s6 =	simm.s32 $_scs_section_size  }
0xa0: {  	s7 =	simm.s32 $_size__tile_overlayer_lowered;
	s8 =	simm.s32 $_tile_overlayer_lowered  }
0xa1: {  	s22 =	simm.s32 $0x1BFF;
	s21 =	sshll.u32 s8, $0x1;
	s5 =	sadd.s32 s6, s19  }
0xa2: {  	s9 =	simm.s32 $0x0;
	s20 =	sshll.u32 s7, $0x1;
	s7 =	sadd.s32 s21, s5  }
0xa3: {  	[timem:s9], [sflag:s22] =	dma.local [hbm:s7], s20  }
0xa4: {  	_ =	swait.ge [sflag:s22], s20  }
0xa5: {  	s6 =	ssub.s32 $0x0, s20;
	[sflag:s22] =	ssyncset.done $0x0  }
0xa6: {  	[sflag:s22] =	ssyncadd.s32 s6;
	_ =	sdelay $0x1  }
0xa7: {  	s23 =	simm.s32 $0x1B8B  }
0xa8: {  	_ =	swait.ge [sflag:s23], $0x1  }
0xa9: {  	[sflag:s23] =	ssyncset.done $0x0  }
0xaa: {  	s25 =	simm.s32 $0x1B8E;
	s24 =	sld [smem:$0x3FFE];
	[sflag:s23] =	ssyncadd.s32 $0xFFFFFFFF  }
0xab: {  	s26 =	simm.s32 $execute0_lowered;
	[smem:$0x3FD2] =	sst s25  }
0xac: {  	s7 =	sshll.u32 s26, $0x1;
	_ =	strace $0x80000049;
	[dreg:$0x1] =	wrdreg $0xFFFFFFFF  }
0xad: {  	s28 =	simm.s32 $_size_execute0_lowered;
	s5 =	sadd.s32 s5, s7;
	[dreg:$0x0] =	wrdreg $0x0  }
0xae: {  	s7 =	sshll.u32 s28, $0x1;
	[dreg:$0x2] =	wrdreg s5  }
0xaf: {  	[dreg:$0x3] =	wrdreg s7  }
0xb0: {  	[dreg:$0x4] =	wrdreg $0xC0  }
0xb1: {  	_ =	task [dreg:s9], $0x5FFFF  }
0xb2: {  	[dreg:$0x1] =	wrdreg $0xFFFFFFFF  }
0xb3: {  	[dreg:$0x0] =	wrdreg $0x60  }
0xb4: {  	[dreg:$0x2] =	wrdreg s24  }
0xb5: {  	[dreg:$0x3] =	wrdreg s16  }
0xb6: {  	[dreg:$0x4] =	wrdreg s17  }
0xb7: {  	[dreg:$0x5] =	wrdreg s18  }
0xb8: {  	[dreg:$0x6] =	wrdreg $0xA0000  }
0xb9: {  	[dreg:$0x7] =	wrdreg $0x9  }
0xba: {  	_ =	task.clear_ibuf [dreg:s9], $0x8FFFF;
	_ =	strace $0x90000049  }
0xbb: {  	s29 =	simm.s32 $0x9;
	_ =	strace $0x8000004B  }
0xbc: {  	_ =	swait.ge [sflag:s29], $0x1  }
0xbd: {  	[sflag:s29] =	ssyncadd.s32 $0xFFFFFFFF  }
0xbe: {  	_ =	strace $0x9000004B  }
0xbf: {  	_ =	sfence  }
0xc0: {  	s30 =	sld [smem:$0x0];
	_ =	sdelay $0x2  }
0xc1: {  	s31 =	sshll.u32 s1, $0xD;
	s1 =	sshrl.u32 s1, $0x2  }
0xc2: {  	s3 =	sand.u32 $0x4000, s31;
	s1 =	sadd.s32 s1, s30  }
0xc3: {  	s0 =	sor.u32 s3, s0;
	s1 =	sshll.u32 s1, $0x11  }
0xc4: {  	s0 =	sor.u32 s1, s0  }
0xc5: {  	s0 =	sadd.s32 $0x8F2B, s0  }
0xc6: {  	[sflag:s0] =	ssyncadd.remote.s32 $0x1  }
0xc7: {  	_ =	sfence.sel $0xFFFF  }
0xc8: {  	[dreg:$0x0] =	wrdreg $0xFFFFFFFF;
	(pc) =	sbr.abs _section_cstart, $3  }
0xc9: {  	[dreg:$0x1] =	wrdreg $0xFFFFFFFF  }
0xca: {  	_ =	task.clear_ibuf [dreg:s9], $0x2FFFF;
	_ =	strace $0x9FFFFFFF  }
0xcb: {  	(tm) =	ssettm $0x7FFFFFFF  }
tec
execute0_lowered:
.L_overlay_start_1:
0x0: {  	(tag) =	ssettag $0x1  }
0x1: {  	s0 =	rddreg [dreg:$0x0]  }
0x2: {  	s2 =	rddreg [dreg:$0x1]  }
0x3: {  	s3 =	rddreg [dreg:$0x2]  }
0x4: {  	s4 =	srdreg.scid;
	s18 =	stileid.u32  }
0x5: {  	s1 =	simm.s32 $0x0;
	s4 =	sand.u32 $0x1, s4;
	s6 =	smul.u32 $0x280, s18  }
0x6: {  	[smem:$0x7FF] =	sst s1;
	s7 =	sadd.s32 $0x99E00, s0;
	s26 =	smul.u32 $0x1400, s18  }
0x7: {  	s28 =	smul.u32 $0x50000, s18;
	s18 =	sadd.s32 $0x71E00, s0;
	s5 =	ssub.s32 $0x2, s4  }
0x8: {  	s9 =	smul.u32 $0x2800, s4;
	p0 =	seq.s32 s4, $0x1;
	s8 =	sshrl.u32 s5, $0x1  }
0x9: {  	s4 =	sor.u32 $0x40, s6;
	s11 =	sadd.s32 $0x80, s6;
	s14 =	sadd.s32 $0x140, s6  }
0xa: {  	s22 =	sadd.s32 $0x180, s6;
	s2 =	sadd.s32 s26, s2;
	s29 =	sadd.s32 s26, s3  }
0xb: {  	s30 =	sadd.s32 s26, s0;
	s31 =	sshrl.u32 s28, $0x2;
	s5 =	ssub.s32 s5, s8  }
0xc: {  	s15 =	sadd.s32 s9, s6;
	s10 =	sadd.s32 s9, s4;
	s12 =	sadd.s32 s9, s11  }
0xd: {  	s23 =	sadd.s32 s9, s22;
	s4 =	sshll.u32 s4, $0x7;
	s22 =	sshll.u32 s22, $0x7  }
0xe: {  	s8 =	sshll.u32 s15, $0x4;
	s10 =	sshll.u32 s10, $0x4;
	s17 =	sshll.u32 s12, $0x4  }
0xf: {  	s15 =	sadd.s32 s9, s14;
	s3 =	smax.u32 s5, $0x1;
	s5 =	sshll.u32 s11, $0x7  }
0x10: {  	s8 =	sadd.s32 s7, s8;
	s16 =	sadd.s32 s7, s10;
	s10 =	sadd.s32 $0x100, s6  }
0x11: {  	s21 =	sshll.u32 s15, $0x4;
	s15 =	sadd.s32 $0x1C0, s6;
	[dreg:$0x6] =	wrdreg s8  }
0x12: {  	[dreg:$0x7] =	wrdreg s16;
	s8 =	sadd.s32 s7, s17;
	s13 =	sadd.s32 s9, s10  }
0x13: {  	s16 =	sadd.s32 s9, s15;
	s11 =	sshll.u32 s10, $0x7;
	s10 =	simm.s32 $0x1000  }
0x14: {  	[dreg:$0x8] =	wrdreg s8;
	s8 =	sadd.s32 $0xC0, s6;
	s13 =	sshll.u32 s13, $0x4  }
0x15: {  	s16 =	sshll.u32 s16, $0x4;
	s19 =	sadd.s32 s9, s8;
	s20 =	sadd.s32 s7, s13  }
0x16: {  	s13 =	sshll.u32 s23, $0x4;
	s24 =	sadd.s32 s7, s16;
	s16 =	sshll.u32 s14, $0x7  }
0x17: {  	s12 =	sshll.u32 s19, $0x4;
	[dreg:$0xa] =	wrdreg s20;
	s20 =	sadd.s32 $0x200, s6  }
0x18: {  	s13 =	sadd.s32 s7, s13;
	[dreg:$0xd] =	wrdreg s24;
	s6 =	sadd.s32 $0x240, s6  }
0x19: {  	s12 =	sadd.s32 s7, s12;
	s17 =	sadd.s32 s9, s20;
	[dreg:$0xc] =	wrdreg s13  }
0x1a: {  	[dreg:$0x9] =	wrdreg s12;
	s12 =	sadd.s32 s7, s21;
	s25 =	sshll.u32 s17, $0x4  }
0x1b: {  	s9 =	sadd.s32 s9, s6;
	[dreg:$0xb] =	wrdreg s12;
	s13 =	sadd.s32 s7, s25  }
0x1c: {  	s23 =	sshll.u32 s15, $0x7;
	s9 =	sshll.u32 s9, $0x4;
	[dreg:$0xe] =	wrdreg s13  }
0x1d: {  	s14 =	simm.s32 $0x5;
	s7 =	sadd.s32 s7, s9;
	s13 =	rddreg [dreg:$0x4]  }
0x1e: {  	s15 =	simm.s32 $0x40;
	s24 =	sshll.u32 s20, $0x7;
	[dreg:$0xf] =	wrdreg s7  }
0x1f: {  	s26 =	sshll.u32 s6, $0x7;
	_ =	strace $0x8000004A;
	[dreg:$0x10] =	wrdreg s2  }
0x20: {  	s20 =	simm.s32 $0x6000;
	s17 =	sadd.s32 $0x21E00, s0;
	[dreg:$0x11] =	wrdreg s29  }
0x21: {  	s9 =	sshll.u32 s8, $0x7;
	[dreg:$0x12] =	wrdreg s3;
	s0 =	sadd.s32 s4, s13  }
0x22: {  	s8 =	simm.s32 $0x2000;
	s7 =	sadd.s32 s5, s13;
	[dreg:$0x13] =	wrdreg s0  }
0x23: {  	s19 =	sadd.s32 s31, s13;
	s21 =	sadd.s32 s16, s13;
	[dreg:$0x14] =	wrdreg s7  }
0x24: {  	s25 =	sadd.s32 s24, s13;
	s16 =	simm.s32 $0x4000;
	[dreg:$0x17] =	wrdreg s21  }
0x25: {  	s24 =	simm.s32 $0x3;
	s0 =	sadd.s32 s9, s13;
	[dreg:$0x1a] =	wrdreg s25  }
0x26: {  	s28 =	sadd.s32 $0x2000, s19;
	s29 =	sadd.s32 $0x4000, s19;
	s31 =	sadd.s32 $0x8000, s19  }
0x27: {  	s3 =	sadd.s32 $0xA000, s19;
	s4 =	sadd.s32 $0xC000, s19;
	[dreg:$0x15] =	wrdreg s0  }
0x28: {  	s5 =	sadd.s32 $0xE000, s19;
	s6 =	sadd.s32 $0x10000, s19;
	[dreg:$0x1c] =	wrdreg s28  }
0x29: {  	s7 =	sadd.s32 $0x12000, s19;
	s9 =	simm.s32 $0x6;
	[dreg:$0x1d] =	wrdreg s29  }
0x2a: {  	s21 =	simm.s32 $0x8000;
	s0 =	sadd.s32 s11, s13;
	[dreg:$0x1f] =	wrdreg s31  }
.Ltmp0:
0x2b: {  	[dreg:$0x16] =	wrdreg s0;
	s0 =	sadd.s32 s22, s13;
	(pc) =	sbr.rel .LBB2_1-.Ltmp0, $4  }
0x2c: {  	s25 =	simm.s32 $0x4;
	[dreg:$0x18] =	wrdreg s0;
	s0 =	sadd.s32 s23, s13  }
0x2d: {  	s22 =	simm.s32 $0x1;
	[dreg:$0x19] =	wrdreg s0;
	s0 =	sadd.s32 s26, s13  }
0x2e: {  	[dreg:$0x1b] =	wrdreg s0;
	s0 =	sadd.s32 $0xDE00, s30;
	s30 =	sadd.s32 $0x6000, s19  }
0x2f: {  	s23 =	simm.s32 $0x2;
	s26 =	simm.s32 $0x0;
	[dreg:$0x1e] =	wrdreg s30  }
.LBB2_14:
0x30: {  	_ =	swait.ge [sflag:s22], $0x2000  }
0x31: {  	[sflag:s22] =	ssyncset.done $0x0  }
0x32: {  	[sflag:s22] =	ssyncadd.s32 $0xFFFFE000  }
0x33: {  	_ =	swait.ge [sflag:s23], $0x2000  }
0x34: {  	[sflag:s23] =	ssyncset.done $0x0  }
0x35: {  	[sflag:s23] =	ssyncadd.s32 $0xFFFFE000  }
0x36: {  	_ =	swait.ge [sflag:s24], $0x2000  }
0x37: {  	[sflag:s24] =	ssyncset.done $0x0  }
0x38: {  	[sflag:s24] =	ssyncadd.s32 $0xFFFFE000  }
0x39: {  	_ =	swait.ge [sflag:s25], $0x2000  }
0x3a: {  	[sflag:s25] =	ssyncset.done $0x0  }
0x3b: {  	[sflag:s25] =	ssyncadd.s32 $0xFFFFE000  }
0x3c: {  	[bflag:$0x0] =	sbarrier.arrive $0xFFFF  }
0x3d: {  	[tilespmem:s8], [sflag:$0x6] =	stream.linear.gather [spmem:s19], $0x2000, $0x38;
	[tilespmem:$0x1E000] =	vst v63  }
0x3e: {  	_ =	swait.ge [sflag:s9], $0x2000  }
0x3f: {  	[sflag:s9] =	ssyncset.done $0x0  }
0x40: {  	s2 =	rddreg [dreg:$0x6];
	[sflag:s9] =	ssyncadd.s32 $0xFFFFE000  }
0x41: {  	[hbm4b:s2+s1] =	stream.linear.scatter [tilespmem:s8], [sflag:$0x6], $0x2000, $0x38;
	[tilespmem:$0x1E000] =	vst v63  }
0x42: {  	_ =	swait.ge [sflag:s9], $0x2000  }
0x43: {  	[sflag:s9] =	ssyncset.done $0x0  }
0x44: {  	s31 =	rddreg [dreg:$0x13];
	[sflag:s9] =	ssyncadd.s32 $0xFFFFE000  }
0x45: {  	[tilespmem:s8], [sflag:$0x6] =	stream.linear.gather [spmem:s31], $0x2000, $0x38;
	[tilespmem:$0x1E000] =	vst v63  }
0x46: {  	_ =	swait.ge [sflag:s9], $0x2000  }
0x47: {  	[sflag:s9] =	ssyncset.done $0x0  }
0x48: {  	s11 =	rddreg [dreg:$0x7];
	[sflag:s9] =	ssyncadd.s32 $0xFFFFE000  }
0x49: {  	[hbm4b:s11+s1] =	stream.linear.scatter [tilespmem:s8], [sflag:$0x6], $0x2000, $0x38;
	[tilespmem:$0x1E000] =	vst v63  }
0x4a: {  	_ =	swait.ge [sflag:s9], $0x2000  }
0x4b: {  	[sflag:s9] =	ssyncset.done $0x0  }
0x4c: {  	s12 =	rddreg [dreg:$0x14];
	[sflag:s9] =	ssyncadd.s32 $0xFFFFE000  }
0x4d: {  	[tilespmem:s8], [sflag:$0x6] =	stream.linear.gather [spmem:s12], $0x2000, $0x38;
	[tilespmem:$0x1E000] =	vst v63  }
0x4e: {  	_ =	swait.ge [sflag:s9], $0x2000  }
0x4f: {  	[sflag:s9] =	ssyncset.done $0x0  }
0x50: {  	s28 =	rddreg [dreg:$0x8];
	[sflag:s9] =	ssyncadd.s32 $0xFFFFE000  }
0x51: {  	[hbm4b:s28+s1] =	stream.linear.scatter [tilespmem:s8], [sflag:$0x6], $0x2000, $0x38;
	[tilespmem:$0x1E000] =	vst v63  }
0x52: {  	_ =	swait.ge [sflag:s9], $0x2000  }
0x53: {  	[sflag:s9] =	ssyncset.done $0x0  }
0x54: {  	s29 =	rddreg [dreg:$0x15];
	[sflag:s9] =	ssyncadd.s32 $0xFFFFE000  }
0x55: {  	[tilespmem:s8], [sflag:$0x6] =	stream.linear.gather [spmem:s29], $0x2000, $0x38;
	[tilespmem:$0x1E000] =	vst v63  }
0x56: {  	_ =	swait.ge [sflag:s9], $0x2000  }
0x57: {  	[sflag:s9] =	ssyncset.done $0x0  }
0x58: {  	s30 =	rddreg [dreg:$0x9];
	[sflag:s9] =	ssyncadd.s32 $0xFFFFE000  }
0x59: {  	[hbm4b:s30+s1] =	stream.linear.scatter [tilespmem:s8], [sflag:$0x6], $0x2000, $0x38;
	[tilespmem:$0x1E000] =	vst v63  }
0x5a: {  	_ =	swait.ge [sflag:s9], $0x2000  }
0x5b: {  	[sflag:s9] =	ssyncset.done $0x0  }
0x5c: {  	s31 =	rddreg [dreg:$0x16];
	[sflag:s9] =	ssyncadd.s32 $0xFFFFE000  }
0x5d: {  	[tilespmem:s8], [sflag:$0x6] =	stream.linear.gather [spmem:s31], $0x2000, $0x38;
	[tilespmem:$0x1E000] =	vst v63  }
0x5e: {  	_ =	swait.ge [sflag:s9], $0x2000  }
0x5f: {  	[sflag:s9] =	ssyncset.done $0x0  }
0x60: {  	s11 =	rddreg [dreg:$0xa];
	[sflag:s9] =	ssyncadd.s32 $0xFFFFE000  }
0x61: {  	[hbm4b:s11+s1] =	stream.linear.scatter [tilespmem:s8], [sflag:$0x6], $0x2000, $0x38;
	[tilespmem:$0x1E000] =	vst v63  }
0x62: {  	_ =	swait.ge [sflag:s9], $0x2000  }
0x63: {  	[sflag:s9] =	ssyncset.done $0x0  }
0x64: {  	s12 =	rddreg [dreg:$0x17];
	[sflag:s9] =	ssyncadd.s32 $0xFFFFE000  }
0x65: {  	[tilespmem:s8], [sflag:$0x6] =	stream.linear.gather [spmem:s12], $0x2000, $0x38;
	[tilespmem:$0x1E000] =	vst v63  }
0x66: {  	_ =	swait.ge [sflag:s9], $0x2000  }
0x67: {  	[sflag:s9] =	ssyncset.done $0x0  }
0x68: {  	s28 =	rddreg [dreg:$0xb];
	[sflag:s9] =	ssyncadd.s32 $0xFFFFE000  }
0x69: {  	[hbm4b:s28+s1] =	stream.linear.scatter [tilespmem:s8], [sflag:$0x6], $0x2000, $0x38;
	[tilespmem:$0x1E000] =	vst v63  }
0x6a: {  	_ =	swait.ge [sflag:s9], $0x2000  }
0x6b: {  	[sflag:s9] =	ssyncset.done $0x0  }
0x6c: {  	s29 =	rddreg [dreg:$0x18];
	[sflag:s9] =	ssyncadd.s32 $0xFFFFE000  }
0x6d: {  	[tilespmem:s8], [sflag:$0x6] =	stream.linear.gather [spmem:s29], $0x2000, $0x38;
	[tilespmem:$0x1E000] =	vst v63  }
0x6e: {  	_ =	swait.ge [sflag:s9], $0x2000  }
0x6f: {  	[sflag:s9] =	ssyncset.done $0x0  }
0x70: {  	s30 =	rddreg [dreg:$0xc];
	[sflag:s9] =	ssyncadd.s32 $0xFFFFE000  }
0x71: {  	[hbm4b:s30+s1] =	stream.linear.scatter [tilespmem:s8], [sflag:$0x6], $0x2000, $0x38;
	[tilespmem:$0x1E000] =	vst v63  }
0x72: {  	_ =	swait.ge [sflag:s9], $0x2000  }
0x73: {  	[sflag:s9] =	ssyncset.done $0x0  }
0x74: {  	s31 =	rddreg [dreg:$0x19];
	[sflag:s9] =	ssyncadd.s32 $0xFFFFE000  }
0x75: {  	[tilespmem:s8], [sflag:$0x6] =	stream.linear.gather [spmem:s31], $0x2000, $0x38;
	[tilespmem:$0x1E000] =	vst v63  }
0x76: {  	_ =	swait.ge [sflag:s9], $0x2000  }
0x77: {  	[sflag:s9] =	ssyncset.done $0x0  }
0x78: {  	s11 =	rddreg [dreg:$0xd];
	[sflag:s9] =	ssyncadd.s32 $0xFFFFE000  }
0x79: {  	[hbm4b:s11+s1] =	stream.linear.scatter [tilespmem:s8], [sflag:$0x6], $0x2000, $0x38;
	[tilespmem:$0x1E000] =	vst v63  }
0x7a: {  	_ =	swait.ge [sflag:s9], $0x2000  }
0x7b: {  	[sflag:s9] =	ssyncset.done $0x0  }
0x7c: {  	s12 =	rddreg [dreg:$0x1a];
	[sflag:s9] =	ssyncadd.s32 $0xFFFFE000  }
0x7d: {  	[tilespmem:s8], [sflag:$0x6] =	stream.linear.gather [spmem:s12], $0x2000, $0x38;
	[tilespmem:$0x1E000] =	vst v63  }
0x7e: {  	_ =	swait.ge [sflag:s9], $0x2000  }
0x7f: {  	[sflag:s9] =	ssyncset.done $0x0  }
0x80: {  	s28 =	rddreg [dreg:$0xe];
	[sflag:s9] =	ssyncadd.s32 $0xFFFFE000  }
0x81: {  	[hbm4b:s28+s1] =	stream.linear.scatter [tilespmem:s8], [sflag:$0x6], $0x2000, $0x38;
	[tilespmem:$0x1E000] =	vst v63  }
0x82: {  	_ =	swait.ge [sflag:s9], $0x2000  }
0x83: {  	[sflag:s9] =	ssyncset.done $0x0  }
0x84: {  	s29 =	rddreg [dreg:$0x1b];
	[sflag:s9] =	ssyncadd.s32 $0xFFFFE000  }
0x85: {  	[tilespmem:s8], [sflag:$0x6] =	stream.linear.gather [spmem:s29], $0x2000, $0x38;
	[tilespmem:$0x1E000] =	vst v63  }
0x86: {  	_ =	swait.ge [sflag:s9], $0x2000  }
0x87: {  	[sflag:s9] =	ssyncset.done $0x0  }
0x88: {  	s30 =	rddreg [dreg:$0xf];
	[sflag:s9] =	ssyncadd.s32 $0xFFFFE000  }
0x89: {  	[hbm4b:s30+s1] =	stream.linear.scatter [tilespmem:s8], [sflag:$0x6], $0x2000, $0x38;
	[tilespmem:$0x1E000] =	vst v63  }
0x8a: {  	_ =	swait.ge [sflag:s9], $0x2000  }
0x8b: {  	s26 =	sadd.s32 $0x1, s26;
	s31 =	rddreg [dreg:$0x12]  }
0x8c: {  	p1 =	sne.s32 s26, s31  }
.Ltmp1:
0x8d: {  	_ = 	snop;
	(pc) =	sbr.rel @!p1 .LBB2_15-.Ltmp1, $3  }
0x8e: {  	_ =	sdelay $0x1  }
0x8f: {  	[sflag:s9] =	ssyncset.done $0x0  }
0x90: {  	[sflag:s9] =	ssyncadd.s32 $0xFFFFE000  }
.LBB2_1:
0x91: {  	s2 =	rddreg [dreg:$0x3]  }
0x92: {  	[tilespmem:s8], [sflag:$0x6] =	stream.linear.gather [hbm4b:s2+s1], $0x2000, $0x38;
	[tilespmem:$0x1E000] =	vst v63  }
0x93: {  	_ =	swait.ge [sflag:s9], $0x2000  }
0x94: {  	[sflag:s9] =	ssyncset.done $0x0  }
0x95: {  	[sflag:s9] =	ssyncadd.s32 $0xFFFFE000  }
0x96: {  	[spmem:s19] =	stream.linear.scatter [tilespmem:s8], [sflag:$0x6], $0x2000, $0x38;
	[tilespmem:$0x1E000] =	vst v63  }
0x97: {  	_ =	swait.ge [sflag:s9], $0x2000  }
0x98: {  	[sflag:s9] =	ssyncset.done $0x0  }
0x99: {  	s11 =	rddreg [dreg:$0x1c];
	[sflag:s9] =	ssyncadd.s32 $0xFFFFE000  }
0x9a: {  	[spmem:s11] =	stream.linear.scatter [tilespmem:s8], [sflag:$0x6], $0x2000, $0x38;
	[tilespmem:$0x1E000] =	vst v63  }
0x9b: {  	_ =	swait.ge [sflag:s9], $0x2000  }
0x9c: {  	[sflag:s9] =	ssyncset.done $0x0  }
0x9d: {  	s12 =	rddreg [dreg:$0x1d];
	[sflag:s9] =	ssyncadd.s32 $0xFFFFE000  }
0x9e: {  	[spmem:s12] =	stream.linear.scatter [tilespmem:s8], [sflag:$0x6], $0x2000, $0x38;
	[tilespmem:$0x1E000] =	vst v63  }
0x9f: {  	_ =	swait.ge [sflag:s9], $0x2000  }
0xa0: {  	[sflag:s9] =	ssyncset.done $0x0  }
0xa1: {  	s11 =	rddreg [dreg:$0x1e];
	[sflag:s9] =	ssyncadd.s32 $0xFFFFE000  }
0xa2: {  	[spmem:s11] =	stream.linear.scatter [tilespmem:s8], [sflag:$0x6], $0x2000, $0x38;
	[tilespmem:$0x1E000] =	vst v63  }
0xa3: {  	_ =	swait.ge [sflag:s9], $0x2000  }
0xa4: {  	[sflag:s9] =	ssyncset.done $0x0  }
0xa5: {  	s12 =	rddreg [dreg:$0x1f];
	[sflag:s9] =	ssyncadd.s32 $0xFFFFE000  }
0xa6: {  	[spmem:s12] =	stream.linear.scatter [tilespmem:s8], [sflag:$0x6], $0x2000, $0x38;
	[tilespmem:$0x1E000] =	vst v63  }
0xa7: {  	_ =	swait.ge [sflag:s9], $0x2000  }
0xa8: {  	[sflag:s9] =	ssyncset.done $0x0  }
0xa9: {  	[sflag:s9] =	ssyncadd.s32 $0xFFFFE000  }
0xaa: {  	[spmem:s3] =	stream.linear.scatter [tilespmem:s8], [sflag:$0x6], $0x2000, $0x38;
	[tilespmem:$0x1E000] =	vst v63  }
0xab: {  	_ =	swait.ge [sflag:s9], $0x2000  }
0xac: {  	[sflag:s9] =	ssyncset.done $0x0  }
0xad: {  	[sflag:s9] =	ssyncadd.s32 $0xFFFFE000  }
0xae: {  	[spmem:s4] =	stream.linear.scatter [tilespmem:s8], [sflag:$0x6], $0x2000, $0x38;
	[tilespmem:$0x1E000] =	vst v63  }
0xaf: {  	_ =	swait.ge [sflag:s9], $0x2000  }
0xb0: {  	[sflag:s9] =	ssyncset.done $0x0  }
0xb1: {  	[sflag:s9] =	ssyncadd.s32 $0xFFFFE000  }
0xb2: {  	[spmem:s5] =	stream.linear.scatter [tilespmem:s8], [sflag:$0x6], $0x2000, $0x38;
	[tilespmem:$0x1E000] =	vst v63  }
0xb3: {  	_ =	swait.ge [sflag:s9], $0x2000  }
0xb4: {  	[sflag:s9] =	ssyncset.done $0x0  }
0xb5: {  	[sflag:s9] =	ssyncadd.s32 $0xFFFFE000  }
0xb6: {  	[spmem:s6] =	stream.linear.scatter [tilespmem:s8], [sflag:$0x6], $0x2000, $0x38;
	[tilespmem:$0x1E000] =	vst v63  }
0xb7: {  	_ =	swait.ge [sflag:s9], $0x2000  }
0xb8: {  	[sflag:s9] =	ssyncset.done $0x0  }
0xb9: {  	[sflag:s9] =	ssyncadd.s32 $0xFFFFE000  }
0xba: {  	[spmem:s7] =	stream.linear.scatter [tilespmem:s8], [sflag:$0x6], $0x2000, $0x38;
	[tilespmem:$0x1E000] =	vst v63  }
0xbb: {  	_ =	swait.ge [sflag:s9], $0x2000  }
.Ltmp2:
0xbc: {  	[sflag:s9] =	ssyncset.done $0x0;
	(pc) =	sbr.rel @p0 .LBB2_8-.Ltmp2, $4  }
.Ltmp3:
0xbd: {  	[sflag:s9] =	ssyncadd.s32 $0xFFFFE000;
	(pc) =	sbr.rel @!p0 .LBB2_2-.Ltmp3, $4  }
0xbe: {  	[bflag:$0x0] =	sbarrier.arrive $0xFFFF  }
0xbf: {  	s31 =	smov.u32 s0;
	s30 =	simm.s32 $0x0;
	s28 =	rddreg [dreg:$0x10]  }
0xc0: {  	s29 =	smov.u32 s0;
	s12 =	simm.s32 $0x0;
	s11 =	rddreg [dreg:$0x11]  }
0xc1: {  	_ = 	snop  }
.LBB2_9:
0xc2: {  	s28 =	sshll.u32 s28, $0x9  }
.LBB2_10:
0xc3: {  	_ =	swait.ge [sflag:s22], $0x2000  }
0xc4: {  	[sflag:s22] =	ssyncset.done $0x0  }
0xc5: {  	[sflag:s22] =	ssyncadd.s32 $0xFFFFE000  }
0xc6: {  	[tilespmem:s8], [sflag:$0x1] =	stream.indirect.gather [hbm4b:s18+s15], $0x80, s28, s15, $0xb8;
	[tilespmem:$0x1E000] =	vst v63  }
0xc7: {  	_ =	swait.ge [sflag:s23], $0x2000  }
0xc8: {  	[sflag:s23] =	ssyncset.done $0x0  }
0xc9: {  	s30 =	sor.u32 $0x80, s28;
	[sflag:s23] =	ssyncadd.s32 $0xFFFFE000  }
0xca: {  	[tilespmem:s16], [sflag:$0x2] =	stream.indirect.gather [hbm4b:s18+s15], $0x80, s30, s15, $0xb8;
	[tilespmem:$0x1E000] =	vst v63  }
0xcb: {  	_ =	swait.ge [sflag:s24], $0x2000  }
0xcc: {  	[sflag:s24] =	ssyncset.done $0x0  }
0xcd: {  	s31 =	sor.u32 $0x100, s28;
	[sflag:s24] =	ssyncadd.s32 $0xFFFFE000  }
0xce: {  	[tilespmem:s20], [sflag:$0x3] =	stream.indirect.gather [hbm4b:s18+s15], $0x80, s31, s15, $0xb8;
	[tilespmem:$0x1E000] =	vst v63  }
0xcf: {  	_ =	swait.ge [sflag:s25], $0x2000  }
0xd0: {  	[sflag:s25] =	ssyncset.done $0x0  }
0xd1: {  	[sflag:s25] =	ssyncadd.s32 $0xFFFFE000  }
.LBB2_13:
0xd2: {  	s2 =	sor.u32 $0x180, s28  }
0xd3: {  	[tilespmem:s21], [sflag:$0x4] =	stream.indirect.gather [hbm4b:s18+s15], $0x80, s2, s15, $0xb8;
	[tilespmem:$0x1E000] =	vst v63  }
0xd4: {  	_ =	swait.ge [sflag:s22], $0x2000  }
0xd5: {  	[sflag:s22] =	ssyncset.done $0x0  }
0xd6: {  	s2 =	sor.u32 $0x1000, s28;
	[sflag:s22] =	ssyncadd.s32 $0xFFFFE000  }
0xd7: {  	[spmem:s13] =	stream.indirect.scatter.add.f32 [tilespmem:s8], [sflag:$0x1], $0x80, s2, s15, $0xb8;
	[tilespmem:$0x1E000] =	vst v63  }
0xd8: {  	_ =	swait.ge [sflag:s23], $0x2000  }
0xd9: {  	[sflag:s23] =	ssyncset.done $0x0  }
0xda: {  	s30 =	sor.u32 $0x1000, s30;
	[sflag:s23] =	ssyncadd.s32 $0xFFFFE000  }
0xdb: {  	[spmem:s13] =	stream.indirect.scatter.add.f32 [tilespmem:s16], [sflag:$0x2], $0x80, s30, s15, $0xb8;
	[tilespmem:$0x1E000] =	vst v63  }
0xdc: {  	_ =	swait.ge [sflag:s24], $0x2000  }
0xdd: {  	s12 =	sadd.s32 $0x1, s12;
	[sflag:s24] =	ssyncset.done $0x0  }
0xde: {  	p1 =	sne.s32 s12, $0x50;
	s30 =	sor.u32 $0x1000, s31;
	[sflag:s24] =	ssyncadd.s32 $0xFFFFE000  }
0xdf: {  	[spmem:s13] =	stream.indirect.scatter.add.f32 [tilespmem:s20], [sflag:$0x3], $0x80, s30, s15, $0xb8;
	[tilespmem:$0x1E000] =	vst v63  }
.Ltmp4:
0xe0: {  	_ = 	snop;
	(pc) =	sbr.rel @!p1 .LBB2_14-.Ltmp4, $4  }
0xe1: {  	_ =	swait.ge [sflag:s25], $0x2000  }
0xe2: {  	s29 =	sadd.s32 $0x40, s29;
	[sflag:s25] =	ssyncset.done $0x0  }
0xe3: {  	s11 =	sadd.s32 $0x40, s11;
	s31 =	sor.u32 $0x1180, s28;
	[sflag:s25] =	ssyncadd.s32 $0xFFFFE000  }
0xe4: {  	[spmem:s13] =	stream.indirect.scatter.add.f32 [tilespmem:s21], [sflag:$0x4], $0x80, s31, s15, $0xb8;
	[tilespmem:$0x1E000] =	vst v63  }
.LBB2_8:
0xe5: {  	s28 =	sand.u32 $0x7, s12  }
0xe6: {  	p1 =	seq.s32 s28, $0x0  }
.Ltmp5:
0xe7: {  	_ = 	snop;
	(pc) =	sbr.rel @!p1 .LBB2_9-.Ltmp5, $1  }
0xe8: {  	_ =	sdelay $0x3  }
0xe9: {  	s28 =	simm.s32 $0x0  }
0xea: {  	[tilespmem:s28], [sflag:$0x5] =	stream.linear.gather [hbm4b:s11+s28], $0x1000, $0x38;
	[tilespmem:$0x1E000] =	vst v63  }
0xeb: {  	_ = 	snop  }
0xec: {  	[tilespmem:s10], [sflag:$0x5] =	stream.linear.gather [hbm4b:s29+s28], $0x1000, $0x38;
	[tilespmem:$0x1E000] =	vst v63  }
0xed: {  	p1 =	sne.s32 s12, $0x0;
	_ =	swait.ge [sflag:s14], $0x1000  }
.Ltmp6:
0xee: {  	[sflag:s14] =	ssyncset.done $0x0;
	(pc) =	sbr.rel @p1 .LBB2_10-.Ltmp6, $4  }
0xef: {  	[sflag:s14] =	ssyncadd.s32 $0xFFFFF000  }
0xf0: {  	_ =	swait.ge [sflag:s14], $0x1000  }
0xf1: {  	[sflag:s14] =	ssyncset.done $0x0  }
0xf2: {  	[sflag:s14] =	ssyncadd.s32 $0xFFFFF000  }
0xf3: {  	s28 =	simm.s32 $0x0  }
0xf4: {  	[tilespmem:s8], [sflag:$0x1] =	stream.indirect.gather [hbm4b:s18+s15], $0x80, s28, s15, $0xb8;
	[tilespmem:$0x1E000] =	vst v63  }
.Ltmp7:
0xf5: {  	_ = 	snop;
	(pc) =	sbr.rel .LBB2_13-.Ltmp7, $4  }
0xf6: {  	s30 =	simm.s32 $0x80  }
0xf7: {  	[tilespmem:s16], [sflag:$0x2] =	stream.indirect.gather [hbm4b:s18+s15], $0x80, s30, s15, $0xb8;
	[tilespmem:$0x1E000] =	vst v63  }
0xf8: {  	s31 =	simm.s32 $0x100  }
0xf9: {  	[tilespmem:s20], [sflag:$0x3] =	stream.indirect.gather [hbm4b:s18+s15], $0x80, s31, s15, $0xb8;
	[tilespmem:$0x1E000] =	vst v63  }
.LBB2_3:
0xfa: {  	s11 =	sshll.u32 s11, $0x9  }
.LBB2_4:
0xfb: {  	_ =	swait.ge [sflag:s22], $0x2000  }
0xfc: {  	[sflag:s22] =	ssyncset.done $0x0  }
0xfd: {  	[sflag:s22] =	ssyncadd.s32 $0xFFFFE000  }
0xfe: {  	[tilespmem:s8], [sflag:$0x1] =	stream.indirect.gather [hbm4b:s17+s15], $0x80, s11, s15, $0xb8;
	[tilespmem:$0x1E000] =	vst v63  }
0xff: {  	_ =	swait.ge [sflag:s23], $0x2000  }
0x100: {  	[sflag:s23] =	ssyncset.done $0x0  }
0x101: {  	s12 =	sor.u32 $0x80, s11;
	[sflag:s23] =	ssyncadd.s32 $0xFFFFE000  }
0x102: {  	[tilespmem:s16], [sflag:$0x2] =	stream.indirect.gather [hbm4b:s17+s15], $0x80, s12, s15, $0xb8;
	[tilespmem:$0x1E000] =	vst v63  }
0x103: {  	_ =	swait.ge [sflag:s24], $0x2000  }
0x104: {  	[sflag:s24] =	ssyncset.done $0x0  }
0x105: {  	s29 =	sor.u32 $0x100, s11;
	[sflag:s24] =	ssyncadd.s32 $0xFFFFE000  }
0x106: {  	[tilespmem:s20], [sflag:$0x3] =	stream.indirect.gather [hbm4b:s17+s15], $0x80, s29, s15, $0xb8;
	[tilespmem:$0x1E000] =	vst v63  }
0x107: {  	_ =	swait.ge [sflag:s25], $0x2000  }
0x108: {  	[sflag:s25] =	ssyncset.done $0x0  }
0x109: {  	[sflag:s25] =	ssyncadd.s32 $0xFFFFE000  }
.LBB2_7:
0x10a: {  	s2 =	sor.u32 $0x180, s11  }
0x10b: {  	[tilespmem:s21], [sflag:$0x4] =	stream.indirect.gather [hbm4b:s17+s15], $0x80, s2, s15, $0xb8;
	[tilespmem:$0x1E000] =	vst v63  }
0x10c: {  	_ =	swait.ge [sflag:s22], $0x2000  }
0x10d: {  	[sflag:s22] =	ssyncset.done $0x0  }
0x10e: {  	s2 =	sor.u32 $0x1000, s11;
	[sflag:s22] =	ssyncadd.s32 $0xFFFFE000  }
0x10f: {  	[spmem:s13] =	stream.indirect.scatter.add.f32 [tilespmem:s8], [sflag:$0x1], $0x80, s2, s15, $0xb8;
	[tilespmem:$0x1E000] =	vst v63  }
0x110: {  	_ =	swait.ge [sflag:s23], $0x2000  }
0x111: {  	[sflag:s23] =	ssyncset.done $0x0  }
0x112: {  	s12 =	sor.u32 $0x1000, s12;
	[sflag:s23] =	ssyncadd.s32 $0xFFFFE000  }
0x113: {  	[spmem:s13] =	stream.indirect.scatter.add.f32 [tilespmem:s16], [sflag:$0x2], $0x80, s12, s15, $0xb8;
	[tilespmem:$0x1E000] =	vst v63  }
0x114: {  	_ =	swait.ge [sflag:s24], $0x2000  }
0x115: {  	s30 =	sadd.s32 $0x1, s30;
	[sflag:s24] =	ssyncset.done $0x0  }
0x116: {  	p1 =	seq.s32 s30, $0x50;
	s12 =	sor.u32 $0x1000, s29;
	[sflag:s24] =	ssyncadd.s32 $0xFFFFE000  }
0x117: {  	[spmem:s13] =	stream.indirect.scatter.add.f32 [tilespmem:s20], [sflag:$0x3], $0x80, s12, s15, $0xb8;
	[tilespmem:$0x1E000] =	vst v63  }
.Ltmp8:
0x118: {  	_ = 	snop;
	(pc) =	sbr.rel @p1 .LBB2_14-.Ltmp8, $4  }
0x119: {  	_ =	swait.ge [sflag:s25], $0x2000  }
0x11a: {  	s31 =	sadd.s32 $0x40, s31;
	[sflag:s25] =	ssyncset.done $0x0  }
0x11b: {  	s28 =	sadd.s32 $0x40, s28;
	s29 =	sor.u32 $0x1180, s11;
	[sflag:s25] =	ssyncadd.s32 $0xFFFFE000  }
0x11c: {  	[spmem:s13] =	stream.indirect.scatter.add.f32 [tilespmem:s21], [sflag:$0x4], $0x80, s29, s15, $0xb8;
	[tilespmem:$0x1E000] =	vst v63  }
.LBB2_2:
0x11d: {  	s11 =	sand.u32 $0x7, s30  }
0x11e: {  	p1 =	seq.s32 s11, $0x0  }
.Ltmp9:
0x11f: {  	_ = 	snop;
	(pc) =	sbr.rel @!p1 .LBB2_3-.Ltmp9, $1  }
0x120: {  	_ =	sdelay $0x3  }
0x121: {  	s11 =	simm.s32 $0x0  }
0x122: {  	[tilespmem:s11], [sflag:$0x5] =	stream.linear.gather [hbm4b:s28+s11], $0x1000, $0x38;
	[tilespmem:$0x1E000] =	vst v63  }
0x123: {  	_ = 	snop  }
0x124: {  	[tilespmem:s10], [sflag:$0x5] =	stream.linear.gather [hbm4b:s31+s11], $0x1000, $0x38;
	[tilespmem:$0x1E000] =	vst v63  }
0x125: {  	p1 =	sne.s32 s30, $0x0;
	_ =	swait.ge [sflag:s14], $0x1000  }
.Ltmp10:
0x126: {  	[sflag:s14] =	ssyncset.done $0x0;
	(pc) =	sbr.rel @p1 .LBB2_4-.Ltmp10, $4  }
0x127: {  	[sflag:s14] =	ssyncadd.s32 $0xFFFFF000  }
0x128: {  	_ =	swait.ge [sflag:s14], $0x1000  }
0x129: {  	[sflag:s14] =	ssyncset.done $0x0  }
0x12a: {  	[sflag:s14] =	ssyncadd.s32 $0xFFFFF000  }
0x12b: {  	s11 =	simm.s32 $0x0  }
0x12c: {  	[tilespmem:s8], [sflag:$0x1] =	stream.indirect.gather [hbm4b:s17+s15], $0x80, s11, s15, $0xb8;
	[tilespmem:$0x1E000] =	vst v63  }
.Ltmp11:
0x12d: {  	_ = 	snop;
	(pc) =	sbr.rel .LBB2_7-.Ltmp11, $4  }
0x12e: {  	s12 =	simm.s32 $0x80  }
0x12f: {  	[tilespmem:s16], [sflag:$0x2] =	stream.indirect.gather [hbm4b:s17+s15], $0x80, s12, s15, $0xb8;
	[tilespmem:$0x1E000] =	vst v63  }
0x130: {  	s29 =	simm.s32 $0x100  }
0x131: {  	[tilespmem:s20], [sflag:$0x3] =	stream.indirect.gather [hbm4b:s17+s15], $0x80, s29, s15, $0xb8;
	[tilespmem:$0x1E000] =	vst v63  }
.LBB2_15:
0x132: {  	_ =	sfence.sel $0x180000  }
0x133: {  	[bflag:$0x0] =	sbarrier.arrive $0xFFFF  }
0x134: {  	_ =	strace $0x9000004A  }
0x135: {  	s0 =	stileid.u32;
	[bflag:$0x2] =	sbarrier.arrive $0xFFFF  }
0x136: {  	p0 =	sne.s32 s0, $0x0;
	s0 =	rddreg [dreg:$0x5]  }
0x137: {  	s0 =	sadd.s32 @!p0 $0x100000, s0  }
0x138: {  	[sflag:s0] =	ssyncadd.tile.s32 @!p0 $0x1;
	_ =	shalt  }
.Lfunc_end2:
_tile_overlayer_lowered:
.L_overlay_start_2:
0x139: {  	(tag) =	ssettag $0x2  }
0x13a: {  	s0 =	rddreg [dreg:$0x0];
	s2 =	stileid.u32  }
0x13b: {  	s1 =	rddreg [dreg:$0x1];
	p0 =	sne.s32 s2, $0x0  }
0x13c: {  	s3 =	rddreg [dreg:$0x2];
	[bflag:$0x3] =	sbarrier.arrive $0xFFFF;
	s2 =	simm.s32 @!p0 $0x1C06  }
0x13d: {  	[timem:s3], [sflag:s2] =	dma.local @!p0 [hbm:s0], s1  }
0x13e: {  	s0 =	simm.s32 @!p0 $0x6  }
0x13f: {  	_ =	swait.ge @!p0 [sflag:s0], s1  }
0x140: {  	s1 =	ssub.s32 @!p0 $0x0, s1;
	[sflag:s0] =	ssyncset.done @!p0 $0x0  }
0x141: {  	[sflag:s0] =	ssyncadd.s32 @!p0 s1  }
0x142: {  	[bflag:$0x3] =	sbarrier.arrive $0xFFFF  }
0x143: {  	_ =	shalt  }

</sc_bundles>
